<compile_context>
chip_gen: v7x
topology: tpu7x:2x2x1
jax: 0.10.2.dev20260603
libtpu: 0.0.44.dev20260713+nightly
codegen_flags: <defaults>
</compile_context>

<pallas_src>
import functools
import jax
import jax.numpy as jnp
from jax import lax
from jax.experimental import pallas as pl
from jax.experimental.pallas import tpu as pltpu
from jax.experimental.pallas import tpu_sc as plsc

_NUM = 1000000
_DIM = 64
_BATCH = 16384
_FIELDS = 26
_TOTAL = _BATCH * _FIELDS
_NC = 2
_NS = 16
_NW = _NC * _NS
_B_PER_W = _BATCH // _NW
_BCHUNK = 4
_CHUNK = _BCHUNK * _FIELDS
_NSTEP = _B_PER_W // _BCHUNK
_NBUF = 8
_NITER = _NSTEP // _NBUF
_FPAD = 32
_DPAD = 128

_mesh = plsc.VectorSubcoreMesh(core_axis_name="c", subcore_axis_name="s")


@functools.partial(
    pl.kernel,
    out_type=jax.ShapeDtypeStruct((_BATCH, _FPAD, _DPAD), jnp.float32),
    mesh=_mesh,
    scratch_types=[
        pltpu.VMEM((_NSTEP, _CHUNK), jnp.int32),
        pltpu.VMEM((_NBUF, _CHUNK, _DIM), jnp.float32),
    ]
    + [pltpu.SemaphoreType.DMA] * (2 * _NBUF),
    compiler_params=pltpu.CompilerParams(use_tc_tiling_on_sc=False),
)
def _sc_gather(idx_hbm, table_hbm, out_hbm, idx_v, rows_v, *sems):
    gsem = sems[:_NBUF]
    osem = sems[_NBUF:]
    wid = lax.axis_index("s") * _NC + lax.axis_index("c")
    b_base = wid * _B_PER_W

    pltpu.sync_copy(idx_hbm.at[pl.ds(wid * _NSTEP, _NSTEP)], idx_v)

    def gather(step, b):
        pltpu.async_copy(table_hbm.at[idx_v.at[step]], rows_v.at[b], gsem[b])

    def wait_gather(b):
        pltpu.make_async_copy(table_hbm.at[idx_v.at[0]], rows_v.at[b],
                              gsem[b]).wait()

    def scatter(step, b):
        for k in range(_BCHUNK):
            src = rows_v.at[b, pl.ds(k * _FIELDS, _FIELDS)]
            dst = out_hbm.at[b_base + step * _BCHUNK + k, pl.ds(0, _FIELDS),
                             pl.ds(0, _DIM)]
            pltpu.async_copy(src, dst, osem[b])

    def wait_scatter(b):
        for k in range(_BCHUNK):
            src = rows_v.at[b, pl.ds(k * _FIELDS, _FIELDS)]
            dst = out_hbm.at[b_base + k, pl.ds(0, _FIELDS), pl.ds(0, _DIM)]
            pltpu.make_async_copy(src, dst, osem[b]).wait()

    for b in range(_NBUF):
        gather(b, b)

    @pl.loop(0, _NITER)
    def _body(i):
        s0 = i * _NBUF
        for b in range(_NBUF):
            wait_gather(b)
            scatter(s0 + b, b)
        for b in range(_NBUF):
            @pl.when(s0 + b + _NBUF < _NSTEP)
            def _():
                wait_scatter(b)
                gather(s0 + b + _NBUF, b)

    for b in range(_NBUF):
        wait_scatter(b)


def kernel(idx, emb_weight):
    flat_idx = idx.astype(jnp.int32).reshape(_BATCH // _BCHUNK, _CHUNK)
    out = _sc_gather(flat_idx, emb_weight)
    return out[:, :_FIELDS, :_DIM]

# --- scband reference (transcript-rebuilt; emitter-appended) ---
"""Pipeline reference for scband-external-embedding-28776280883971 (READ-ONLY COPY).

The authoritative reference and input builder live on the scoring server;
editing this copy changes nothing except your own understanding.
"""

import jax, jax.numpy as jnp
import numpy as np

NUM = 1000000
DIM = 64
BATCH = 16384
FIELDS = 26

def setup_inputs(seed: int = 0) -> dict:
    key = jax.random.key(seed)
    k_idx, k_emb = jax.random.split(key)
    idx = jax.random.randint(k_idx, (BATCH, FIELDS), 0, NUM, dtype=jnp.int64 if jax.config.jax_enable_x64 else jnp.int32)
    emb_weight = jax.random.normal(k_emb, (NUM, DIM), dtype=jnp.float32)
    return {"idx": idx, "emb_weight": emb_weight}

def reference(idx, emb_weight):
    # Faithful to torch nn.Embedding: gather rows of the table by index.
    data = jnp.take(emb_weight, idx, axis=0)
    return data

if __name__ == "__main__":
    import jax
    _d = setup_inputs()
    print(jax.jit(kernel)(*tuple(_d.values())))

</pallas_src>

<mosaic_0001>
#map = affine_map<(d0, d1) -> (0, 0)>
#map1 = affine_map<(d0, d1) -> (0, 0, 0)>
module attributes {stable_mosaic.version = 14 : i64} {
  func.func @_sc_gather(%arg0: i32, %arg1: i32, %arg2: memref<4096x104xi32, #tpu.memory_space<hbm>>, %arg3: memref<1000000x64xf32, #tpu.memory_space<hbm>>, %arg4: memref<16384x32x128xf32, #tpu.memory_space<hbm>>, %arg5: memref<128x104xi32, #tpu.memory_space<vmem>>, %arg6: memref<8x104x64xf32, #tpu.memory_space<vmem>>, %arg7: memref<!tpu.dma_semaphore, #tpu.memory_space<semaphore_mem>>, %arg8: memref<!tpu.dma_semaphore, #tpu.memory_space<semaphore_mem>>, %arg9: memref<!tpu.dma_semaphore, #tpu.memory_space<semaphore_mem>>, %arg10: memref<!tpu.dma_semaphore, #tpu.memory_space<semaphore_mem>>, %arg11: memref<!tpu.dma_semaphore, #tpu.memory_space<semaphore_mem>>, %arg12: memref<!tpu.dma_semaphore, #tpu.memory_space<semaphore_mem>>, %arg13: memref<!tpu.dma_semaphore, #tpu.memory_space<semaphore_mem>>, %arg14: memref<!tpu.dma_semaphore, #tpu.memory_space<semaphore_mem>>, %arg15: memref<!tpu.dma_semaphore, #tpu.memory_space<semaphore_mem>>, %arg16: memref<!tpu.dma_semaphore, #tpu.memory_space<semaphore_mem>>, %arg17: memref<!tpu.dma_semaphore, #tpu.memory_space<semaphore_mem>>, %arg18: memref<!tpu.dma_semaphore, #tpu.memory_space<semaphore_mem>>, %arg19: memref<!tpu.dma_semaphore, #tpu.memory_space<semaphore_mem>>, %arg20: memref<!tpu.dma_semaphore, #tpu.memory_space<semaphore_mem>>, %arg21: memref<!tpu.dma_semaphore, #tpu.memory_space<semaphore_mem>>, %arg22: memref<!tpu.dma_semaphore, #tpu.memory_space<semaphore_mem>>) attributes {dimension_semantics = [#tpu.dimension_semantics<core_parallel>, #tpu.dimension_semantics<subcore_parallel>], iteration_bounds = array<i64: 2, 16>, scalar_prefetch = 0 : i64, scratch_operands = 18 : i64, tpu.core_type = #tpu.core_type<sc_vector_subcore>, window_params = [{transform_indices = #map}, {transform_indices = #map}, {transform_indices = #map1}]} {
    %mul3A = arith.constant 2 : i32
    %mul3A_0 = arith.muli %arg1, %mul3A : i32
    %add3A = arith.addi %mul3A_0, %arg0 : i32
    %mul3A_1 = arith.constant 512 : i32
    %mul3A_2 = arith.muli %add3A, %mul3A_1 : i32
    %mul3A_3 = arith.constant 128 : i32
    %mul3A_4 = arith.muli %add3A, %mul3A_3 : i32
    "tpu.region"() ({
      %run_scoped3A = tpu.sem_alloc : memref<!tpu.dma_semaphore, #tpu.memory_space<semaphore_mem>>
      %dma_start3A_711 = arith.constant 0 : i32
      %dma_start3A_712 = tpu.memref_slice %arg2[%mul3A_4, %dma_start3A_711] : memref<4096x104xi32, #tpu.memory_space<hbm>> -> memref<128x104xi32, #tpu.memory_space<hbm>>
      %dma_start3A_713 = arith.constant 0 : i32
      %dma_start3A_714 = tpu.memref_slice %arg2[%mul3A_4, %dma_start3A_713] : memref<4096x104xi32, #tpu.memory_space<hbm>> -> memref<128x104xi32, #tpu.memory_space<hbm>>
      tpu.enqueue_dma source(%dma_start3A_714 : memref<128x104xi32, #tpu.memory_space<hbm>>) target(%arg5 : memref<128x104xi32, #tpu.memory_space<vmem>>) target_semaphore(%run_scoped3A : memref<!tpu.dma_semaphore, #tpu.memory_space<semaphore_mem>>)
      %dma_wait3A_715 = arith.constant 0 : i32
      %dma_wait3A_716 = tpu.memref_slice %arg2[%mul3A_4, %dma_wait3A_715] : memref<4096x104xi32, #tpu.memory_space<hbm>> -> memref<128x104xi32, #tpu.memory_space<hbm>>
      %dma_wait3A_717 = arith.constant 0 : i32
      %dma_wait3A_718 = tpu.memref_slice %arg2[%mul3A_4, %dma_wait3A_717] : memref<4096x104xi32, #tpu.memory_space<hbm>> -> memref<128x104xi32, #tpu.memory_space<hbm>>
      tpu.wait_dma2 semaphore(%run_scoped3A : memref<!tpu.dma_semaphore, #tpu.memory_space<semaphore_mem>>) src(%dma_wait3A_718 : memref<128x104xi32, #tpu.memory_space<hbm>>) dst(%arg5 : memref<128x104xi32, #tpu.memory_space<vmem>>)
      tpu.yield
    }) : () -> ()
    %dma_start3A = arith.constant 0 : i32
    %dma_start3A_5 = arith.constant 0 : i32
    %dma_start3A_6 = arith.constant 0 : i32
    %dma_start3A_7 = arith.constant 0 : i32
    %dma_start3A_8 = tpu.memref_slice %arg6[%dma_start3A_5, %dma_start3A_6, %dma_start3A_7] : memref<8x104x64xf32, #tpu.memory_space<vmem>> -> memref<1x104x64xf32, #tpu.memory_space<vmem>>
    %dma_start3A_9 = tpu.memref_squeeze %dma_start3A_8 : memref<1x104x64xf32, #tpu.memory_space<vmem>> -> memref<104x64xf32, #tpu.memory_space<vmem>>
    %dma_start3A_10 = arith.constant 0 : i32
    %dma_start3A_11 = tpu.memref_slice %arg5[%dma_start3A, %dma_start3A_10] : memref<128x104xi32, #tpu.memory_space<vmem>> -> memref<1x104xi32, #tpu.memory_space<vmem>>
    %dma_start3A_12 = tpu.memref_squeeze %dma_start3A_11 : memref<1x104xi32, #tpu.memory_space<vmem>> -> memref<104xi32, #tpu.memory_space<vmem>>
    %dma_start3A_13 = arith.constant 0 : i32
    %dma_start3A_14 = arith.constant 0 : i32
    %dma_start3A_15 = tpu.memref_slice %arg3[%dma_start3A_13, %dma_start3A_14] : memref<1000000x64xf32, #tpu.memory_space<hbm>> -> memref<1000000x64xf32, #tpu.memory_space<hbm>>
    tpu.enqueue_indirect_dma source(%dma_start3A_15 : memref<1000000x64xf32, #tpu.memory_space<hbm>>) target(%dma_start3A_9 : memref<104x64xf32, #tpu.memory_space<vmem>>) offsets(%dma_start3A_12 : memref<104xi32, #tpu.memory_space<vmem>>) semaphore(%arg7 : memref<!tpu.dma_semaphore, #tpu.memory_space<semaphore_mem>>)
    %dma_start3A_16 = arith.constant 1 : i32
    %dma_start3A_17 = arith.constant 1 : i32
    %dma_start3A_18 = arith.constant 0 : i32
    %dma_start3A_19 = arith.constant 0 : i32
    %dma_start3A_20 = tpu.memref_slice %arg6[%dma_start3A_17, %dma_start3A_18, %dma_start3A_19] : memref<8x104x64xf32, #tpu.memory_space<vmem>> -> memref<1x104x64xf32, #tpu.memory_space<vmem>>
    %dma_start3A_21 = tpu.memref_squeeze %dma_start3A_20 : memref<1x104x64xf32, #tpu.memory_space<vmem>> -> memref<104x64xf32, #tpu.memory_space<vmem>>
    %dma_start3A_22 = arith.constant 0 : i32
    %dma_start3A_23 = tpu.memref_slice %arg5[%dma_start3A_16, %dma_start3A_22] : memref<128x104xi32, #tpu.memory_space<vmem>> -> memref<1x104xi32, #tpu.memory_space<vmem>>
    %dma_start3A_24 = tpu.memref_squeeze %dma_start3A_23 : memref<1x104xi32, #tpu.memory_space<vmem>> -> memref<104xi32, #tpu.memory_space<vmem>>
    %dma_start3A_25 = arith.constant 0 : i32
    %dma_start3A_26 = arith.constant 0 : i32
    %dma_start3A_27 = tpu.memref_slice %arg3[%dma_start3A_25, %dma_start3A_26] : memref<1000000x64xf32, #tpu.memory_space<hbm>> -> memref<1000000x64xf32, #tpu.memory_space<hbm>>
    tpu.enqueue_indirect_dma source(%dma_start3A_27 : memref<1000000x64xf32, #tpu.memory_space<hbm>>) target(%dma_start3A_21 : memref<104x64xf32, #tpu.memory_space<vmem>>) offsets(%dma_start3A_24 : memref<104xi32, #tpu.memory_space<vmem>>) semaphore(%arg8 : memref<!tpu.dma_semaphore, #tpu.memory_space<semaphore_mem>>)
    %dma_start3A_28 = arith.constant 2 : i32
    %dma_start3A_29 = arith.constant 2 : i32
    %dma_start3A_30 = arith.constant 0 : i32
    %dma_start3A_31 = arith.constant 0 : i32
    %dma_start3A_32 = tpu.memref_slice %arg6[%dma_start3A_29, %dma_start3A_30, %dma_start3A_31] : memref<8x104x64xf32, #tpu.memory_space<vmem>> -> memref<1x104x64xf32, #tpu.memory_space<vmem>>
    %dma_start3A_33 = tpu.memref_squeeze %dma_start3A_32 : memref<1x104x64xf32, #tpu.memory_space<vmem>> -> memref<104x64xf32, #tpu.memory_space<vmem>>
    %dma_start3A_34 = arith.constant 0 : i32
    %dma_start3A_35 = tpu.memref_slice %arg5[%dma_start3A_28, %dma_start3A_34] : memref<128x104xi32, #tpu.memory_space<vmem>> -> memref<1x104xi32, #tpu.memory_space<vmem>>
    %dma_start3A_36 = tpu.memref_squeeze %dma_start3A_35 : memref<1x104xi32, #tpu.memory_space<vmem>> -> memref<104xi32, #tpu.memory_space<vmem>>
    %dma_start3A_37 = arith.constant 0 : i32
    %dma_start3A_38 = arith.constant 0 : i32
    %dma_start3A_39 = tpu.memref_slice %arg3[%dma_start3A_37, %dma_start3A_38] : memref<1000000x64xf32, #tpu.memory_space<hbm>> -> memref<1000000x64xf32, #tpu.memory_space<hbm>>
    tpu.enqueue_indirect_dma source(%dma_start3A_39 : memref<1000000x64xf32, #tpu.memory_space<hbm>>) target(%dma_start3A_33 : memref<104x64xf32, #tpu.memory_space<vmem>>) offsets(%dma_start3A_36 : memref<104xi32, #tpu.memory_space<vmem>>) semaphore(%arg9 : memref<!tpu.dma_semaphore, #tpu.memory_space<semaphore_mem>>)
    %dma_start3A_40 = arith.constant 3 : i32
    %dma_start3A_41 = arith.constant 3 : i32
    %dma_start3A_42 = arith.constant 0 : i32
    %dma_start3A_43 = arith.constant 0 : i32
    %dma_start3A_44 = tpu.memref_slice %arg6[%dma_start3A_41, %dma_start3A_42, %dma_start3A_43] : memref<8x104x64xf32, #tpu.memory_space<vmem>> -> memref<1x104x64xf32, #tpu.memory_space<vmem>>
    %dma_start3A_45 = tpu.memref_squeeze %dma_start3A_44 : memref<1x104x64xf32, #tpu.memory_space<vmem>> -> memref<104x64xf32, #tpu.memory_space<vmem>>
    %dma_start3A_46 = arith.constant 0 : i32
    %dma_start3A_47 = tpu.memref_slice %arg5[%dma_start3A_40, %dma_start3A_46] : memref<128x104xi32, #tpu.memory_space<vmem>> -> memref<1x104xi32, #tpu.memory_space<vmem>>
    %dma_start3A_48 = tpu.memref_squeeze %dma_start3A_47 : memref<1x104xi32, #tpu.memory_space<vmem>> -> memref<104xi32, #tpu.memory_space<vmem>>
    %dma_start3A_49 = arith.constant 0 : i32
    %dma_start3A_50 = arith.constant 0 : i32
    %dma_start3A_51 = tpu.memref_slice %arg3[%dma_start3A_49, %dma_start3A_50] : memref<1000000x64xf32, #tpu.memory_space<hbm>> -> memref<1000000x64xf32, #tpu.memory_space<hbm>>
    tpu.enqueue_indirect_dma source(%dma_start3A_51 : memref<1000000x64xf32, #tpu.memory_space<hbm>>) target(%dma_start3A_45 : memref<104x64xf32, #tpu.memory_space<vmem>>) offsets(%dma_start3A_48 : memref<104xi32, #tpu.memory_space<vmem>>) semaphore(%arg10 : memref<!tpu.dma_semaphore, #tpu.memory_space<semaphore_mem>>)
    %dma_start3A_52 = arith.constant 4 : i32
    %dma_start3A_53 = arith.constant 4 : i32
    %dma_start3A_54 = arith.constant 0 : i32
    %dma_start3A_55 = arith.constant 0 : i32
    %dma_start3A_56 = tpu.memref_slice %arg6[%dma_start3A_53, %dma_start3A_54, %dma_start3A_55] : memref<8x104x64xf32, #tpu.memory_space<vmem>> -> memref<1x104x64xf32, #tpu.memory_space<vmem>>
    %dma_start3A_57 = tpu.memref_squeeze %dma_start3A_56 : memref<1x104x64xf32, #tpu.memory_space<vmem>> -> memref<104x64xf32, #tpu.memory_space<vmem>>
    %dma_start3A_58 = arith.constant 0 : i32
    %dma_start3A_59 = tpu.memref_slice %arg5[%dma_start3A_52, %dma_start3A_58] : memref<128x104xi32, #tpu.memory_space<vmem>> -> memref<1x104xi32, #tpu.memory_space<vmem>>
    %dma_start3A_60 = tpu.memref_squeeze %dma_start3A_59 : memref<1x104xi32, #tpu.memory_space<vmem>> -> memref<104xi32, #tpu.memory_space<vmem>>
    %dma_start3A_61 = arith.constant 0 : i32
    %dma_start3A_62 = arith.constant 0 : i32
    %dma_start3A_63 = tpu.memref_slice %arg3[%dma_start3A_61, %dma_start3A_62] : memref<1000000x64xf32, #tpu.memory_space<hbm>> -> memref<1000000x64xf32, #tpu.memory_space<hbm>>
    tpu.enqueue_indirect_dma source(%dma_start3A_63 : memref<1000000x64xf32, #tpu.memory_space<hbm>>) target(%dma_start3A_57 : memref<104x64xf32, #tpu.memory_space<vmem>>) offsets(%dma_start3A_60 : memref<104xi32, #tpu.memory_space<vmem>>) semaphore(%arg11 : memref<!tpu.dma_semaphore, #tpu.memory_space<semaphore_mem>>)
    %dma_start3A_64 = arith.constant 5 : i32
    %dma_start3A_65 = arith.constant 5 : i32
    %dma_start3A_66 = arith.constant 0 : i32
    %dma_start3A_67 = arith.constant 0 : i32
    %dma_start3A_68 = tpu.memref_slice %arg6[%dma_start3A_65, %dma_start3A_66, %dma_start3A_67] : memref<8x104x64xf32, #tpu.memory_space<vmem>> -> memref<1x104x64xf32, #tpu.memory_space<vmem>>
    %dma_start3A_69 = tpu.memref_squeeze %dma_start3A_68 : memref<1x104x64xf32, #tpu.memory_space<vmem>> -> memref<104x64xf32, #tpu.memory_space<vmem>>
    %dma_start3A_70 = arith.constant 0 : i32
    %dma_start3A_71 = tpu.memref_slice %arg5[%dma_start3A_64, %dma_start3A_70] : memref<128x104xi32, #tpu.memory_space<vmem>> -> memref<1x104xi32, #tpu.memory_space<vmem>>
    %dma_start3A_72 = tpu.memref_squeeze %dma_start3A_71 : memref<1x104xi32, #tpu.memory_space<vmem>> -> memref<104xi32, #tpu.memory_space<vmem>>
    %dma_start3A_73 = arith.constant 0 : i32
    %dma_start3A_74 = arith.constant 0 : i32
    %dma_start3A_75 = tpu.memref_slice %arg3[%dma_start3A_73, %dma_start3A_74] : memref<1000000x64xf32, #tpu.memory_space<hbm>> -> memref<1000000x64xf32, #tpu.memory_space<hbm>>
    tpu.enqueue_indirect_dma source(%dma_start3A_75 : memref<1000000x64xf32, #tpu.memory_space<hbm>>) target(%dma_start3A_69 : memref<104x64xf32, #tpu.memory_space<vmem>>) offsets(%dma_start3A_72 : memref<104xi32, #tpu.memory_space<vmem>>) semaphore(%arg12 : memref<!tpu.dma_semaphore, #tpu.memory_space<semaphore_mem>>)
    %dma_start3A_76 = arith.constant 6 : i32
    %dma_start3A_77 = arith.constant 6 : i32
    %dma_start3A_78 = arith.constant 0 : i32
    %dma_start3A_79 = arith.constant 0 : i32
    %dma_start3A_80 = tpu.memref_slice %arg6[%dma_start3A_77, %dma_start3A_78, %dma_start3A_79] : memref<8x104x64xf32, #tpu.memory_space<vmem>> -> memref<1x104x64xf32, #tpu.memory_space<vmem>>
    %dma_start3A_81 = tpu.memref_squeeze %dma_start3A_80 : memref<1x104x64xf32, #tpu.memory_space<vmem>> -> memref<104x64xf32, #tpu.memory_space<vmem>>
    %dma_start3A_82 = arith.constant 0 : i32
    %dma_start3A_83 = tpu.memref_slice %arg5[%dma_start3A_76, %dma_start3A_82] : memref<128x104xi32, #tpu.memory_space<vmem>> -> memref<1x104xi32, #tpu.memory_space<vmem>>
    %dma_start3A_84 = tpu.memref_squeeze %dma_start3A_83 : memref<1x104xi32, #tpu.memory_space<vmem>> -> memref<104xi32, #tpu.memory_space<vmem>>
    %dma_start3A_85 = arith.constant 0 : i32
    %dma_start3A_86 = arith.constant 0 : i32
    %dma_start3A_87 = tpu.memref_slice %arg3[%dma_start3A_85, %dma_start3A_86] : memref<1000000x64xf32, #tpu.memory_space<hbm>> -> memref<1000000x64xf32, #tpu.memory_space<hbm>>
    tpu.enqueue_indirect_dma source(%dma_start3A_87 : memref<1000000x64xf32, #tpu.memory_space<hbm>>) target(%dma_start3A_81 : memref<104x64xf32, #tpu.memory_space<vmem>>) offsets(%dma_start3A_84 : memref<104xi32, #tpu.memory_space<vmem>>) semaphore(%arg13 : memref<!tpu.dma_semaphore, #tpu.memory_space<semaphore_mem>>)
    %dma_start3A_88 = arith.constant 7 : i32
    %dma_start3A_89 = arith.constant 7 : i32
    %dma_start3A_90 = arith.constant 0 : i32
    %dma_start3A_91 = arith.constant 0 : i32
    %dma_start3A_92 = tpu.memref_slice %arg6[%dma_start3A_89, %dma_start3A_90, %dma_start3A_91] : memref<8x104x64xf32, #tpu.memory_space<vmem>> -> memref<1x104x64xf32, #tpu.memory_space<vmem>>
    %dma_start3A_93 = tpu.memref_squeeze %dma_start3A_92 : memref<1x104x64xf32, #tpu.memory_space<vmem>> -> memref<104x64xf32, #tpu.memory_space<vmem>>
    %dma_start3A_94 = arith.constant 0 : i32
    %dma_start3A_95 = tpu.memref_slice %arg5[%dma_start3A_88, %dma_start3A_94] : memref<128x104xi32, #tpu.memory_space<vmem>> -> memref<1x104xi32, #tpu.memory_space<vmem>>
    %dma_start3A_96 = tpu.memref_squeeze %dma_start3A_95 : memref<1x104xi32, #tpu.memory_space<vmem>> -> memref<104xi32, #tpu.memory_space<vmem>>
    %dma_start3A_97 = arith.constant 0 : i32
    %dma_start3A_98 = arith.constant 0 : i32
    %dma_start3A_99 = tpu.memref_slice %arg3[%dma_start3A_97, %dma_start3A_98] : memref<1000000x64xf32, #tpu.memory_space<hbm>> -> memref<1000000x64xf32, #tpu.memory_space<hbm>>
    tpu.enqueue_indirect_dma source(%dma_start3A_99 : memref<1000000x64xf32, #tpu.memory_space<hbm>>) target(%dma_start3A_93 : memref<104x64xf32, #tpu.memory_space<vmem>>) offsets(%dma_start3A_96 : memref<104xi32, #tpu.memory_space<vmem>>) semaphore(%arg14 : memref<!tpu.dma_semaphore, #tpu.memory_space<semaphore_mem>>)
    %scan3A = arith.constant 0 : i32
    %scan3A_100 = arith.constant 16 : i32
    %scan3A_101 = arith.addi %scan3A, %scan3A_100 : i32
    %scan3A_102 = arith.constant 1 : i32
    scf.for %scan3A_711 = %scan3A to %scan3A_101 step %scan3A_102  : i32 {
      %mul3A_712 = arith.constant 1 : i32
      %mul3A_713 = arith.muli %scan3A_711, %mul3A_712 : i32
      %add3A_714 = arith.constant 0 : i32
      %add3A_715 = arith.addi %add3A_714, %mul3A_713 : i32
      %mul3A_716 = arith.constant 8 : i32
      %mul3A_717 = arith.muli %add3A_715, %mul3A_716 : i32
      %dma_wait3A_718 = arith.constant 0 : i32
      %dma_wait3A_719 = arith.constant 0 : i32
      %dma_wait3A_720 = arith.constant 0 : i32
      %dma_wait3A_721 = arith.constant 0 : i32
      %dma_wait3A_722 = tpu.memref_slice %arg6[%dma_wait3A_719, %dma_wait3A_720, %dma_wait3A_721] : memref<8x104x64xf32, #tpu.memory_space<vmem>> -> memref<1x104x64xf32, #tpu.memory_space<vmem>>
      %dma_wait3A_723 = tpu.memref_squeeze %dma_wait3A_722 : memref<1x104x64xf32, #tpu.memory_space<vmem>> -> memref<104x64xf32, #tpu.memory_space<vmem>>
      %dma_wait3A_724 = arith.constant 0 : i32
      %dma_wait3A_725 = tpu.memref_slice %arg5[%dma_wait3A_718, %dma_wait3A_724] : memref<128x104xi32, #tpu.memory_space<vmem>> -> memref<1x104xi32, #tpu.memory_space<vmem>>
      %dma_wait3A_726 = tpu.memref_squeeze %dma_wait3A_725 : memref<1x104xi32, #tpu.memory_space<vmem>> -> memref<104xi32, #tpu.memory_space<vmem>>
      %dma_wait3A_727 = arith.constant 0 : i32
      %dma_wait3A_728 = arith.constant 0 : i32
      %dma_wait3A_729 = tpu.memref_slice %arg3[%dma_wait3A_727, %dma_wait3A_728] : memref<1000000x64xf32, #tpu.memory_space<hbm>> -> memref<1000000x64xf32, #tpu.memory_space<hbm>>
      tpu.wait_indirect_dma semaphore(%arg7 : memref<!tpu.dma_semaphore, #tpu.memory_space<semaphore_mem>>) src(%dma_wait3A_729 : memref<1000000x64xf32, #tpu.memory_space<hbm>>) dst(%dma_wait3A_723 : memref<104x64xf32, #tpu.memory_space<vmem>>)
      %add3A_730 = arith.constant 0 : i32
      %add3A_731 = arith.addi %mul3A_717, %add3A_730 : i32
      %mul3A_732 = arith.constant 4 : i32
      %mul3A_733 = arith.muli %add3A_731, %mul3A_732 : i32
      %add3A_734 = arith.addi %mul3A_2, %mul3A_733 : i32
      %add3A_735 = arith.constant 0 : i32
      %add3A_736 = arith.addi %add3A_734, %add3A_735 : i32
      %dma_start3A_737 = arith.constant 0 : i32
      %dma_start3A_738 = arith.constant 0 : i32
      %dma_start3A_739 = arith.constant 0 : i32
      %dma_start3A_740 = tpu.memref_slice %arg6[%dma_start3A_737, %dma_start3A_738, %dma_start3A_739] : memref<8x104x64xf32, #tpu.memory_space<vmem>> -> memref<1x26x64xf32, #tpu.memory_space<vmem>>
      %dma_start3A_741 = tpu.memref_squeeze %dma_start3A_740 : memref<1x26x64xf32, #tpu.memory_space<vmem>> -> memref<26x64xf32, #tpu.memory_space<vmem>>
      %dma_start3A_742 = arith.constant 0 : i32
      %dma_start3A_743 = arith.constant 0 : i32
      %dma_start3A_744 = tpu.memref_slice %arg4[%add3A_736, %dma_start3A_742, %dma_start3A_743] : memref<16384x32x128xf32, #tpu.memory_space<hbm>> -> memref<1x26x64xf32, #tpu.memory_space<hbm>>
      %dma_start3A_745 = tpu.memref_squeeze %dma_start3A_744 : memref<1x26x64xf32, #tpu.memory_space<hbm>> -> memref<26x64xf32, #tpu.memory_space<hbm>>
      %dma_start3A_746 = arith.constant 0 : i32
      %dma_start3A_747 = arith.constant 0 : i32
      %dma_start3A_748 = tpu.memref_slice %arg4[%add3A_736, %dma_start3A_746, %dma_start3A_747] : memref<16384x32x128xf32, #tpu.memory_space<hbm>> -> memref<1x26x64xf32, #tpu.memory_space<hbm>>
      %dma_start3A_749 = tpu.memref_squeeze %dma_start3A_748 : memref<1x26x64xf32, #tpu.memory_space<hbm>> -> memref<26x64xf32, #tpu.memory_space<hbm>>
      %dma_start3A_750 = arith.constant 0 : i32
      %dma_start3A_751 = arith.constant 0 : i32
      %dma_start3A_752 = tpu.memref_slice %arg6[%dma_start3A_737, %dma_start3A_750, %dma_start3A_751] : memref<8x104x64xf32, #tpu.memory_space<vmem>> -> memref<1x26x64xf32, #tpu.memory_space<vmem>>
      %dma_start3A_753 = tpu.memref_squeeze %dma_start3A_752 : memref<1x26x64xf32, #tpu.memory_space<vmem>> -> memref<26x64xf32, #tpu.memory_space<vmem>>
      tpu.enqueue_dma source(%dma_start3A_753 : memref<26x64xf32, #tpu.memory_space<vmem>>) target(%dma_start3A_749 : memref<26x64xf32, #tpu.memory_space<hbm>>) target_semaphore(%arg15 : memref<!tpu.dma_semaphore, #tpu.memory_space<semaphore_mem>>)
      %mul3A_754 = arith.constant 4 : i32
      %mul3A_755 = arith.muli %add3A_731, %mul3A_754 : i32
      %add3A_756 = arith.addi %mul3A_2, %mul3A_755 : i32
      %add3A_757 = arith.constant 1 : i32
      %add3A_758 = arith.addi %add3A_756, %add3A_757 : i32
      %dma_start3A_759 = arith.constant 0 : i32
      %dma_start3A_760 = arith.constant 26 : i32
      %dma_start3A_761 = arith.constant 0 : i32
      %dma_start3A_762 = tpu.memref_slice %arg6[%dma_start3A_759, %dma_start3A_760, %dma_start3A_761] : memref<8x104x64xf32, #tpu.memory_space<vmem>> -> memref<1x26x64xf32, #tpu.memory_space<vmem>>
      %dma_start3A_763 = tpu.memref_squeeze %dma_start3A_762 : memref<1x26x64xf32, #tpu.memory_space<vmem>> -> memref<26x64xf32, #tpu.memory_space<vmem>>
      %dma_start3A_764 = arith.constant 0 : i32
      %dma_start3A_765 = arith.constant 0 : i32
      %dma_start3A_766 = tpu.memref_slice %arg4[%add3A_758, %dma_start3A_764, %dma_start3A_765] : memref<16384x32x128xf32, #tpu.memory_space<hbm>> -> memref<1x26x64xf32, #tpu.memory_space<hbm>>
      %dma_start3A_767 = tpu.memref_squeeze %dma_start3A_766 : memref<1x26x64xf32, #tpu.memory_space<hbm>> -> memref<26x64xf32, #tpu.memory_space<hbm>>
      %dma_start3A_768 = arith.constant 0 : i32
      %dma_start3A_769 = arith.constant 0 : i32
      %dma_start3A_770 = tpu.memref_slice %arg4[%add3A_758, %dma_start3A_768, %dma_start3A_769] : memref<16384x32x128xf32, #tpu.memory_space<hbm>> -> memref<1x26x64xf32, #tpu.memory_space<hbm>>
      %dma_start3A_771 = tpu.memref_squeeze %dma_start3A_770 : memref<1x26x64xf32, #tpu.memory_space<hbm>> -> memref<26x64xf32, #tpu.memory_space<hbm>>
      %dma_start3A_772 = arith.constant 26 : i32
      %dma_start3A_773 = arith.constant 0 : i32
      %dma_start3A_774 = tpu.memref_slice %arg6[%dma_start3A_759, %dma_start3A_772, %dma_start3A_773] : memref<8x104x64xf32, #tpu.memory_space<vmem>> -> memref<1x26x64xf32, #tpu.memory_space<vmem>>
      %dma_start3A_775 = tpu.memref_squeeze %dma_start3A_774 : memref<1x26x64xf32, #tpu.memory_space<vmem>> -> memref<26x64xf32, #tpu.memory_space<vmem>>
      tpu.enqueue_dma source(%dma_start3A_775 : memref<26x64xf32, #tpu.memory_space<vmem>>) target(%dma_start3A_771 : memref<26x64xf32, #tpu.memory_space<hbm>>) target_semaphore(%arg15 : memref<!tpu.dma_semaphore, #tpu.memory_space<semaphore_mem>>)
      %mul3A_776 = arith.constant 4 : i32
      %mul3A_777 = arith.muli %add3A_731, %mul3A_776 : i32
      %add3A_778 = arith.addi %mul3A_2, %mul3A_777 : i32
      %add3A_779 = arith.constant 2 : i32
      %add3A_780 = arith.addi %add3A_778, %add3A_779 : i32
      %dma_start3A_781 = arith.constant 0 : i32
      %dma_start3A_782 = arith.constant 52 : i32
      %dma_start3A_783 = arith.constant 0 : i32
      %dma_start3A_784 = tpu.memref_slice %arg6[%dma_start3A_781, %dma_start3A_782, %dma_start3A_783] : memref<8x104x64xf32, #tpu.memory_space<vmem>> -> memref<1x26x64xf32, #tpu.memory_space<vmem>>
      %dma_start3A_785 = tpu.memref_squeeze %dma_start3A_784 : memref<1x26x64xf32, #tpu.memory_space<vmem>> -> memref<26x64xf32, #tpu.memory_space<vmem>>
      %dma_start3A_786 = arith.constant 0 : i32
      %dma_start3A_787 = arith.constant 0 : i32
      %dma_start3A_788 = tpu.memref_slice %arg4[%add3A_780, %dma_start3A_786, %dma_start3A_787] : memref<16384x32x128xf32, #tpu.memory_space<hbm>> -> memref<1x26x64xf32, #tpu.memory_space<hbm>>
      %dma_start3A_789 = tpu.memref_squeeze %dma_start3A_788 : memref<1x26x64xf32, #tpu.memory_space<hbm>> -> memref<26x64xf32, #tpu.memory_space<hbm>>
      %dma_start3A_790 = arith.constant 0 : i32
      %dma_start3A_791 = arith.constant 0 : i32
      %dma_start3A_792 = tpu.memref_slice %arg4[%add3A_780, %dma_start3A_790, %dma_start3A_791] : memref<16384x32x128xf32, #tpu.memory_space<hbm>> -> memref<1x26x64xf32, #tpu.memory_space<hbm>>
      %dma_start3A_793 = tpu.memref_squeeze %dma_start3A_792 : memref<1x26x64xf32, #tpu.memory_space<hbm>> -> memref<26x64xf32, #tpu.memory_space<hbm>>
      %dma_start3A_794 = arith.constant 52 : i32
      %dma_start3A_795 = arith.constant 0 : i32
      %dma_start3A_796 = tpu.memref_slice %arg6[%dma_start3A_781, %dma_start3A_794, %dma_start3A_795] : memref<8x104x64xf32, #tpu.memory_space<vmem>> -> memref<1x26x64xf32, #tpu.memory_space<vmem>>
      %dma_start3A_797 = tpu.memref_squeeze %dma_start3A_796 : memref<1x26x64xf32, #tpu.memory_space<vmem>> -> memref<26x64xf32, #tpu.memory_space<vmem>>
      tpu.enqueue_dma source(%dma_start3A_797 : memref<26x64xf32, #tpu.memory_space<vmem>>) target(%dma_start3A_793 : memref<26x64xf32, #tpu.memory_space<hbm>>) target_semaphore(%arg15 : memref<!tpu.dma_semaphore, #tpu.memory_space<semaphore_mem>>)
      %mul3A_798 = arith.constant 4 : i32
      %mul3A_799 = arith.muli %add3A_731, %mul3A_798 : i32
      %add3A_800 = arith.addi %mul3A_2, %mul3A_799 : i32
      %add3A_801 = arith.constant 3 : i32
      %add3A_802 = arith.addi %add3A_800, %add3A_801 : i32
      %dma_start3A_803 = arith.constant 0 : i32
      %dma_start3A_804 = arith.constant 78 : i32
      %dma_start3A_805 = arith.constant 0 : i32
      %dma_start3A_806 = tpu.memref_slice %arg6[%dma_start3A_803, %dma_start3A_804, %dma_start3A_805] : memref<8x104x64xf32, #tpu.memory_space<vmem>> -> memref<1x26x64xf32, #tpu.memory_space<vmem>>
      %dma_start3A_807 = tpu.memref_squeeze %dma_start3A_806 : memref<1x26x64xf32, #tpu.memory_space<vmem>> -> memref<26x64xf32, #tpu.memory_space<vmem>>
      %dma_start3A_808 = arith.constant 0 : i32
      %dma_start3A_809 = arith.constant 0 : i32
      %dma_start3A_810 = tpu.memref_slice %arg4[%add3A_802, %dma_start3A_808, %dma_start3A_809] : memref<16384x32x128xf32, #tpu.memory_space<hbm>> -> memref<1x26x64xf32, #tpu.memory_space<hbm>>
      %dma_start3A_811 = tpu.memref_squeeze %dma_start3A_810 : memref<1x26x64xf32, #tpu.memory_space<hbm>> -> memref<26x64xf32, #tpu.memory_space<hbm>>
      %dma_start3A_812 = arith.constant 0 : i32
      %dma_start3A_813 = arith.constant 0 : i32
      %dma_start3A_814 = tpu.memref_slice %arg4[%add3A_802, %dma_start3A_812, %dma_start3A_813] : memref<16384x32x128xf32, #tpu.memory_space<hbm>> -> memref<1x26x64xf32, #tpu.memory_space<hbm>>
      %dma_start3A_815 = tpu.memref_squeeze %dma_start3A_814 : memref<1x26x64xf32, #tpu.memory_space<hbm>> -> memref<26x64xf32, #tpu.memory_space<hbm>>
      %dma_start3A_816 = arith.constant 78 : i32
      %dma_start3A_817 = arith.constant 0 : i32
      %dma_start3A_818 = tpu.memref_slice %arg6[%dma_start3A_803, %dma_start3A_816, %dma_start3A_817] : memref<8x104x64xf32, #tpu.memory_space<vmem>> -> memref<1x26x64xf32, #tpu.memory_space<vmem>>
      %dma_start3A_819 = tpu.memref_squeeze %dma_start3A_818 : memref<1x26x64xf32, #tpu.memory_space<vmem>> -> memref<26x64xf32, #tpu.memory_space<vmem>>
      tpu.enqueue_dma source(%dma_start3A_819 : memref<26x64xf32, #tpu.memory_space<vmem>>) target(%dma_start3A_815 : memref<26x64xf32, #tpu.memory_space<hbm>>) target_semaphore(%arg15 : memref<!tpu.dma_semaphore, #tpu.memory_space<semaphore_mem>>)
      %dma_wait3A_820 = arith.constant 0 : i32
      %dma_wait3A_821 = arith.constant 1 : i32
      %dma_wait3A_822 = arith.constant 0 : i32
      %dma_wait3A_823 = arith.constant 0 : i32
      %dma_wait3A_824 = tpu.memref_slice %arg6[%dma_wait3A_821, %dma_wait3A_822, %dma_wait3A_823] : memref<8x104x64xf32, #tpu.memory_space<vmem>> -> memref<1x104x64xf32, #tpu.memory_space<vmem>>
      %dma_wait3A_825 = tpu.memref_squeeze %dma_wait3A_824 : memref<1x104x64xf32, #tpu.memory_space<vmem>> -> memref<104x64xf32, #tpu.memory_space<vmem>>
      %dma_wait3A_826 = arith.constant 0 : i32
      %dma_wait3A_827 = tpu.memref_slice %arg5[%dma_wait3A_820, %dma_wait3A_826] : memref<128x104xi32, #tpu.memory_space<vmem>> -> memref<1x104xi32, #tpu.memory_space<vmem>>
      %dma_wait3A_828 = tpu.memref_squeeze %dma_wait3A_827 : memref<1x104xi32, #tpu.memory_space<vmem>> -> memref<104xi32, #tpu.memory_space<vmem>>
      %dma_wait3A_829 = arith.constant 0 : i32
      %dma_wait3A_830 = arith.constant 0 : i32
      %dma_wait3A_831 = tpu.memref_slice %arg3[%dma_wait3A_829, %dma_wait3A_830] : memref<1000000x64xf32, #tpu.memory_space<hbm>> -> memref<1000000x64xf32, #tpu.memory_space<hbm>>
      tpu.wait_indirect_dma semaphore(%arg8 : memref<!tpu.dma_semaphore, #tpu.memory_space<semaphore_mem>>) src(%dma_wait3A_831 : memref<1000000x64xf32, #tpu.memory_space<hbm>>) dst(%dma_wait3A_825 : memref<104x64xf32, #tpu.memory_space<vmem>>)
      %add3A_832 = arith.constant 1 : i32
      %add3A_833 = arith.addi %mul3A_717, %add3A_832 : i32
      %mul3A_834 = arith.constant 4 : i32
      %mul3A_835 = arith.muli %add3A_833, %mul3A_834 : i32
      %add3A_836 = arith.addi %mul3A_2, %mul3A_835 : i32
      %add3A_837 = arith.constant 0 : i32
      %add3A_838 = arith.addi %add3A_836, %add3A_837 : i32
      %dma_start3A_839 = arith.constant 1 : i32
      %dma_start3A_840 = arith.constant 0 : i32
      %dma_start3A_841 = arith.constant 0 : i32
      %dma_start3A_842 = tpu.memref_slice %arg6[%dma_start3A_839, %dma_start3A_840, %dma_start3A_841] : memref<8x104x64xf32, #tpu.memory_space<vmem>> -> memref<1x26x64xf32, #tpu.memory_space<vmem>>
      %dma_start3A_843 = tpu.memref_squeeze %dma_start3A_842 : memref<1x26x64xf32, #tpu.memory_space<vmem>> -> memref<26x64xf32, #tpu.memory_space<vmem>>
      %dma_start3A_844 = arith.constant 0 : i32
      %dma_start3A_845 = arith.constant 0 : i32
      %dma_start3A_846 = tpu.memref_slice %arg4[%add3A_838, %dma_start3A_844, %dma_start3A_845] : memref<16384x32x128xf32, #tpu.memory_space<hbm>> -> memref<1x26x64xf32, #tpu.memory_space<hbm>>
      %dma_start3A_847 = tpu.memref_squeeze %dma_start3A_846 : memref<1x26x64xf32, #tpu.memory_space<hbm>> -> memref<26x64xf32, #tpu.memory_space<hbm>>
      %dma_start3A_848 = arith.constant 0 : i32
      %dma_start3A_849 = arith.constant 0 : i32
      %dma_start3A_850 = tpu.memref_slice %arg4[%add3A_838, %dma_start3A_848, %dma_start3A_849] : memref<16384x32x128xf32, #tpu.memory_space<hbm>> -> memref<1x26x64xf32, #tpu.memory_space<hbm>>
      %dma_start3A_851 = tpu.memref_squeeze %dma_start3A_850 : memref<1x26x64xf32, #tpu.memory_space<hbm>> -> memref<26x64xf32, #tpu.memory_space<hbm>>
      %dma_start3A_852 = arith.constant 0 : i32
      %dma_start3A_853 = arith.constant 0 : i32
      %dma_start3A_854 = tpu.memref_slice %arg6[%dma_start3A_839, %dma_start3A_852, %dma_start3A_853] : memref<8x104x64xf32, #tpu.memory_space<vmem>> -> memref<1x26x64xf32, #tpu.memory_space<vmem>>
      %dma_start3A_855 = tpu.memref_squeeze %dma_start3A_854 : memref<1x26x64xf32, #tpu.memory_space<vmem>> -> memref<26x64xf32, #tpu.memory_space<vmem>>
      tpu.enqueue_dma source(%dma_start3A_855 : memref<26x64xf32, #tpu.memory_space<vmem>>) target(%dma_start3A_851 : memref<26x64xf32, #tpu.memory_space<hbm>>) target_semaphore(%arg16 : memref<!tpu.dma_semaphore, #tpu.memory_space<semaphore_mem>>)
      %mul3A_856 = arith.constant 4 : i32
      %mul3A_857 = arith.muli %add3A_833, %mul3A_856 : i32
      %add3A_858 = arith.addi %mul3A_2, %mul3A_857 : i32
      %add3A_859 = arith.constant 1 : i32
      %add3A_860 = arith.addi %add3A_858, %add3A_859 : i32
      %dma_start3A_861 = arith.constant 1 : i32
      %dma_start3A_862 = arith.constant 26 : i32
      %dma_start3A_863 = arith.constant 0 : i32
      %dma_start3A_864 = tpu.memref_slice %arg6[%dma_start3A_861, %dma_start3A_862, %dma_start3A_863] : memref<8x104x64xf32, #tpu.memory_space<vmem>> -> memref<1x26x64xf32, #tpu.memory_space<vmem>>
      %dma_start3A_865 = tpu.memref_squeeze %dma_start3A_864 : memref<1x26x64xf32, #tpu.memory_space<vmem>> -> memref<26x64xf32, #tpu.memory_space<vmem>>
      %dma_start3A_866 = arith.constant 0 : i32
      %dma_start3A_867 = arith.constant 0 : i32
      %dma_start3A_868 = tpu.memref_slice %arg4[%add3A_860, %dma_start3A_866, %dma_start3A_867] : memref<16384x32x128xf32, #tpu.memory_space<hbm>> -> memref<1x26x64xf32, #tpu.memory_space<hbm>>
      %dma_start3A_869 = tpu.memref_squeeze %dma_start3A_868 : memref<1x26x64xf32, #tpu.memory_space<hbm>> -> memref<26x64xf32, #tpu.memory_space<hbm>>
      %dma_start3A_870 = arith.constant 0 : i32
      %dma_start3A_871 = arith.constant 0 : i32
      %dma_start3A_872 = tpu.memref_slice %arg4[%add3A_860, %dma_start3A_870, %dma_start3A_871] : memref<16384x32x128xf32, #tpu.memory_space<hbm>> -> memref<1x26x64xf32, #tpu.memory_space<hbm>>
      %dma_start3A_873 = tpu.memref_squeeze %dma_start3A_872 : memref<1x26x64xf32, #tpu.memory_space<hbm>> -> memref<26x64xf32, #tpu.memory_space<hbm>>
      %dma_start3A_874 = arith.constant 26 : i32
      %dma_start3A_875 = arith.constant 0 : i32
      %dma_start3A_876 = tpu.memref_slice %arg6[%dma_start3A_861, %dma_start3A_874, %dma_start3A_875] : memref<8x104x64xf32, #tpu.memory_space<vmem>> -> memref<1x26x64xf32, #tpu.memory_space<vmem>>
      %dma_start3A_877 = tpu.memref_squeeze %dma_start3A_876 : memref<1x26x64xf32, #tpu.memory_space<vmem>> -> memref<26x64xf32, #tpu.memory_space<vmem>>
      tpu.enqueue_dma source(%dma_start3A_877 : memref<26x64xf32, #tpu.memory_space<vmem>>) target(%dma_start3A_873 : memref<26x64xf32, #tpu.memory_space<hbm>>) target_semaphore(%arg16 : memref<!tpu.dma_semaphore, #tpu.memory_space<semaphore_mem>>)
      %mul3A_878 = arith.constant 4 : i32
      %mul3A_879 = arith.muli %add3A_833, %mul3A_878 : i32
      %add3A_880 = arith.addi %mul3A_2, %mul3A_879 : i32
      %add3A_881 = arith.constant 2 : i32
      %add3A_882 = arith.addi %add3A_880, %add3A_881 : i32
      %dma_start3A_883 = arith.constant 1 : i32
      %dma_start3A_884 = arith.constant 52 : i32
      %dma_start3A_885 = arith.constant 0 : i32
      %dma_start3A_886 = tpu.memref_slice %arg6[%dma_start3A_883, %dma_start3A_884, %dma_start3A_885] : memref<8x104x64xf32, #tpu.memory_space<vmem>> -> memref<1x26x64xf32, #tpu.memory_space<vmem>>
      %dma_start3A_887 = tpu.memref_squeeze %dma_start3A_886 : memref<1x26x64xf32, #tpu.memory_space<vmem>> -> memref<26x64xf32, #tpu.memory_space<vmem>>
      %dma_start3A_888 = arith.constant 0 : i32
      %dma_start3A_889 = arith.constant 0 : i32
      %dma_start3A_890 = tpu.memref_slice %arg4[%add3A_882, %dma_start3A_888, %dma_start3A_889] : memref<16384x32x128xf32, #tpu.memory_space<hbm>> -> memref<1x26x64xf32, #tpu.memory_space<hbm>>
      %dma_start3A_891 = tpu.memref_squeeze %dma_start3A_890 : memref<1x26x64xf32, #tpu.memory_space<hbm>> -> memref<26x64xf32, #tpu.memory_space<hbm>>
      %dma_start3A_892 = arith.constant 0 : i32
      %dma_start3A_893 = arith.constant 0 : i32
      %dma_start3A_894 = tpu.memref_slice %arg4[%add3A_882, %dma_start3A_892, %dma_start3A_893] : memref<16384x32x128xf32, #tpu.memory_space<hbm>> -> memref<1x26x64xf32, #tpu.memory_space<hbm>>
      %dma_start3A_895 = tpu.memref_squeeze %dma_start3A_894 : memref<1x26x64xf32, #tpu.memory_space<hbm>> -> memref<26x64xf32, #tpu.memory_space<hbm>>
      %dma_start3A_896 = arith.constant 52 : i32
      %dma_start3A_897 = arith.constant 0 : i32
      %dma_start3A_898 = tpu.memref_slice %arg6[%dma_start3A_883, %dma_start3A_896, %dma_start3A_897] : memref<8x104x64xf32, #tpu.memory_space<vmem>> -> memref<1x26x64xf32, #tpu.memory_space<vmem>>
      %dma_start3A_899 = tpu.memref_squeeze %dma_start3A_898 : memref<1x26x64xf32, #tpu.memory_space<vmem>> -> memref<26x64xf32, #tpu.memory_space<vmem>>
      tpu.enqueue_dma source(%dma_start3A_899 : memref<26x64xf32, #tpu.memory_space<vmem>>) target(%dma_start3A_895 : memref<26x64xf32, #tpu.memory_space<hbm>>) target_semaphore(%arg16 : memref<!tpu.dma_semaphore, #tpu.memory_space<semaphore_mem>>)
      %mul3A_900 = arith.constant 4 : i32
      %mul3A_901 = arith.muli %add3A_833, %mul3A_900 : i32
      %add3A_902 = arith.addi %mul3A_2, %mul3A_901 : i32
      %add3A_903 = arith.constant 3 : i32
      %add3A_904 = arith.addi %add3A_902, %add3A_903 : i32
      %dma_start3A_905 = arith.constant 1 : i32
      %dma_start3A_906 = arith.constant 78 : i32
      %dma_start3A_907 = arith.constant 0 : i32
      %dma_start3A_908 = tpu.memref_slice %arg6[%dma_start3A_905, %dma_start3A_906, %dma_start3A_907] : memref<8x104x64xf32, #tpu.memory_space<vmem>> -> memref<1x26x64xf32, #tpu.memory_space<vmem>>
      %dma_start3A_909 = tpu.memref_squeeze %dma_start3A_908 : memref<1x26x64xf32, #tpu.memory_space<vmem>> -> memref<26x64xf32, #tpu.memory_space<vmem>>
      %dma_start3A_910 = arith.constant 0 : i32
      %dma_start3A_911 = arith.constant 0 : i32
      %dma_start3A_912 = tpu.memref_slice %arg4[%add3A_904, %dma_start3A_910, %dma_start3A_911] : memref<16384x32x128xf32, #tpu.memory_space<hbm>> -> memref<1x26x64xf32, #tpu.memory_space<hbm>>
      %dma_start3A_913 = tpu.memref_squeeze %dma_start3A_912 : memref<1x26x64xf32, #tpu.memory_space<hbm>> -> memref<26x64xf32, #tpu.memory_space<hbm>>
      %dma_start3A_914 = arith.constant 0 : i32
      %dma_start3A_915 = arith.constant 0 : i32
      %dma_start3A_916 = tpu.memref_slice %arg4[%add3A_904, %dma_start3A_914, %dma_start3A_915] : memref<16384x32x128xf32, #tpu.memory_space<hbm>> -> memref<1x26x64xf32, #tpu.memory_space<hbm>>
      %dma_start3A_917 = tpu.memref_squeeze %dma_start3A_916 : memref<1x26x64xf32, #tpu.memory_space<hbm>> -> memref<26x64xf32, #tpu.memory_space<hbm>>
      %dma_start3A_918 = arith.constant 78 : i32
      %dma_start3A_919 = arith.constant 0 : i32
      %dma_start3A_920 = tpu.memref_slice %arg6[%dma_start3A_905, %dma_start3A_918, %dma_start3A_919] : memref<8x104x64xf32, #tpu.memory_space<vmem>> -> memref<1x26x64xf32, #tpu.memory_space<vmem>>
      %dma_start3A_921 = tpu.memref_squeeze %dma_start3A_920 : memref<1x26x64xf32, #tpu.memory_space<vmem>> -> memref<26x64xf32, #tpu.memory_space<vmem>>
      tpu.enqueue_dma source(%dma_start3A_921 : memref<26x64xf32, #tpu.memory_space<vmem>>) target(%dma_start3A_917 : memref<26x64xf32, #tpu.memory_space<hbm>>) target_semaphore(%arg16 : memref<!tpu.dma_semaphore, #tpu.memory_space<semaphore_mem>>)
      %dma_wait3A_922 = arith.constant 0 : i32
      %dma_wait3A_923 = arith.constant 2 : i32
      %dma_wait3A_924 = arith.constant 0 : i32
      %dma_wait3A_925 = arith.constant 0 : i32
      %dma_wait3A_926 = tpu.memref_slice %arg6[%dma_wait3A_923, %dma_wait3A_924, %dma_wait3A_925] : memref<8x104x64xf32, #tpu.memory_space<vmem>> -> memref<1x104x64xf32, #tpu.memory_space<vmem>>
      %dma_wait3A_927 = tpu.memref_squeeze %dma_wait3A_926 : memref<1x104x64xf32, #tpu.memory_space<vmem>> -> memref<104x64xf32, #tpu.memory_space<vmem>>
      %dma_wait3A_928 = arith.constant 0 : i32
      %dma_wait3A_929 = tpu.memref_slice %arg5[%dma_wait3A_922, %dma_wait3A_928] : memref<128x104xi32, #tpu.memory_space<vmem>> -> memref<1x104xi32, #tpu.memory_space<vmem>>
      %dma_wait3A_930 = tpu.memref_squeeze %dma_wait3A_929 : memref<1x104xi32, #tpu.memory_space<vmem>> -> memref<104xi32, #tpu.memory_space<vmem>>
      %dma_wait3A_931 = arith.constant 0 : i32
      %dma_wait3A_932 = arith.constant 0 : i32
      %dma_wait3A_933 = tpu.memref_slice %arg3[%dma_wait3A_931, %dma_wait3A_932] : memref<1000000x64xf32, #tpu.memory_space<hbm>> -> memref<1000000x64xf32, #tpu.memory_space<hbm>>
      tpu.wait_indirect_dma semaphore(%arg9 : memref<!tpu.dma_semaphore, #tpu.memory_space<semaphore_mem>>) src(%dma_wait3A_933 : memref<1000000x64xf32, #tpu.memory_space<hbm>>) dst(%dma_wait3A_927 : memref<104x64xf32, #tpu.memory_space<vmem>>)
      %add3A_934 = arith.constant 2 : i32
      %add3A_935 = arith.addi %mul3A_717, %add3A_934 : i32
      %mul3A_936 = arith.constant 4 : i32
      %mul3A_937 = arith.muli %add3A_935, %mul3A_936 : i32
      %add3A_938 = arith.addi %mul3A_2, %mul3A_937 : i32
      %add3A_939 = arith.constant 0 : i32
      %add3A_940 = arith.addi %add3A_938, %add3A_939 : i32
      %dma_start3A_941 = arith.constant 2 : i32
      %dma_start3A_942 = arith.constant 0 : i32
      %dma_start3A_943 = arith.constant 0 : i32
      %dma_start3A_944 = tpu.memref_slice %arg6[%dma_start3A_941, %dma_start3A_942, %dma_start3A_943] : memref<8x104x64xf32, #tpu.memory_space<vmem>> -> memref<1x26x64xf32, #tpu.memory_space<vmem>>
      %dma_start3A_945 = tpu.memref_squeeze %dma_start3A_944 : memref<1x26x64xf32, #tpu.memory_space<vmem>> -> memref<26x64xf32, #tpu.memory_space<vmem>>
      %dma_start3A_946 = arith.constant 0 : i32
      %dma_start3A_947 = arith.constant 0 : i32
      %dma_start3A_948 = tpu.memref_slice %arg4[%add3A_940, %dma_start3A_946, %dma_start3A_947] : memref<16384x32x128xf32, #tpu.memory_space<hbm>> -> memref<1x26x64xf32, #tpu.memory_space<hbm>>
      %dma_start3A_949 = tpu.memref_squeeze %dma_start3A_948 : memref<1x26x64xf32, #tpu.memory_space<hbm>> -> memref<26x64xf32, #tpu.memory_space<hbm>>
      %dma_start3A_950 = arith.constant 0 : i32
      %dma_start3A_951 = arith.constant 0 : i32
      %dma_start3A_952 = tpu.memref_slice %arg4[%add3A_940, %dma_start3A_950, %dma_start3A_951] : memref<16384x32x128xf32, #tpu.memory_space<hbm>> -> memref<1x26x64xf32, #tpu.memory_space<hbm>>
      %dma_start3A_953 = tpu.memref_squeeze %dma_start3A_952 : memref<1x26x64xf32, #tpu.memory_space<hbm>> -> memref<26x64xf32, #tpu.memory_space<hbm>>
      %dma_start3A_954 = arith.constant 0 : i32
      %dma_start3A_955 = arith.constant 0 : i32
      %dma_start3A_956 = tpu.memref_slice %arg6[%dma_start3A_941, %dma_start3A_954, %dma_start3A_955] : memref<8x104x64xf32, #tpu.memory_space<vmem>> -> memref<1x26x64xf32, #tpu.memory_space<vmem>>
      %dma_start3A_957 = tpu.memref_squeeze %dma_start3A_956 : memref<1x26x64xf32, #tpu.memory_space<vmem>> -> memref<26x64xf32, #tpu.memory_space<vmem>>
      tpu.enqueue_dma source(%dma_start3A_957 : memref<26x64xf32, #tpu.memory_space<vmem>>) target(%dma_start3A_953 : memref<26x64xf32, #tpu.memory_space<hbm>>) target_semaphore(%arg17 : memref<!tpu.dma_semaphore, #tpu.memory_space<semaphore_mem>>)
      %mul3A_958 = arith.constant 4 : i32
      %mul3A_959 = arith.muli %add3A_935, %mul3A_958 : i32
      %add3A_960 = arith.addi %mul3A_2, %mul3A_959 : i32
      %add3A_961 = arith.constant 1 : i32
      %add3A_962 = arith.addi %add3A_960, %add3A_961 : i32
      %dma_start3A_963 = arith.constant 2 : i32
      %dma_start3A_964 = arith.constant 26 : i32
      %dma_start3A_965 = arith.constant 0 : i32
      %dma_start3A_966 = tpu.memref_slice %arg6[%dma_start3A_963, %dma_start3A_964, %dma_start3A_965] : memref<8x104x64xf32, #tpu.memory_space<vmem>> -> memref<1x26x64xf32, #tpu.memory_space<vmem>>
      %dma_start3A_967 = tpu.memref_squeeze %dma_start3A_966 : memref<1x26x64xf32, #tpu.memory_space<vmem>> -> memref<26x64xf32, #tpu.memory_space<vmem>>
      %dma_start3A_968 = arith.constant 0 : i32
      %dma_start3A_969 = arith.constant 0 : i32
      %dma_start3A_970 = tpu.memref_slice %arg4[%add3A_962, %dma_start3A_968, %dma_start3A_969] : memref<16384x32x128xf32, #tpu.memory_space<hbm>> -> memref<1x26x64xf32, #tpu.memory_space<hbm>>
      %dma_start3A_971 = tpu.memref_squeeze %dma_start3A_970 : memref<1x26x64xf32, #tpu.memory_space<hbm>> -> memref<26x64xf32, #tpu.memory_space<hbm>>
      %dma_start3A_972 = arith.constant 0 : i32
      %dma_start3A_973 = arith.constant 0 : i32
      %dma_start3A_974 = tpu.memref_slice %arg4[%add3A_962, %dma_start3A_972, %dma_start3A_973] : memref<16384x32x128xf32, #tpu.memory_space<hbm>> -> memref<1x26x64xf32, #tpu.memory_space<hbm>>
      %dma_start3A_975 = tpu.memref_squeeze %dma_start3A_974 : memref<1x26x64xf32, #tpu.memory_space<hbm>> -> memref<26x64xf32, #tpu.memory_space<hbm>>
      %dma_start3A_976 = arith.constant 26 : i32
      %dma_start3A_977 = arith.constant 0 : i32
      %dma_start3A_978 = tpu.memref_slice %arg6[%dma_start3A_963, %dma_start3A_976, %dma_start3A_977] : memref<8x104x64xf32, #tpu.memory_space<vmem>> -> memref<1x26x64xf32, #tpu.memory_space<vmem>>
      %dma_start3A_979 = tpu.memref_squeeze %dma_start3A_978 : memref<1x26x64xf32, #tpu.memory_space<vmem>> -> memref<26x64xf32, #tpu.memory_space<vmem>>
      tpu.enqueue_dma source(%dma_start3A_979 : memref<26x64xf32, #tpu.memory_space<vmem>>) target(%dma_start3A_975 : memref<26x64xf32, #tpu.memory_space<hbm>>) target_semaphore(%arg17 : memref<!tpu.dma_semaphore, #tpu.memory_space<semaphore_mem>>)
      %mul3A_980 = arith.constant 4 : i32
      %mul3A_981 = arith.muli %add3A_935, %mul3A_980 : i32
      %add3A_982 = arith.addi %mul3A_2, %mul3A_981 : i32
      %add3A_983 = arith.constant 2 : i32
      %add3A_984 = arith.addi %add3A_982, %add3A_983 : i32
      %dma_start3A_985 = arith.constant 2 : i32
      %dma_start3A_986 = arith.constant 52 : i32
      %dma_start3A_987 = arith.constant 0 : i32
      %dma_start3A_988 = tpu.memref_slice %arg6[%dma_start3A_985, %dma_start3A_986, %dma_start3A_987] : memref<8x104x64xf32, #tpu.memory_space<vmem>> -> memref<1x26x64xf32, #tpu.memory_space<vmem>>
      %dma_start3A_989 = tpu.memref_squeeze %dma_start3A_988 : memref<1x26x64xf32, #tpu.memory_space<vmem>> -> memref<26x64xf32, #tpu.memory_space<vmem>>
      %dma_start3A_990 = arith.constant 0 : i32
      %dma_start3A_991 = arith.constant 0 : i32
      %dma_start3A_992 = tpu.memref_slice %arg4[%add3A_984, %dma_start3A_990, %dma_start3A_991] : memref<16384x32x128xf32, #tpu.memory_space<hbm>> -> memref<1x26x64xf32, #tpu.memory_space<hbm>>
      %dma_start3A_993 = tpu.memref_squeeze %dma_start3A_992 : memref<1x26x64xf32, #tpu.memory_space<hbm>> -> memref<26x64xf32, #tpu.memory_space<hbm>>
      %dma_start3A_994 = arith.constant 0 : i32
      %dma_start3A_995 = arith.constant 0 : i32
      %dma_start3A_996 = tpu.memref_slice %arg4[%add3A_984, %dma_start3A_994, %dma_start3A_995] : memref<16384x32x128xf32, #tpu.memory_space<hbm>> -> memref<1x26x64xf32, #tpu.memory_space<hbm>>
      %dma_start3A_997 = tpu.memref_squeeze %dma_start3A_996 : memref<1x26x64xf32, #tpu.memory_space<hbm>> -> memref<26x64xf32, #tpu.memory_space<hbm>>
      %dma_start3A_998 = arith.constant 52 : i32
      %dma_start3A_999 = arith.constant 0 : i32
      %dma_start3A_1000 = tpu.memref_slice %arg6[%dma_start3A_985, %dma_start3A_998, %dma_start3A_999] : memref<8x104x64xf32, #tpu.memory_space<vmem>> -> memref<1x26x64xf32, #tpu.memory_space<vmem>>
      %dma_start3A_1001 = tpu.memref_squeeze %dma_start3A_1000 : memref<1x26x64xf32, #tpu.memory_space<vmem>> -> memref<26x64xf32, #tpu.memory_space<vmem>>
      tpu.enqueue_dma source(%dma_start3A_1001 : memref<26x64xf32, #tpu.memory_space<vmem>>) target(%dma_start3A_997 : memref<26x64xf32, #tpu.memory_space<hbm>>) target_semaphore(%arg17 : memref<!tpu.dma_semaphore, #tpu.memory_space<semaphore_mem>>)
      %mul3A_1002 = arith.constant 4 : i32
      %mul3A_1003 = arith.muli %add3A_935, %mul3A_1002 : i32
      %add3A_1004 = arith.addi %mul3A_2, %mul3A_1003 : i32
      %add3A_1005 = arith.constant 3 : i32
      %add3A_1006 = arith.addi %add3A_1004, %add3A_1005 : i32
      %dma_start3A_1007 = arith.constant 2 : i32
      %dma_start3A_1008 = arith.constant 78 : i32
      %dma_start3A_1009 = arith.constant 0 : i32
      %dma_start3A_1010 = tpu.memref_slice %arg6[%dma_start3A_1007, %dma_start3A_1008, %dma_start3A_1009] : memref<8x104x64xf32, #tpu.memory_space<vmem>> -> memref<1x26x64xf32, #tpu.memory_space<vmem>>
      %dma_start3A_1011 = tpu.memref_squeeze %dma_start3A_1010 : memref<1x26x64xf32, #tpu.memory_space<vmem>> -> memref<26x64xf32, #tpu.memory_space<vmem>>
      %dma_start3A_1012 = arith.constant 0 : i32
      %dma_start3A_1013 = arith.constant 0 : i32
      %dma_start3A_1014 = tpu.memref_slice %arg4[%add3A_1006, %dma_start3A_1012, %dma_start3A_1013] : memref<16384x32x128xf32, #tpu.memory_space<hbm>> -> memref<1x26x64xf32, #tpu.memory_space<hbm>>
      %dma_start3A_1015 = tpu.memref_squeeze %dma_start3A_1014 : memref<1x26x64xf32, #tpu.memory_space<hbm>> -> memref<26x64xf32, #tpu.memory_space<hbm>>
      %dma_start3A_1016 = arith.constant 0 : i32
      %dma_start3A_1017 = arith.constant 0 : i32
      %dma_start3A_1018 = tpu.memref_slice %arg4[%add3A_1006, %dma_start3A_1016, %dma_start3A_1017] : memref<16384x32x128xf32, #tpu.memory_space<hbm>> -> memref<1x26x64xf32, #tpu.memory_space<hbm>>
      %dma_start3A_1019 = tpu.memref_squeeze %dma_start3A_1018 : memref<1x26x64xf32, #tpu.memory_space<hbm>> -> memref<26x64xf32, #tpu.memory_space<hbm>>
      %dma_start3A_1020 = arith.constant 78 : i32
      %dma_start3A_1021 = arith.constant 0 : i32
      %dma_start3A_1022 = tpu.memref_slice %arg6[%dma_start3A_1007, %dma_start3A_1020, %dma_start3A_1021] : memref<8x104x64xf32, #tpu.memory_space<vmem>> -> memref<1x26x64xf32, #tpu.memory_space<vmem>>
      %dma_start3A_1023 = tpu.memref_squeeze %dma_start3A_1022 : memref<1x26x64xf32, #tpu.memory_space<vmem>> -> memref<26x64xf32, #tpu.memory_space<vmem>>
      tpu.enqueue_dma source(%dma_start3A_1023 : memref<26x64xf32, #tpu.memory_space<vmem>>) target(%dma_start3A_1019 : memref<26x64xf32, #tpu.memory_space<hbm>>) target_semaphore(%arg17 : memref<!tpu.dma_semaphore, #tpu.memory_space<semaphore_mem>>)
      %dma_wait3A_1024 = arith.constant 0 : i32
      %dma_wait3A_1025 = arith.constant 3 : i32
      %dma_wait3A_1026 = arith.constant 0 : i32
      %dma_wait3A_1027 = arith.constant 0 : i32
      %dma_wait3A_1028 = tpu.memref_slice %arg6[%dma_wait3A_1025, %dma_wait3A_1026, %dma_wait3A_1027] : memref<8x104x64xf32, #tpu.memory_space<vmem>> -> memref<1x104x64xf32, #tpu.memory_space<vmem>>
      %dma_wait3A_1029 = tpu.memref_squeeze %dma_wait3A_1028 : memref<1x104x64xf32, #tpu.memory_space<vmem>> -> memref<104x64xf32, #tpu.memory_space<vmem>>
      %dma_wait3A_1030 = arith.constant 0 : i32
      %dma_wait3A_1031 = tpu.memref_slice %arg5[%dma_wait3A_1024, %dma_wait3A_1030] : memref<128x104xi32, #tpu.memory_space<vmem>> -> memref<1x104xi32, #tpu.memory_space<vmem>>
      %dma_wait3A_1032 = tpu.memref_squeeze %dma_wait3A_1031 : memref<1x104xi32, #tpu.memory_space<vmem>> -> memref<104xi32, #tpu.memory_space<vmem>>
      %dma_wait3A_1033 = arith.constant 0 : i32
      %dma_wait3A_1034 = arith.constant 0 : i32
      %dma_wait3A_1035 = tpu.memref_slice %arg3[%dma_wait3A_1033, %dma_wait3A_1034] : memref<1000000x64xf32, #tpu.memory_space<hbm>> -> memref<1000000x64xf32, #tpu.memory_space<hbm>>
      tpu.wait_indirect_dma semaphore(%arg10 : memref<!tpu.dma_semaphore, #tpu.memory_space<semaphore_mem>>) src(%dma_wait3A_1035 : memref<1000000x64xf32, #tpu.memory_space<hbm>>) dst(%dma_wait3A_1029 : memref<104x64xf32, #tpu.memory_space<vmem>>)
      %add3A_1036 = arith.constant 3 : i32
      %add3A_1037 = arith.addi %mul3A_717, %add3A_1036 : i32
      %mul3A_1038 = arith.constant 4 : i32
      %mul3A_1039 = arith.muli %add3A_1037, %mul3A_1038 : i32
      %add3A_1040 = arith.addi %mul3A_2, %mul3A_1039 : i32
      %add3A_1041 = arith.constant 0 : i32
      %add3A_1042 = arith.addi %add3A_1040, %add3A_1041 : i32
      %dma_start3A_1043 = arith.constant 3 : i32
      %dma_start3A_1044 = arith.constant 0 : i32
      %dma_start3A_1045 = arith.constant 0 : i32
      %dma_start3A_1046 = tpu.memref_slice %arg6[%dma_start3A_1043, %dma_start3A_1044, %dma_start3A_1045] : memref<8x104x64xf32, #tpu.memory_space<vmem>> -> memref<1x26x64xf32, #tpu.memory_space<vmem>>
      %dma_start3A_1047 = tpu.memref_squeeze %dma_start3A_1046 : memref<1x26x64xf32, #tpu.memory_space<vmem>> -> memref<26x64xf32, #tpu.memory_space<vmem>>
      %dma_start3A_1048 = arith.constant 0 : i32
      %dma_start3A_1049 = arith.constant 0 : i32
      %dma_start3A_1050 = tpu.memref_slice %arg4[%add3A_1042, %dma_start3A_1048, %dma_start3A_1049] : memref<16384x32x128xf32, #tpu.memory_space<hbm>> -> memref<1x26x64xf32, #tpu.memory_space<hbm>>
      %dma_start3A_1051 = tpu.memref_squeeze %dma_start3A_1050 : memref<1x26x64xf32, #tpu.memory_space<hbm>> -> memref<26x64xf32, #tpu.memory_space<hbm>>
      %dma_start3A_1052 = arith.constant 0 : i32
      %dma_start3A_1053 = arith.constant 0 : i32
      %dma_start3A_1054 = tpu.memref_slice %arg4[%add3A_1042, %dma_start3A_1052, %dma_start3A_1053] : memref<16384x32x128xf32, #tpu.memory_space<hbm>> -> memref<1x26x64xf32, #tpu.memory_space<hbm>>
      %dma_start3A_1055 = tpu.memref_squeeze %dma_start3A_1054 : memref<1x26x64xf32, #tpu.memory_space<hbm>> -> memref<26x64xf32, #tpu.memory_space<hbm>>
      %dma_start3A_1056 = arith.constant 0 : i32
      %dma_start3A_1057 = arith.constant 0 : i32
      %dma_start3A_1058 = tpu.memref_slice %arg6[%dma_start3A_1043, %dma_start3A_1056, %dma_start3A_1057] : memref<8x104x64xf32, #tpu.memory_space<vmem>> -> memref<1x26x64xf32, #tpu.memory_space<vmem>>
      %dma_start3A_1059 = tpu.memref_squeeze %dma_start3A_1058 : memref<1x26x64xf32, #tpu.memory_space<vmem>> -> memref<26x64xf32, #tpu.memory_space<vmem>>
      tpu.enqueue_dma source(%dma_start3A_1059 : memref<26x64xf32, #tpu.memory_space<vmem>>) target(%dma_start3A_1055 : memref<26x64xf32, #tpu.memory_space<hbm>>) target_semaphore(%arg18 : memref<!tpu.dma_semaphore, #tpu.memory_space<semaphore_mem>>)
      %mul3A_1060 = arith.constant 4 : i32
      %mul3A_1061 = arith.muli %add3A_1037, %mul3A_1060 : i32
      %add3A_1062 = arith.addi %mul3A_2, %mul3A_1061 : i32
      %add3A_1063 = arith.constant 1 : i32
      %add3A_1064 = arith.addi %add3A_1062, %add3A_1063 : i32
      %dma_start3A_1065 = arith.constant 3 : i32
      %dma_start3A_1066 = arith.constant 26 : i32
      %dma_start3A_1067 = arith.constant 0 : i32
      %dma_start3A_1068 = tpu.memref_slice %arg6[%dma_start3A_1065, %dma_start3A_1066, %dma_start3A_1067] : memref<8x104x64xf32, #tpu.memory_space<vmem>> -> memref<1x26x64xf32, #tpu.memory_space<vmem>>
      %dma_start3A_1069 = tpu.memref_squeeze %dma_start3A_1068 : memref<1x26x64xf32, #tpu.memory_space<vmem>> -> memref<26x64xf32, #tpu.memory_space<vmem>>
      %dma_start3A_1070 = arith.constant 0 : i32
      %dma_start3A_1071 = arith.constant 0 : i32
      %dma_start3A_1072 = tpu.memref_slice %arg4[%add3A_1064, %dma_start3A_1070, %dma_start3A_1071] : memref<16384x32x128xf32, #tpu.memory_space<hbm>> -> memref<1x26x64xf32, #tpu.memory_space<hbm>>
      %dma_start3A_1073 = tpu.memref_squeeze %dma_start3A_1072 : memref<1x26x64xf32, #tpu.memory_space<hbm>> -> memref<26x64xf32, #tpu.memory_space<hbm>>
      %dma_start3A_1074 = arith.constant 0 : i32
      %dma_start3A_1075 = arith.constant 0 : i32
      %dma_start3A_1076 = tpu.memref_slice %arg4[%add3A_1064, %dma_start3A_1074, %dma_start3A_1075] : memref<16384x32x128xf32, #tpu.memory_space<hbm>> -> memref<1x26x64xf32, #tpu.memory_space<hbm>>
      %dma_start3A_1077 = tpu.memref_squeeze %dma_start3A_1076 : memref<1x26x64xf32, #tpu.memory_space<hbm>> -> memref<26x64xf32, #tpu.memory_space<hbm>>
      %dma_start3A_1078 = arith.constant 26 : i32
      %dma_start3A_1079 = arith.constant 0 : i32
      %dma_start3A_1080 = tpu.memref_slice %arg6[%dma_start3A_1065, %dma_start3A_1078, %dma_start3A_1079] : memref<8x104x64xf32, #tpu.memory_space<vmem>> -> memref<1x26x64xf32, #tpu.memory_space<vmem>>
      %dma_start3A_1081 = tpu.memref_squeeze %dma_start3A_1080 : memref<1x26x64xf32, #tpu.memory_space<vmem>> -> memref<26x64xf32, #tpu.memory_space<vmem>>
      tpu.enqueue_dma source(%dma_start3A_1081 : memref<26x64xf32, #tpu.memory_space<vmem>>) target(%dma_start3A_1077 : memref<26x64xf32, #tpu.memory_space<hbm>>) target_semaphore(%arg18 : memref<!tpu.dma_semaphore, #tpu.memory_space<semaphore_mem>>)
      %mul3A_1082 = arith.constant 4 : i32
      %mul3A_1083 = arith.muli %add3A_1037, %mul3A_1082 : i32
      %add3A_1084 = arith.addi %mul3A_2, %mul3A_1083 : i32
      %add3A_1085 = arith.constant 2 : i32
      %add3A_1086 = arith.addi %add3A_1084, %add3A_1085 : i32
      %dma_start3A_1087 = arith.constant 3 : i32
      %dma_start3A_1088 = arith.constant 52 : i32
      %dma_start3A_1089 = arith.constant 0 : i32
      %dma_start3A_1090 = tpu.memref_slice %arg6[%dma_start3A_1087, %dma_start3A_1088, %dma_start3A_1089] : memref<8x104x64xf32, #tpu.memory_space<vmem>> -> memref<1x26x64xf32, #tpu.memory_space<vmem>>
      %dma_start3A_1091 = tpu.memref_squeeze %dma_start3A_1090 : memref<1x26x64xf32, #tpu.memory_space<vmem>> -> memref<26x64xf32, #tpu.memory_space<vmem>>
      %dma_start3A_1092 = arith.constant 0 : i32
      %dma_start3A_1093 = arith.constant 0 : i32
      %dma_start3A_1094 = tpu.memref_slice %arg4[%add3A_1086, %dma_start3A_1092, %dma_start3A_1093] : memref<16384x32x128xf32, #tpu.memory_space<hbm>> -> memref<1x26x64xf32, #tpu.memory_space<hbm>>
      %dma_start3A_1095 = tpu.memref_squeeze %dma_start3A_1094 : memref<1x26x64xf32, #tpu.memory_space<hbm>> -> memref<26x64xf32, #tpu.memory_space<hbm>>
      %dma_start3A_1096 = arith.constant 0 : i32
      %dma_start3A_1097 = arith.constant 0 : i32
      %dma_start3A_1098 = tpu.memref_slice %arg4[%add3A_1086, %dma_start3A_1096, %dma_start3A_1097] : memref<16384x32x128xf32, #tpu.memory_space<hbm>> -> memref<1x26x64xf32, #tpu.memory_space<hbm>>
      %dma_start3A_1099 = tpu.memref_squeeze %dma_start3A_1098 : memref<1x26x64xf32, #tpu.memory_space<hbm>> -> memref<26x64xf32, #tpu.memory_space<hbm>>
      %dma_start3A_1100 = arith.constant 52 : i32
      %dma_start3A_1101 = arith.constant 0 : i32
      %dma_start3A_1102 = tpu.memref_slice %arg6[%dma_start3A_1087, %dma_start3A_1100, %dma_start3A_1101] : memref<8x104x64xf32, #tpu.memory_space<vmem>> -> memref<1x26x64xf32, #tpu.memory_space<vmem>>
      %dma_start3A_1103 = tpu.memref_squeeze %dma_start3A_1102 : memref<1x26x64xf32, #tpu.memory_space<vmem>> -> memref<26x64xf32, #tpu.memory_space<vmem>>
      tpu.enqueue_dma source(%dma_start3A_1103 : memref<26x64xf32, #tpu.memory_space<vmem>>) target(%dma_start3A_1099 : memref<26x64xf32, #tpu.memory_space<hbm>>) target_semaphore(%arg18 : memref<!tpu.dma_semaphore, #tpu.memory_space<semaphore_mem>>)
      %mul3A_1104 = arith.constant 4 : i32
      %mul3A_1105 = arith.muli %add3A_1037, %mul3A_1104 : i32
      %add3A_1106 = arith.addi %mul3A_2, %mul3A_1105 : i32
      %add3A_1107 = arith.constant 3 : i32
      %add3A_1108 = arith.addi %add3A_1106, %add3A_1107 : i32
      %dma_start3A_1109 = arith.constant 3 : i32
      %dma_start3A_1110 = arith.constant 78 : i32
      %dma_start3A_1111 = arith.constant 0 : i32
      %dma_start3A_1112 = tpu.memref_slice %arg6[%dma_start3A_1109, %dma_start3A_1110, %dma_start3A_1111] : memref<8x104x64xf32, #tpu.memory_space<vmem>> -> memref<1x26x64xf32, #tpu.memory_space<vmem>>
      %dma_start3A_1113 = tpu.memref_squeeze %dma_start3A_1112 : memref<1x26x64xf32, #tpu.memory_space<vmem>> -> memref<26x64xf32, #tpu.memory_space<vmem>>
      %dma_start3A_1114 = arith.constant 0 : i32
      %dma_start3A_1115 = arith.constant 0 : i32
      %dma_start3A_1116 = tpu.memref_slice %arg4[%add3A_1108, %dma_start3A_1114, %dma_start3A_1115] : memref<16384x32x128xf32, #tpu.memory_space<hbm>> -> memref<1x26x64xf32, #tpu.memory_space<hbm>>
      %dma_start3A_1117 = tpu.memref_squeeze %dma_start3A_1116 : memref<1x26x64xf32, #tpu.memory_space<hbm>> -> memref<26x64xf32, #tpu.memory_space<hbm>>
      %dma_start3A_1118 = arith.constant 0 : i32
      %dma_start3A_1119 = arith.constant 0 : i32
      %dma_start3A_1120 = tpu.memref_slice %arg4[%add3A_1108, %dma_start3A_1118, %dma_start3A_1119] : memref<16384x32x128xf32, #tpu.memory_space<hbm>> -> memref<1x26x64xf32, #tpu.memory_space<hbm>>
      %dma_start3A_1121 = tpu.memref_squeeze %dma_start3A_1120 : memref<1x26x64xf32, #tpu.memory_space<hbm>> -> memref<26x64xf32, #tpu.memory_space<hbm>>
      %dma_start3A_1122 = arith.constant 78 : i32
      %dma_start3A_1123 = arith.constant 0 : i32
      %dma_start3A_1124 = tpu.memref_slice %arg6[%dma_start3A_1109, %dma_start3A_1122, %dma_start3A_1123] : memref<8x104x64xf32, #tpu.memory_space<vmem>> -> memref<1x26x64xf32, #tpu.memory_space<vmem>>
      %dma_start3A_1125 = tpu.memref_squeeze %dma_start3A_1124 : memref<1x26x64xf32, #tpu.memory_space<vmem>> -> memref<26x64xf32, #tpu.memory_space<vmem>>
      tpu.enqueue_dma source(%dma_start3A_1125 : memref<26x64xf32, #tpu.memory_space<vmem>>) target(%dma_start3A_1121 : memref<26x64xf32, #tpu.memory_space<hbm>>) target_semaphore(%arg18 : memref<!tpu.dma_semaphore, #tpu.memory_space<semaphore_mem>>)
      %dma_wait3A_1126 = arith.constant 0 : i32
      %dma_wait3A_1127 = arith.constant 4 : i32
      %dma_wait3A_1128 = arith.constant 0 : i32
      %dma_wait3A_1129 = arith.constant 0 : i32
      %dma_wait3A_1130 = tpu.memref_slice %arg6[%dma_wait3A_1127, %dma_wait3A_1128, %dma_wait3A_1129] : memref<8x104x64xf32, #tpu.memory_space<vmem>> -> memref<1x104x64xf32, #tpu.memory_space<vmem>>
      %dma_wait3A_1131 = tpu.memref_squeeze %dma_wait3A_1130 : memref<1x104x64xf32, #tpu.memory_space<vmem>> -> memref<104x64xf32, #tpu.memory_space<vmem>>
      %dma_wait3A_1132 = arith.constant 0 : i32
      %dma_wait3A_1133 = tpu.memref_slice %arg5[%dma_wait3A_1126, %dma_wait3A_1132] : memref<128x104xi32, #tpu.memory_space<vmem>> -> memref<1x104xi32, #tpu.memory_space<vmem>>
      %dma_wait3A_1134 = tpu.memref_squeeze %dma_wait3A_1133 : memref<1x104xi32, #tpu.memory_space<vmem>> -> memref<104xi32, #tpu.memory_space<vmem>>
      %dma_wait3A_1135 = arith.constant 0 : i32
      %dma_wait3A_1136 = arith.constant 0 : i32
      %dma_wait3A_1137 = tpu.memref_slice %arg3[%dma_wait3A_1135, %dma_wait3A_1136] : memref<1000000x64xf32, #tpu.memory_space<hbm>> -> memref<1000000x64xf32, #tpu.memory_space<hbm>>
      tpu.wait_indirect_dma semaphore(%arg11 : memref<!tpu.dma_semaphore, #tpu.memory_space<semaphore_mem>>) src(%dma_wait3A_1137 : memref<1000000x64xf32, #tpu.memory_space<hbm>>) dst(%dma_wait3A_1131 : memref<104x64xf32, #tpu.memory_space<vmem>>)
      %add3A_1138 = arith.constant 4 : i32
      %add3A_1139 = arith.addi %mul3A_717, %add3A_1138 : i32
      %mul3A_1140 = arith.constant 4 : i32
      %mul3A_1141 = arith.muli %add3A_1139, %mul3A_1140 : i32
      %add3A_1142 = arith.addi %mul3A_2, %mul3A_1141 : i32
      %add3A_1143 = arith.constant 0 : i32
      %add3A_1144 = arith.addi %add3A_1142, %add3A_1143 : i32
      %dma_start3A_1145 = arith.constant 4 : i32
      %dma_start3A_1146 = arith.constant 0 : i32
      %dma_start3A_1147 = arith.constant 0 : i32
      %dma_start3A_1148 = tpu.memref_slice %arg6[%dma_start3A_1145, %dma_start3A_1146, %dma_start3A_1147] : memref<8x104x64xf32, #tpu.memory_space<vmem>> -> memref<1x26x64xf32, #tpu.memory_space<vmem>>
      %dma_start3A_1149 = tpu.memref_squeeze %dma_start3A_1148 : memref<1x26x64xf32, #tpu.memory_space<vmem>> -> memref<26x64xf32, #tpu.memory_space<vmem>>
      %dma_start3A_1150 = arith.constant 0 : i32
      %dma_start3A_1151 = arith.constant 0 : i32
      %dma_start3A_1152 = tpu.memref_slice %arg4[%add3A_1144, %dma_start3A_1150, %dma_start3A_1151] : memref<16384x32x128xf32, #tpu.memory_space<hbm>> -> memref<1x26x64xf32, #tpu.memory_space<hbm>>
      %dma_start3A_1153 = tpu.memref_squeeze %dma_start3A_1152 : memref<1x26x64xf32, #tpu.memory_space<hbm>> -> memref<26x64xf32, #tpu.memory_space<hbm>>
      %dma_start3A_1154 = arith.constant 0 : i32
      %dma_start3A_1155 = arith.constant 0 : i32
      %dma_start3A_1156 = tpu.memref_slice %arg4[%add3A_1144, %dma_start3A_1154, %dma_start3A_1155] : memref<16384x32x128xf32, #tpu.memory_space<hbm>> -> memref<1x26x64xf32, #tpu.memory_space<hbm>>
      %dma_start3A_1157 = tpu.memref_squeeze %dma_start3A_1156 : memref<1x26x64xf32, #tpu.memory_space<hbm>> -> memref<26x64xf32, #tpu.memory_space<hbm>>
      %dma_start3A_1158 = arith.constant 0 : i32
      %dma_start3A_1159 = arith.constant 0 : i32
      %dma_start3A_1160 = tpu.memref_slice %arg6[%dma_start3A_1145, %dma_start3A_1158, %dma_start3A_1159] : memref<8x104x64xf32, #tpu.memory_space<vmem>> -> memref<1x26x64xf32, #tpu.memory_space<vmem>>
      %dma_start3A_1161 = tpu.memref_squeeze %dma_start3A_1160 : memref<1x26x64xf32, #tpu.memory_space<vmem>> -> memref<26x64xf32, #tpu.memory_space<vmem>>
      tpu.enqueue_dma source(%dma_start3A_1161 : memref<26x64xf32, #tpu.memory_space<vmem>>) target(%dma_start3A_1157 : memref<26x64xf32, #tpu.memory_space<hbm>>) target_semaphore(%arg19 : memref<!tpu.dma_semaphore, #tpu.memory_space<semaphore_mem>>)
      %mul3A_1162 = arith.constant 4 : i32
      %mul3A_1163 = arith.muli %add3A_1139, %mul3A_1162 : i32
      %add3A_1164 = arith.addi %mul3A_2, %mul3A_1163 : i32
      %add3A_1165 = arith.constant 1 : i32
      %add3A_1166 = arith.addi %add3A_1164, %add3A_1165 : i32
      %dma_start3A_1167 = arith.constant 4 : i32
      %dma_start3A_1168 = arith.constant 26 : i32
      %dma_start3A_1169 = arith.constant 0 : i32
      %dma_start3A_1170 = tpu.memref_slice %arg6[%dma_start3A_1167, %dma_start3A_1168, %dma_start3A_1169] : memref<8x104x64xf32, #tpu.memory_space<vmem>> -> memref<1x26x64xf32, #tpu.memory_space<vmem>>
      %dma_start3A_1171 = tpu.memref_squeeze %dma_start3A_1170 : memref<1x26x64xf32, #tpu.memory_space<vmem>> -> memref<26x64xf32, #tpu.memory_space<vmem>>
      %dma_start3A_1172 = arith.constant 0 : i32
      %dma_start3A_1173 = arith.constant 0 : i32
      %dma_start3A_1174 = tpu.memref_slice %arg4[%add3A_1166, %dma_start3A_1172, %dma_start3A_1173] : memref<16384x32x128xf32, #tpu.memory_space<hbm>> -> memref<1x26x64xf32, #tpu.memory_space<hbm>>
      %dma_start3A_1175 = tpu.memref_squeeze %dma_start3A_1174 : memref<1x26x64xf32, #tpu.memory_space<hbm>> -> memref<26x64xf32, #tpu.memory_space<hbm>>
      %dma_start3A_1176 = arith.constant 0 : i32
      %dma_start3A_1177 = arith.constant 0 : i32
      %dma_start3A_1178 = tpu.memref_slice %arg4[%add3A_1166, %dma_start3A_1176, %dma_start3A_1177] : memref<16384x32x128xf32, #tpu.memory_space<hbm>> -> memref<1x26x64xf32, #tpu.memory_space<hbm>>
      %dma_start3A_1179 = tpu.memref_squeeze %dma_start3A_1178 : memref<1x26x64xf32, #tpu.memory_space<hbm>> -> memref<26x64xf32, #tpu.memory_space<hbm>>
      %dma_start3A_1180 = arith.constant 26 : i32
      %dma_start3A_1181 = arith.constant 0 : i32
      %dma_start3A_1182 = tpu.memref_slice %arg6[%dma_start3A_1167, %dma_start3A_1180, %dma_start3A_1181] : memref<8x104x64xf32, #tpu.memory_space<vmem>> -> memref<1x26x64xf32, #tpu.memory_space<vmem>>
      %dma_start3A_1183 = tpu.memref_squeeze %dma_start3A_1182 : memref<1x26x64xf32, #tpu.memory_space<vmem>> -> memref<26x64xf32, #tpu.memory_space<vmem>>
      tpu.enqueue_dma source(%dma_start3A_1183 : memref<26x64xf32, #tpu.memory_space<vmem>>) target(%dma_start3A_1179 : memref<26x64xf32, #tpu.memory_space<hbm>>) target_semaphore(%arg19 : memref<!tpu.dma_semaphore, #tpu.memory_space<semaphore_mem>>)
      %mul3A_1184 = arith.constant 4 : i32
      %mul3A_1185 = arith.muli %add3A_1139, %mul3A_1184 : i32
      %add3A_1186 = arith.addi %mul3A_2, %mul3A_1185 : i32
      %add3A_1187 = arith.constant 2 : i32
      %add3A_1188 = arith.addi %add3A_1186, %add3A_1187 : i32
      %dma_start3A_1189 = arith.constant 4 : i32
      %dma_start3A_1190 = arith.constant 52 : i32
      %dma_start3A_1191 = arith.constant 0 : i32
      %dma_start3A_1192 = tpu.memref_slice %arg6[%dma_start3A_1189, %dma_start3A_1190, %dma_start3A_1191] : memref<8x104x64xf32, #tpu.memory_space<vmem>> -> memref<1x26x64xf32, #tpu.memory_space<vmem>>
      %dma_start3A_1193 = tpu.memref_squeeze %dma_start3A_1192 : memref<1x26x64xf32, #tpu.memory_space<vmem>> -> memref<26x64xf32, #tpu.memory_space<vmem>>
      %dma_start3A_1194 = arith.constant 0 : i32
      %dma_start3A_1195 = arith.constant 0 : i32
      %dma_start3A_1196 = tpu.memref_slice %arg4[%add3A_1188, %dma_start3A_1194, %dma_start3A_1195] : memref<16384x32x128xf32, #tpu.memory_space<hbm>> -> memref<1x26x64xf32, #tpu.memory_space<hbm>>
      %dma_start3A_1197 = tpu.memref_squeeze %dma_start3A_1196 : memref<1x26x64xf32, #tpu.memory_space<hbm>> -> memref<26x64xf32, #tpu.memory_space<hbm>>
      %dma_start3A_1198 = arith.constant 0 : i32
      %dma_start3A_1199 = arith.constant 0 : i32
      %dma_start3A_1200 = tpu.memref_slice %arg4[%add3A_1188, %dma_start3A_1198, %dma_start3A_1199] : memref<16384x32x128xf32, #tpu.memory_space<hbm>> -> memref<1x26x64xf32, #tpu.memory_space<hbm>>
      %dma_start3A_1201 = tpu.memref_squeeze %dma_start3A_1200 : memref<1x26x64xf32, #tpu.memory_space<hbm>> -> memref<26x64xf32, #tpu.memory_space<hbm>>
      %dma_start3A_1202 = arith.constant 52 : i32
      %dma_start3A_1203 = arith.constant 0 : i32
      %dma_start3A_1204 = tpu.memref_slice %arg6[%dma_start3A_1189, %dma_start3A_1202, %dma_start3A_1203] : memref<8x104x64xf32, #tpu.memory_space<vmem>> -> memref<1x26x64xf32, #tpu.memory_space<vmem>>
      %dma_start3A_1205 = tpu.memref_squeeze %dma_start3A_1204 : memref<1x26x64xf32, #tpu.memory_space<vmem>> -> memref<26x64xf32, #tpu.memory_space<vmem>>
      tpu.enqueue_dma source(%dma_start3A_1205 : memref<26x64xf32, #tpu.memory_space<vmem>>) target(%dma_start3A_1201 : memref<26x64xf32, #tpu.memory_space<hbm>>) target_semaphore(%arg19 : memref<!tpu.dma_semaphore, #tpu.memory_space<semaphore_mem>>)
      %mul3A_1206 = arith.constant 4 : i32
      %mul3A_1207 = arith.muli %add3A_1139, %mul3A_1206 : i32
      %add3A_1208 = arith.addi %mul3A_2, %mul3A_1207 : i32
      %add3A_1209 = arith.constant 3 : i32
      %add3A_1210 = arith.addi %add3A_1208, %add3A_1209 : i32
      %dma_start3A_1211 = arith.constant 4 : i32
      %dma_start3A_1212 = arith.constant 78 : i32
      %dma_start3A_1213 = arith.constant 0 : i32
      %dma_start3A_1214 = tpu.memref_slice %arg6[%dma_start3A_1211, %dma_start3A_1212, %dma_start3A_1213] : memref<8x104x64xf32, #tpu.memory_space<vmem>> -> memref<1x26x64xf32, #tpu.memory_space<vmem>>
      %dma_start3A_1215 = tpu.memref_squeeze %dma_start3A_1214 : memref<1x26x64xf32, #tpu.memory_space<vmem>> -> memref<26x64xf32, #tpu.memory_space<vmem>>
      %dma_start3A_1216 = arith.constant 0 : i32
      %dma_start3A_1217 = arith.constant 0 : i32
      %dma_start3A_1218 = tpu.memref_slice %arg4[%add3A_1210, %dma_start3A_1216, %dma_start3A_1217] : memref<16384x32x128xf32, #tpu.memory_space<hbm>> -> memref<1x26x64xf32, #tpu.memory_space<hbm>>
      %dma_start3A_1219 = tpu.memref_squeeze %dma_start3A_1218 : memref<1x26x64xf32, #tpu.memory_space<hbm>> -> memref<26x64xf32, #tpu.memory_space<hbm>>
      %dma_start3A_1220 = arith.constant 0 : i32
      %dma_start3A_1221 = arith.constant 0 : i32
      %dma_start3A_1222 = tpu.memref_slice %arg4[%add3A_1210, %dma_start3A_1220, %dma_start3A_1221] : memref<16384x32x128xf32, #tpu.memory_space<hbm>> -> memref<1x26x64xf32, #tpu.memory_space<hbm>>
      %dma_start3A_1223 = tpu.memref_squeeze %dma_start3A_1222 : memref<1x26x64xf32, #tpu.memory_space<hbm>> -> memref<26x64xf32, #tpu.memory_space<hbm>>
      %dma_start3A_1224 = arith.constant 78 : i32
      %dma_start3A_1225 = arith.constant 0 : i32
      %dma_start3A_1226 = tpu.memref_slice %arg6[%dma_start3A_1211, %dma_start3A_1224, %dma_start3A_1225] : memref<8x104x64xf32, #tpu.memory_space<vmem>> -> memref<1x26x64xf32, #tpu.memory_space<vmem>>
      %dma_start3A_1227 = tpu.memref_squeeze %dma_start3A_1226 : memref<1x26x64xf32, #tpu.memory_space<vmem>> -> memref<26x64xf32, #tpu.memory_space<vmem>>
      tpu.enqueue_dma source(%dma_start3A_1227 : memref<26x64xf32, #tpu.memory_space<vmem>>) target(%dma_start3A_1223 : memref<26x64xf32, #tpu.memory_space<hbm>>) target_semaphore(%arg19 : memref<!tpu.dma_semaphore, #tpu.memory_space<semaphore_mem>>)
      %dma_wait3A_1228 = arith.constant 0 : i32
      %dma_wait3A_1229 = arith.constant 5 : i32
      %dma_wait3A_1230 = arith.constant 0 : i32
      %dma_wait3A_1231 = arith.constant 0 : i32
      %dma_wait3A_1232 = tpu.memref_slice %arg6[%dma_wait3A_1229, %dma_wait3A_1230, %dma_wait3A_1231] : memref<8x104x64xf32, #tpu.memory_space<vmem>> -> memref<1x104x64xf32, #tpu.memory_space<vmem>>
      %dma_wait3A_1233 = tpu.memref_squeeze %dma_wait3A_1232 : memref<1x104x64xf32, #tpu.memory_space<vmem>> -> memref<104x64xf32, #tpu.memory_space<vmem>>
      %dma_wait3A_1234 = arith.constant 0 : i32
      %dma_wait3A_1235 = tpu.memref_slice %arg5[%dma_wait3A_1228, %dma_wait3A_1234] : memref<128x104xi32, #tpu.memory_space<vmem>> -> memref<1x104xi32, #tpu.memory_space<vmem>>
      %dma_wait3A_1236 = tpu.memref_squeeze %dma_wait3A_1235 : memref<1x104xi32, #tpu.memory_space<vmem>> -> memref<104xi32, #tpu.memory_space<vmem>>
      %dma_wait3A_1237 = arith.constant 0 : i32
      %dma_wait3A_1238 = arith.constant 0 : i32
      %dma_wait3A_1239 = tpu.memref_slice %arg3[%dma_wait3A_1237, %dma_wait3A_1238] : memref<1000000x64xf32, #tpu.memory_space<hbm>> -> memref<1000000x64xf32, #tpu.memory_space<hbm>>
      tpu.wait_indirect_dma semaphore(%arg12 : memref<!tpu.dma_semaphore, #tpu.memory_space<semaphore_mem>>) src(%dma_wait3A_1239 : memref<1000000x64xf32, #tpu.memory_space<hbm>>) dst(%dma_wait3A_1233 : memref<104x64xf32, #tpu.memory_space<vmem>>)
      %add3A_1240 = arith.constant 5 : i32
      %add3A_1241 = arith.addi %mul3A_717, %add3A_1240 : i32
      %mul3A_1242 = arith.constant 4 : i32
      %mul3A_1243 = arith.muli %add3A_1241, %mul3A_1242 : i32
      %add3A_1244 = arith.addi %mul3A_2, %mul3A_1243 : i32
      %add3A_1245 = arith.constant 0 : i32
      %add3A_1246 = arith.addi %add3A_1244, %add3A_1245 : i32
      %dma_start3A_1247 = arith.constant 5 : i32
      %dma_start3A_1248 = arith.constant 0 : i32
      %dma_start3A_1249 = arith.constant 0 : i32
      %dma_start3A_1250 = tpu.memref_slice %arg6[%dma_start3A_1247, %dma_start3A_1248, %dma_start3A_1249] : memref<8x104x64xf32, #tpu.memory_space<vmem>> -> memref<1x26x64xf32, #tpu.memory_space<vmem>>
      %dma_start3A_1251 = tpu.memref_squeeze %dma_start3A_1250 : memref<1x26x64xf32, #tpu.memory_space<vmem>> -> memref<26x64xf32, #tpu.memory_space<vmem>>
      %dma_start3A_1252 = arith.constant 0 : i32
      %dma_start3A_1253 = arith.constant 0 : i32
      %dma_start3A_1254 = tpu.memref_slice %arg4[%add3A_1246, %dma_start3A_1252, %dma_start3A_1253] : memref<16384x32x128xf32, #tpu.memory_space<hbm>> -> memref<1x26x64xf32, #tpu.memory_space<hbm>>
      %dma_start3A_1255 = tpu.memref_squeeze %dma_start3A_1254 : memref<1x26x64xf32, #tpu.memory_space<hbm>> -> memref<26x64xf32, #tpu.memory_space<hbm>>
      %dma_start3A_1256 = arith.constant 0 : i32
      %dma_start3A_1257 = arith.constant 0 : i32
      %dma_start3A_1258 = tpu.memref_slice %arg4[%add3A_1246, %dma_start3A_1256, %dma_start3A_1257] : memref<16384x32x128xf32, #tpu.memory_space<hbm>> -> memref<1x26x64xf32, #tpu.memory_space<hbm>>
      %dma_start3A_1259 = tpu.memref_squeeze %dma_start3A_1258 : memref<1x26x64xf32, #tpu.memory_space<hbm>> -> memref<26x64xf32, #tpu.memory_space<hbm>>
      %dma_start3A_1260 = arith.constant 0 : i32
      %dma_start3A_1261 = arith.constant 0 : i32
      %dma_start3A_1262 = tpu.memref_slice %arg6[%dma_start3A_1247, %dma_start3A_1260, %dma_start3A_1261] : memref<8x104x64xf32, #tpu.memory_space<vmem>> -> memref<1x26x64xf32, #tpu.memory_space<vmem>>
      %dma_start3A_1263 = tpu.memref_squeeze %dma_start3A_1262 : memref<1x26x64xf32, #tpu.memory_space<vmem>> -> memref<26x64xf32, #tpu.memory_space<vmem>>
      tpu.enqueue_dma source(%dma_start3A_1263 : memref<26x64xf32, #tpu.memory_space<vmem>>) target(%dma_start3A_1259 : memref<26x64xf32, #tpu.memory_space<hbm>>) target_semaphore(%arg20 : memref<!tpu.dma_semaphore, #tpu.memory_space<semaphore_mem>>)
      %mul3A_1264 = arith.constant 4 : i32
      %mul3A_1265 = arith.muli %add3A_1241, %mul3A_1264 : i32
      %add3A_1266 = arith.addi %mul3A_2, %mul3A_1265 : i32
      %add3A_1267 = arith.constant 1 : i32
      %add3A_1268 = arith.addi %add3A_1266, %add3A_1267 : i32
      %dma_start3A_1269 = arith.constant 5 : i32
      %dma_start3A_1270 = arith.constant 26 : i32
      %dma_start3A_1271 = arith.constant 0 : i32
      %dma_start3A_1272 = tpu.memref_slice %arg6[%dma_start3A_1269, %dma_start3A_1270, %dma_start3A_1271] : memref<8x104x64xf32, #tpu.memory_space<vmem>> -> memref<1x26x64xf32, #tpu.memory_space<vmem>>
      %dma_start3A_1273 = tpu.memref_squeeze %dma_start3A_1272 : memref<1x26x64xf32, #tpu.memory_space<vmem>> -> memref<26x64xf32, #tpu.memory_space<vmem>>
      %dma_start3A_1274 = arith.constant 0 : i32
      %dma_start3A_1275 = arith.constant 0 : i32
      %dma_start3A_1276 = tpu.memref_slice %arg4[%add3A_1268, %dma_start3A_1274, %dma_start3A_1275] : memref<16384x32x128xf32, #tpu.memory_space<hbm>> -> memref<1x26x64xf32, #tpu.memory_space<hbm>>
      %dma_start3A_1277 = tpu.memref_squeeze %dma_start3A_1276 : memref<1x26x64xf32, #tpu.memory_space<hbm>> -> memref<26x64xf32, #tpu.memory_space<hbm>>
      %dma_start3A_1278 = arith.constant 0 : i32
      %dma_start3A_1279 = arith.constant 0 : i32
      %dma_start3A_1280 = tpu.memref_slice %arg4[%add3A_1268, %dma_start3A_1278, %dma_start3A_1279] : memref<16384x32x128xf32, #tpu.memory_space<hbm>> -> memref<1x26x64xf32, #tpu.memory_space<hbm>>
      %dma_start3A_1281 = tpu.memref_squeeze %dma_start3A_1280 : memref<1x26x64xf32, #tpu.memory_space<hbm>> -> memref<26x64xf32, #tpu.memory_space<hbm>>
      %dma_start3A_1282 = arith.constant 26 : i32
      %dma_start3A_1283 = arith.constant 0 : i32
      %dma_start3A_1284 = tpu.memref_slice %arg6[%dma_start3A_1269, %dma_start3A_1282, %dma_start3A_1283] : memref<8x104x64xf32, #tpu.memory_space<vmem>> -> memref<1x26x64xf32, #tpu.memory_space<vmem>>
      %dma_start3A_1285 = tpu.memref_squeeze %dma_start3A_1284 : memref<1x26x64xf32, #tpu.memory_space<vmem>> -> memref<26x64xf32, #tpu.memory_space<vmem>>
      tpu.enqueue_dma source(%dma_start3A_1285 : memref<26x64xf32, #tpu.memory_space<vmem>>) target(%dma_start3A_1281 : memref<26x64xf32, #tpu.memory_space<hbm>>) target_semaphore(%arg20 : memref<!tpu.dma_semaphore, #tpu.memory_space<semaphore_mem>>)
      %mul3A_1286 = arith.constant 4 : i32
      %mul3A_1287 = arith.muli %add3A_1241, %mul3A_1286 : i32
      %add3A_1288 = arith.addi %mul3A_2, %mul3A_1287 : i32
      %add3A_1289 = arith.constant 2 : i32
      %add3A_1290 = arith.addi %add3A_1288, %add3A_1289 : i32
      %dma_start3A_1291 = arith.constant 5 : i32
      %dma_start3A_1292 = arith.constant 52 : i32
      %dma_start3A_1293 = arith.constant 0 : i32
      %dma_start3A_1294 = tpu.memref_slice %arg6[%dma_start3A_1291, %dma_start3A_1292, %dma_start3A_1293] : memref<8x104x64xf32, #tpu.memory_space<vmem>> -> memref<1x26x64xf32, #tpu.memory_space<vmem>>
      %dma_start3A_1295 = tpu.memref_squeeze %dma_start3A_1294 : memref<1x26x64xf32, #tpu.memory_space<vmem>> -> memref<26x64xf32, #tpu.memory_space<vmem>>
      %dma_start3A_1296 = arith.constant 0 : i32
      %dma_start3A_1297 = arith.constant 0 : i32
      %dma_start3A_1298 = tpu.memref_slice %arg4[%add3A_1290, %dma_start3A_1296, %dma_start3A_1297] : memref<16384x32x128xf32, #tpu.memory_space<hbm>> -> memref<1x26x64xf32, #tpu.memory_space<hbm>>
      %dma_start3A_1299 = tpu.memref_squeeze %dma_start3A_1298 : memref<1x26x64xf32, #tpu.memory_space<hbm>> -> memref<26x64xf32, #tpu.memory_space<hbm>>
      %dma_start3A_1300 = arith.constant 0 : i32
      %dma_start3A_1301 = arith.constant 0 : i32
      %dma_start3A_1302 = tpu.memref_slice %arg4[%add3A_1290, %dma_start3A_1300, %dma_start3A_1301] : memref<16384x32x128xf32, #tpu.memory_space<hbm>> -> memref<1x26x64xf32, #tpu.memory_space<hbm>>
      %dma_start3A_1303 = tpu.memref_squeeze %dma_start3A_1302 : memref<1x26x64xf32, #tpu.memory_space<hbm>> -> memref<26x64xf32, #tpu.memory_space<hbm>>
      %dma_start3A_1304 = arith.constant 52 : i32
      %dma_start3A_1305 = arith.constant 0 : i32
      %dma_start3A_1306 = tpu.memref_slice %arg6[%dma_start3A_1291, %dma_start3A_1304, %dma_start3A_1305] : memref<8x104x64xf32, #tpu.memory_space<vmem>> -> memref<1x26x64xf32, #tpu.memory_space<vmem>>
      %dma_start3A_1307 = tpu.memref_squeeze %dma_start3A_1306 : memref<1x26x64xf32, #tpu.memory_space<vmem>> -> memref<26x64xf32, #tpu.memory_space<vmem>>
      tpu.enqueue_dma source(%dma_start3A_1307 : memref<26x64xf32, #tpu.memory_space<vmem>>) target(%dma_start3A_1303 : memref<26x64xf32, #tpu.memory_space<hbm>>) target_semaphore(%arg20 : memref<!tpu.dma_semaphore, #tpu.memory_space<semaphore_mem>>)
      %mul3A_1308 = arith.constant 4 : i32
      %mul3A_1309 = arith.muli %add3A_1241, %mul3A_1308 : i32
      %add3A_1310 = arith.addi %mul3A_2, %mul3A_1309 : i32
      %add3A_1311 = arith.constant 3 : i32
      %add3A_1312 = arith.addi %add3A_1310, %add3A_1311 : i32
      %dma_start3A_1313 = arith.constant 5 : i32
      %dma_start3A_1314 = arith.constant 78 : i32
      %dma_start3A_1315 = arith.constant 0 : i32
      %dma_start3A_1316 = tpu.memref_slice %arg6[%dma_start3A_1313, %dma_start3A_1314, %dma_start3A_1315] : memref<8x104x64xf32, #tpu.memory_space<vmem>> -> memref<1x26x64xf32, #tpu.memory_space<vmem>>
      %dma_start3A_1317 = tpu.memref_squeeze %dma_start3A_1316 : memref<1x26x64xf32, #tpu.memory_space<vmem>> -> memref<26x64xf32, #tpu.memory_space<vmem>>
      %dma_start3A_1318 = arith.constant 0 : i32
      %dma_start3A_1319 = arith.constant 0 : i32
      %dma_start3A_1320 = tpu.memref_slice %arg4[%add3A_1312, %dma_start3A_1318, %dma_start3A_1319] : memref<16384x32x128xf32, #tpu.memory_space<hbm>> -> memref<1x26x64xf32, #tpu.memory_space<hbm>>
      %dma_start3A_1321 = tpu.memref_squeeze %dma_start3A_1320 : memref<1x26x64xf32, #tpu.memory_space<hbm>> -> memref<26x64xf32, #tpu.memory_space<hbm>>
      %dma_start3A_1322 = arith.constant 0 : i32
      %dma_start3A_1323 = arith.constant 0 : i32
      %dma_start3A_1324 = tpu.memref_slice %arg4[%add3A_1312, %dma_start3A_1322, %dma_start3A_1323] : memref<16384x32x128xf32, #tpu.memory_space<hbm>> -> memref<1x26x64xf32, #tpu.memory_space<hbm>>
      %dma_start3A_1325 = tpu.memref_squeeze %dma_start3A_1324 : memref<1x26x64xf32, #tpu.memory_space<hbm>> -> memref<26x64xf32, #tpu.memory_space<hbm>>
      %dma_start3A_1326 = arith.constant 78 : i32
      %dma_start3A_1327 = arith.constant 0 : i32
      %dma_start3A_1328 = tpu.memref_slice %arg6[%dma_start3A_1313, %dma_start3A_1326, %dma_start3A_1327] : memref<8x104x64xf32, #tpu.memory_space<vmem>> -> memref<1x26x64xf32, #tpu.memory_space<vmem>>
      %dma_start3A_1329 = tpu.memref_squeeze %dma_start3A_1328 : memref<1x26x64xf32, #tpu.memory_space<vmem>> -> memref<26x64xf32, #tpu.memory_space<vmem>>
      tpu.enqueue_dma source(%dma_start3A_1329 : memref<26x64xf32, #tpu.memory_space<vmem>>) target(%dma_start3A_1325 : memref<26x64xf32, #tpu.memory_space<hbm>>) target_semaphore(%arg20 : memref<!tpu.dma_semaphore, #tpu.memory_space<semaphore_mem>>)
      %dma_wait3A_1330 = arith.constant 0 : i32
      %dma_wait3A_1331 = arith.constant 6 : i32
      %dma_wait3A_1332 = arith.constant 0 : i32
      %dma_wait3A_1333 = arith.constant 0 : i32
      %dma_wait3A_1334 = tpu.memref_slice %arg6[%dma_wait3A_1331, %dma_wait3A_1332, %dma_wait3A_1333] : memref<8x104x64xf32, #tpu.memory_space<vmem>> -> memref<1x104x64xf32, #tpu.memory_space<vmem>>
      %dma_wait3A_1335 = tpu.memref_squeeze %dma_wait3A_1334 : memref<1x104x64xf32, #tpu.memory_space<vmem>> -> memref<104x64xf32, #tpu.memory_space<vmem>>
      %dma_wait3A_1336 = arith.constant 0 : i32
      %dma_wait3A_1337 = tpu.memref_slice %arg5[%dma_wait3A_1330, %dma_wait3A_1336] : memref<128x104xi32, #tpu.memory_space<vmem>> -> memref<1x104xi32, #tpu.memory_space<vmem>>
      %dma_wait3A_1338 = tpu.memref_squeeze %dma_wait3A_1337 : memref<1x104xi32, #tpu.memory_space<vmem>> -> memref<104xi32, #tpu.memory_space<vmem>>
      %dma_wait3A_1339 = arith.constant 0 : i32
      %dma_wait3A_1340 = arith.constant 0 : i32
      %dma_wait3A_1341 = tpu.memref_slice %arg3[%dma_wait3A_1339, %dma_wait3A_1340] : memref<1000000x64xf32, #tpu.memory_space<hbm>> -> memref<1000000x64xf32, #tpu.memory_space<hbm>>
      tpu.wait_indirect_dma semaphore(%arg13 : memref<!tpu.dma_semaphore, #tpu.memory_space<semaphore_mem>>) src(%dma_wait3A_1341 : memref<1000000x64xf32, #tpu.memory_space<hbm>>) dst(%dma_wait3A_1335 : memref<104x64xf32, #tpu.memory_space<vmem>>)
      %add3A_1342 = arith.constant 6 : i32
      %add3A_1343 = arith.addi %mul3A_717, %add3A_1342 : i32
      %mul3A_1344 = arith.constant 4 : i32
      %mul3A_1345 = arith.muli %add3A_1343, %mul3A_1344 : i32
      %add3A_1346 = arith.addi %mul3A_2, %mul3A_1345 : i32
      %add3A_1347 = arith.constant 0 : i32
      %add3A_1348 = arith.addi %add3A_1346, %add3A_1347 : i32
      %dma_start3A_1349 = arith.constant 6 : i32
      %dma_start3A_1350 = arith.constant 0 : i32
      %dma_start3A_1351 = arith.constant 0 : i32
      %dma_start3A_1352 = tpu.memref_slice %arg6[%dma_start3A_1349, %dma_start3A_1350, %dma_start3A_1351] : memref<8x104x64xf32, #tpu.memory_space<vmem>> -> memref<1x26x64xf32, #tpu.memory_space<vmem>>
      %dma_start3A_1353 = tpu.memref_squeeze %dma_start3A_1352 : memref<1x26x64xf32, #tpu.memory_space<vmem>> -> memref<26x64xf32, #tpu.memory_space<vmem>>
      %dma_start3A_1354 = arith.constant 0 : i32
      %dma_start3A_1355 = arith.constant 0 : i32
      %dma_start3A_1356 = tpu.memref_slice %arg4[%add3A_1348, %dma_start3A_1354, %dma_start3A_1355] : memref<16384x32x128xf32, #tpu.memory_space<hbm>> -> memref<1x26x64xf32, #tpu.memory_space<hbm>>
      %dma_start3A_1357 = tpu.memref_squeeze %dma_start3A_1356 : memref<1x26x64xf32, #tpu.memory_space<hbm>> -> memref<26x64xf32, #tpu.memory_space<hbm>>
      %dma_start3A_1358 = arith.constant 0 : i32
      %dma_start3A_1359 = arith.constant 0 : i32
      %dma_start3A_1360 = tpu.memref_slice %arg4[%add3A_1348, %dma_start3A_1358, %dma_start3A_1359] : memref<16384x32x128xf32, #tpu.memory_space<hbm>> -> memref<1x26x64xf32, #tpu.memory_space<hbm>>
      %dma_start3A_1361 = tpu.memref_squeeze %dma_start3A_1360 : memref<1x26x64xf32, #tpu.memory_space<hbm>> -> memref<26x64xf32, #tpu.memory_space<hbm>>
      %dma_start3A_1362 = arith.constant 0 : i32
      %dma_start3A_1363 = arith.constant 0 : i32
      %dma_start3A_1364 = tpu.memref_slice %arg6[%dma_start3A_1349, %dma_start3A_1362, %dma_start3A_1363] : memref<8x104x64xf32, #tpu.memory_space<vmem>> -> memref<1x26x64xf32, #tpu.memory_space<vmem>>
      %dma_start3A_1365 = tpu.memref_squeeze %dma_start3A_1364 : memref<1x26x64xf32, #tpu.memory_space<vmem>> -> memref<26x64xf32, #tpu.memory_space<vmem>>
      tpu.enqueue_dma source(%dma_start3A_1365 : memref<26x64xf32, #tpu.memory_space<vmem>>) target(%dma_start3A_1361 : memref<26x64xf32, #tpu.memory_space<hbm>>) target_semaphore(%arg21 : memref<!tpu.dma_semaphore, #tpu.memory_space<semaphore_mem>>)
      %mul3A_1366 = arith.constant 4 : i32
      %mul3A_1367 = arith.muli %add3A_1343, %mul3A_1366 : i32
      %add3A_1368 = arith.addi %mul3A_2, %mul3A_1367 : i32
      %add3A_1369 = arith.constant 1 : i32
      %add3A_1370 = arith.addi %add3A_1368, %add3A_1369 : i32
      %dma_start3A_1371 = arith.constant 6 : i32
      %dma_start3A_1372 = arith.constant 26 : i32
      %dma_start3A_1373 = arith.constant 0 : i32
      %dma_start3A_1374 = tpu.memref_slice %arg6[%dma_start3A_1371, %dma_start3A_1372, %dma_start3A_1373] : memref<8x104x64xf32, #tpu.memory_space<vmem>> -> memref<1x26x64xf32, #tpu.memory_space<vmem>>
      %dma_start3A_1375 = tpu.memref_squeeze %dma_start3A_1374 : memref<1x26x64xf32, #tpu.memory_space<vmem>> -> memref<26x64xf32, #tpu.memory_space<vmem>>
      %dma_start3A_1376 = arith.constant 0 : i32
      %dma_start3A_1377 = arith.constant 0 : i32
      %dma_start3A_1378 = tpu.memref_slice %arg4[%add3A_1370, %dma_start3A_1376, %dma_start3A_1377] : memref<16384x32x128xf32, #tpu.memory_space<hbm>> -> memref<1x26x64xf32, #tpu.memory_space<hbm>>
      %dma_start3A_1379 = tpu.memref_squeeze %dma_start3A_1378 : memref<1x26x64xf32, #tpu.memory_space<hbm>> -> memref<26x64xf32, #tpu.memory_space<hbm>>
      %dma_start3A_1380 = arith.constant 0 : i32
      %dma_start3A_1381 = arith.constant 0 : i32
      %dma_start3A_1382 = tpu.memref_slice %arg4[%add3A_1370, %dma_start3A_1380, %dma_start3A_1381] : memref<16384x32x128xf32, #tpu.memory_space<hbm>> -> memref<1x26x64xf32, #tpu.memory_space<hbm>>
      %dma_start3A_1383 = tpu.memref_squeeze %dma_start3A_1382 : memref<1x26x64xf32, #tpu.memory_space<hbm>> -> memref<26x64xf32, #tpu.memory_space<hbm>>
      %dma_start3A_1384 = arith.constant 26 : i32
      %dma_start3A_1385 = arith.constant 0 : i32
      %dma_start3A_1386 = tpu.memref_slice %arg6[%dma_start3A_1371, %dma_start3A_1384, %dma_start3A_1385] : memref<8x104x64xf32, #tpu.memory_space<vmem>> -> memref<1x26x64xf32, #tpu.memory_space<vmem>>
      %dma_start3A_1387 = tpu.memref_squeeze %dma_start3A_1386 : memref<1x26x64xf32, #tpu.memory_space<vmem>> -> memref<26x64xf32, #tpu.memory_space<vmem>>
      tpu.enqueue_dma source(%dma_start3A_1387 : memref<26x64xf32, #tpu.memory_space<vmem>>) target(%dma_start3A_1383 : memref<26x64xf32, #tpu.memory_space<hbm>>) target_semaphore(%arg21 : memref<!tpu.dma_semaphore, #tpu.memory_space<semaphore_mem>>)
      %mul3A_1388 = arith.constant 4 : i32
      %mul3A_1389 = arith.muli %add3A_1343, %mul3A_1388 : i32
      %add3A_1390 = arith.addi %mul3A_2, %mul3A_1389 : i32
      %add3A_1391 = arith.constant 2 : i32
      %add3A_1392 = arith.addi %add3A_1390, %add3A_1391 : i32
      %dma_start3A_1393 = arith.constant 6 : i32
      %dma_start3A_1394 = arith.constant 52 : i32
      %dma_start3A_1395 = arith.constant 0 : i32
      %dma_start3A_1396 = tpu.memref_slice %arg6[%dma_start3A_1393, %dma_start3A_1394, %dma_start3A_1395] : memref<8x104x64xf32, #tpu.memory_space<vmem>> -> memref<1x26x64xf32, #tpu.memory_space<vmem>>
      %dma_start3A_1397 = tpu.memref_squeeze %dma_start3A_1396 : memref<1x26x64xf32, #tpu.memory_space<vmem>> -> memref<26x64xf32, #tpu.memory_space<vmem>>
      %dma_start3A_1398 = arith.constant 0 : i32
      %dma_start3A_1399 = arith.constant 0 : i32
      %dma_start3A_1400 = tpu.memref_slice %arg4[%add3A_1392, %dma_start3A_1398, %dma_start3A_1399] : memref<16384x32x128xf32, #tpu.memory_space<hbm>> -> memref<1x26x64xf32, #tpu.memory_space<hbm>>
      %dma_start3A_1401 = tpu.memref_squeeze %dma_start3A_1400 : memref<1x26x64xf32, #tpu.memory_space<hbm>> -> memref<26x64xf32, #tpu.memory_space<hbm>>
      %dma_start3A_1402 = arith.constant 0 : i32
      %dma_start3A_1403 = arith.constant 0 : i32
      %dma_start3A_1404 = tpu.memref_slice %arg4[%add3A_1392, %dma_start3A_1402, %dma_start3A_1403] : memref<16384x32x128xf32, #tpu.memory_space<hbm>> -> memref<1x26x64xf32, #tpu.memory_space<hbm>>
      %dma_start3A_1405 = tpu.memref_squeeze %dma_start3A_1404 : memref<1x26x64xf32, #tpu.memory_space<hbm>> -> memref<26x64xf32, #tpu.memory_space<hbm>>
      %dma_start3A_1406 = arith.constant 52 : i32
      %dma_start3A_1407 = arith.constant 0 : i32
      %dma_start3A_1408 = tpu.memref_slice %arg6[%dma_start3A_1393, %dma_start3A_1406, %dma_start3A_1407] : memref<8x104x64xf32, #tpu.memory_space<vmem>> -> memref<1x26x64xf32, #tpu.memory_space<vmem>>
      %dma_start3A_1409 = tpu.memref_squeeze %dma_start3A_1408 : memref<1x26x64xf32, #tpu.memory_space<vmem>> -> memref<26x64xf32, #tpu.memory_space<vmem>>
      tpu.enqueue_dma source(%dma_start3A_1409 : memref<26x64xf32, #tpu.memory_space<vmem>>) target(%dma_start3A_1405 : memref<26x64xf32, #tpu.memory_space<hbm>>) target_semaphore(%arg21 : memref<!tpu.dma_semaphore, #tpu.memory_space<semaphore_mem>>)
      %mul3A_1410 = arith.constant 4 : i32
      %mul3A_1411 = arith.muli %add3A_1343, %mul3A_1410 : i32
      %add3A_1412 = arith.addi %mul3A_2, %mul3A_1411 : i32
      %add3A_1413 = arith.constant 3 : i32
      %add3A_1414 = arith.addi %add3A_1412, %add3A_1413 : i32
      %dma_start3A_1415 = arith.constant 6 : i32
      %dma_start3A_1416 = arith.constant 78 : i32
      %dma_start3A_1417 = arith.constant 0 : i32
      %dma_start3A_1418 = tpu.memref_slice %arg6[%dma_start3A_1415, %dma_start3A_1416, %dma_start3A_1417] : memref<8x104x64xf32, #tpu.memory_space<vmem>> -> memref<1x26x64xf32, #tpu.memory_space<vmem>>
      %dma_start3A_1419 = tpu.memref_squeeze %dma_start3A_1418 : memref<1x26x64xf32, #tpu.memory_space<vmem>> -> memref<26x64xf32, #tpu.memory_space<vmem>>
      %dma_start3A_1420 = arith.constant 0 : i32
      %dma_start3A_1421 = arith.constant 0 : i32
      %dma_start3A_1422 = tpu.memref_slice %arg4[%add3A_1414, %dma_start3A_1420, %dma_start3A_1421] : memref<16384x32x128xf32, #tpu.memory_space<hbm>> -> memref<1x26x64xf32, #tpu.memory_space<hbm>>
      %dma_start3A_1423 = tpu.memref_squeeze %dma_start3A_1422 : memref<1x26x64xf32, #tpu.memory_space<hbm>> -> memref<26x64xf32, #tpu.memory_space<hbm>>
      %dma_start3A_1424 = arith.constant 0 : i32
      %dma_start3A_1425 = arith.constant 0 : i32
      %dma_start3A_1426 = tpu.memref_slice %arg4[%add3A_1414, %dma_start3A_1424, %dma_start3A_1425] : memref<16384x32x128xf32, #tpu.memory_space<hbm>> -> memref<1x26x64xf32, #tpu.memory_space<hbm>>
      %dma_start3A_1427 = tpu.memref_squeeze %dma_start3A_1426 : memref<1x26x64xf32, #tpu.memory_space<hbm>> -> memref<26x64xf32, #tpu.memory_space<hbm>>
      %dma_start3A_1428 = arith.constant 78 : i32
      %dma_start3A_1429 = arith.constant 0 : i32
      %dma_start3A_1430 = tpu.memref_slice %arg6[%dma_start3A_1415, %dma_start3A_1428, %dma_start3A_1429] : memref<8x104x64xf32, #tpu.memory_space<vmem>> -> memref<1x26x64xf32, #tpu.memory_space<vmem>>
      %dma_start3A_1431 = tpu.memref_squeeze %dma_start3A_1430 : memref<1x26x64xf32, #tpu.memory_space<vmem>> -> memref<26x64xf32, #tpu.memory_space<vmem>>
      tpu.enqueue_dma source(%dma_start3A_1431 : memref<26x64xf32, #tpu.memory_space<vmem>>) target(%dma_start3A_1427 : memref<26x64xf32, #tpu.memory_space<hbm>>) target_semaphore(%arg21 : memref<!tpu.dma_semaphore, #tpu.memory_space<semaphore_mem>>)
      %dma_wait3A_1432 = arith.constant 0 : i32
      %dma_wait3A_1433 = arith.constant 7 : i32
      %dma_wait3A_1434 = arith.constant 0 : i32
      %dma_wait3A_1435 = arith.constant 0 : i32
      %dma_wait3A_1436 = tpu.memref_slice %arg6[%dma_wait3A_1433, %dma_wait3A_1434, %dma_wait3A_1435] : memref<8x104x64xf32, #tpu.memory_space<vmem>> -> memref<1x104x64xf32, #tpu.memory_space<vmem>>
      %dma_wait3A_1437 = tpu.memref_squeeze %dma_wait3A_1436 : memref<1x104x64xf32, #tpu.memory_space<vmem>> -> memref<104x64xf32, #tpu.memory_space<vmem>>
      %dma_wait3A_1438 = arith.constant 0 : i32
      %dma_wait3A_1439 = tpu.memref_slice %arg5[%dma_wait3A_1432, %dma_wait3A_1438] : memref<128x104xi32, #tpu.memory_space<vmem>> -> memref<1x104xi32, #tpu.memory_space<vmem>>
      %dma_wait3A_1440 = tpu.memref_squeeze %dma_wait3A_1439 : memref<1x104xi32, #tpu.memory_space<vmem>> -> memref<104xi32, #tpu.memory_space<vmem>>
      %dma_wait3A_1441 = arith.constant 0 : i32
      %dma_wait3A_1442 = arith.constant 0 : i32
      %dma_wait3A_1443 = tpu.memref_slice %arg3[%dma_wait3A_1441, %dma_wait3A_1442] : memref<1000000x64xf32, #tpu.memory_space<hbm>> -> memref<1000000x64xf32, #tpu.memory_space<hbm>>
      tpu.wait_indirect_dma semaphore(%arg14 : memref<!tpu.dma_semaphore, #tpu.memory_space<semaphore_mem>>) src(%dma_wait3A_1443 : memref<1000000x64xf32, #tpu.memory_space<hbm>>) dst(%dma_wait3A_1437 : memref<104x64xf32, #tpu.memory_space<vmem>>)
      %add3A_1444 = arith.constant 7 : i32
      %add3A_1445 = arith.addi %mul3A_717, %add3A_1444 : i32
      %mul3A_1446 = arith.constant 4 : i32
      %mul3A_1447 = arith.muli %add3A_1445, %mul3A_1446 : i32
      %add3A_1448 = arith.addi %mul3A_2, %mul3A_1447 : i32
      %add3A_1449 = arith.constant 0 : i32
      %add3A_1450 = arith.addi %add3A_1448, %add3A_1449 : i32
      %dma_start3A_1451 = arith.constant 7 : i32
      %dma_start3A_1452 = arith.constant 0 : i32
      %dma_start3A_1453 = arith.constant 0 : i32
      %dma_start3A_1454 = tpu.memref_slice %arg6[%dma_start3A_1451, %dma_start3A_1452, %dma_start3A_1453] : memref<8x104x64xf32, #tpu.memory_space<vmem>> -> memref<1x26x64xf32, #tpu.memory_space<vmem>>
      %dma_start3A_1455 = tpu.memref_squeeze %dma_start3A_1454 : memref<1x26x64xf32, #tpu.memory_space<vmem>> -> memref<26x64xf32, #tpu.memory_space<vmem>>
      %dma_start3A_1456 = arith.constant 0 : i32
      %dma_start3A_1457 = arith.constant 0 : i32
      %dma_start3A_1458 = tpu.memref_slice %arg4[%add3A_1450, %dma_start3A_1456, %dma_start3A_1457] : memref<16384x32x128xf32, #tpu.memory_space<hbm>> -> memref<1x26x64xf32, #tpu.memory_space<hbm>>
      %dma_start3A_1459 = tpu.memref_squeeze %dma_start3A_1458 : memref<1x26x64xf32, #tpu.memory_space<hbm>> -> memref<26x64xf32, #tpu.memory_space<hbm>>
      %dma_start3A_1460 = arith.constant 0 : i32
      %dma_start3A_1461 = arith.constant 0 : i32
      %dma_start3A_1462 = tpu.memref_slice %arg4[%add3A_1450, %dma_start3A_1460, %dma_start3A_1461] : memref<16384x32x128xf32, #tpu.memory_space<hbm>> -> memref<1x26x64xf32, #tpu.memory_space<hbm>>
      %dma_start3A_1463 = tpu.memref_squeeze %dma_start3A_1462 : memref<1x26x64xf32, #tpu.memory_space<hbm>> -> memref<26x64xf32, #tpu.memory_space<hbm>>
      %dma_start3A_1464 = arith.constant 0 : i32
      %dma_start3A_1465 = arith.constant 0 : i32
      %dma_start3A_1466 = tpu.memref_slice %arg6[%dma_start3A_1451, %dma_start3A_1464, %dma_start3A_1465] : memref<8x104x64xf32, #tpu.memory_space<vmem>> -> memref<1x26x64xf32, #tpu.memory_space<vmem>>
      %dma_start3A_1467 = tpu.memref_squeeze %dma_start3A_1466 : memref<1x26x64xf32, #tpu.memory_space<vmem>> -> memref<26x64xf32, #tpu.memory_space<vmem>>
      tpu.enqueue_dma source(%dma_start3A_1467 : memref<26x64xf32, #tpu.memory_space<vmem>>) target(%dma_start3A_1463 : memref<26x64xf32, #tpu.memory_space<hbm>>) target_semaphore(%arg22 : memref<!tpu.dma_semaphore, #tpu.memory_space<semaphore_mem>>)
      %mul3A_1468 = arith.constant 4 : i32
      %mul3A_1469 = arith.muli %add3A_1445, %mul3A_1468 : i32
      %add3A_1470 = arith.addi %mul3A_2, %mul3A_1469 : i32
      %add3A_1471 = arith.constant 1 : i32
      %add3A_1472 = arith.addi %add3A_1470, %add3A_1471 : i32
      %dma_start3A_1473 = arith.constant 7 : i32
      %dma_start3A_1474 = arith.constant 26 : i32
      %dma_start3A_1475 = arith.constant 0 : i32
      %dma_start3A_1476 = tpu.memref_slice %arg6[%dma_start3A_1473, %dma_start3A_1474, %dma_start3A_1475] : memref<8x104x64xf32, #tpu.memory_space<vmem>> -> memref<1x26x64xf32, #tpu.memory_space<vmem>>
      %dma_start3A_1477 = tpu.memref_squeeze %dma_start3A_1476 : memref<1x26x64xf32, #tpu.memory_space<vmem>> -> memref<26x64xf32, #tpu.memory_space<vmem>>
      %dma_start3A_1478 = arith.constant 0 : i32
      %dma_start3A_1479 = arith.constant 0 : i32
      %dma_start3A_1480 = tpu.memref_slice %arg4[%add3A_1472, %dma_start3A_1478, %dma_start3A_1479] : memref<16384x32x128xf32, #tpu.memory_space<hbm>> -> memref<1x26x64xf32, #tpu.memory_space<hbm>>
      %dma_start3A_1481 = tpu.memref_squeeze %dma_start3A_1480 : memref<1x26x64xf32, #tpu.memory_space<hbm>> -> memref<26x64xf32, #tpu.memory_space<hbm>>
      %dma_start3A_1482 = arith.constant 0 : i32
      %dma_start3A_1483 = arith.constant 0 : i32
      %dma_start3A_1484 = tpu.memref_slice %arg4[%add3A_1472, %dma_start3A_1482, %dma_start3A_1483] : memref<16384x32x128xf32, #tpu.memory_space<hbm>> -> memref<1x26x64xf32, #tpu.memory_space<hbm>>
      %dma_start3A_1485 = tpu.memref_squeeze %dma_start3A_1484 : memref<1x26x64xf32, #tpu.memory_space<hbm>> -> memref<26x64xf32, #tpu.memory_space<hbm>>
      %dma_start3A_1486 = arith.constant 26 : i32
      %dma_start3A_1487 = arith.constant 0 : i32
      %dma_start3A_1488 = tpu.memref_slice %arg6[%dma_start3A_1473, %dma_start3A_1486, %dma_start3A_1487] : memref<8x104x64xf32, #tpu.memory_space<vmem>> -> memref<1x26x64xf32, #tpu.memory_space<vmem>>
      %dma_start3A_1489 = tpu.memref_squeeze %dma_start3A_1488 : memref<1x26x64xf32, #tpu.memory_space<vmem>> -> memref<26x64xf32, #tpu.memory_space<vmem>>
      tpu.enqueue_dma source(%dma_start3A_1489 : memref<26x64xf32, #tpu.memory_space<vmem>>) target(%dma_start3A_1485 : memref<26x64xf32, #tpu.memory_space<hbm>>) target_semaphore(%arg22 : memref<!tpu.dma_semaphore, #tpu.memory_space<semaphore_mem>>)
      %mul3A_1490 = arith.constant 4 : i32
      %mul3A_1491 = arith.muli %add3A_1445, %mul3A_1490 : i32
      %add3A_1492 = arith.addi %mul3A_2, %mul3A_1491 : i32
      %add3A_1493 = arith.constant 2 : i32
      %add3A_1494 = arith.addi %add3A_1492, %add3A_1493 : i32
      %dma_start3A_1495 = arith.constant 7 : i32
      %dma_start3A_1496 = arith.constant 52 : i32
      %dma_start3A_1497 = arith.constant 0 : i32
      %dma_start3A_1498 = tpu.memref_slice %arg6[%dma_start3A_1495, %dma_start3A_1496, %dma_start3A_1497] : memref<8x104x64xf32, #tpu.memory_space<vmem>> -> memref<1x26x64xf32, #tpu.memory_space<vmem>>
      %dma_start3A_1499 = tpu.memref_squeeze %dma_start3A_1498 : memref<1x26x64xf32, #tpu.memory_space<vmem>> -> memref<26x64xf32, #tpu.memory_space<vmem>>
      %dma_start3A_1500 = arith.constant 0 : i32
      %dma_start3A_1501 = arith.constant 0 : i32
      %dma_start3A_1502 = tpu.memref_slice %arg4[%add3A_1494, %dma_start3A_1500, %dma_start3A_1501] : memref<16384x32x128xf32, #tpu.memory_space<hbm>> -> memref<1x26x64xf32, #tpu.memory_space<hbm>>
      %dma_start3A_1503 = tpu.memref_squeeze %dma_start3A_1502 : memref<1x26x64xf32, #tpu.memory_space<hbm>> -> memref<26x64xf32, #tpu.memory_space<hbm>>
      %dma_start3A_1504 = arith.constant 0 : i32
      %dma_start3A_1505 = arith.constant 0 : i32
      %dma_start3A_1506 = tpu.memref_slice %arg4[%add3A_1494, %dma_start3A_1504, %dma_start3A_1505] : memref<16384x32x128xf32, #tpu.memory_space<hbm>> -> memref<1x26x64xf32, #tpu.memory_space<hbm>>
      %dma_start3A_1507 = tpu.memref_squeeze %dma_start3A_1506 : memref<1x26x64xf32, #tpu.memory_space<hbm>> -> memref<26x64xf32, #tpu.memory_space<hbm>>
      %dma_start3A_1508 = arith.constant 52 : i32
      %dma_start3A_1509 = arith.constant 0 : i32
      %dma_start3A_1510 = tpu.memref_slice %arg6[%dma_start3A_1495, %dma_start3A_1508, %dma_start3A_1509] : memref<8x104x64xf32, #tpu.memory_space<vmem>> -> memref<1x26x64xf32, #tpu.memory_space<vmem>>
      %dma_start3A_1511 = tpu.memref_squeeze %dma_start3A_1510 : memref<1x26x64xf32, #tpu.memory_space<vmem>> -> memref<26x64xf32, #tpu.memory_space<vmem>>
      tpu.enqueue_dma source(%dma_start3A_1511 : memref<26x64xf32, #tpu.memory_space<vmem>>) target(%dma_start3A_1507 : memref<26x64xf32, #tpu.memory_space<hbm>>) target_semaphore(%arg22 : memref<!tpu.dma_semaphore, #tpu.memory_space<semaphore_mem>>)
      %mul3A_1512 = arith.constant 4 : i32
      %mul3A_1513 = arith.muli %add3A_1445, %mul3A_1512 : i32
      %add3A_1514 = arith.addi %mul3A_2, %mul3A_1513 : i32
      %add3A_1515 = arith.constant 3 : i32
      %add3A_1516 = arith.addi %add3A_1514, %add3A_1515 : i32
      %dma_start3A_1517 = arith.constant 7 : i32
      %dma_start3A_1518 = arith.constant 78 : i32
      %dma_start3A_1519 = arith.constant 0 : i32
      %dma_start3A_1520 = tpu.memref_slice %arg6[%dma_start3A_1517, %dma_start3A_1518, %dma_start3A_1519] : memref<8x104x64xf32, #tpu.memory_space<vmem>> -> memref<1x26x64xf32, #tpu.memory_space<vmem>>
      %dma_start3A_1521 = tpu.memref_squeeze %dma_start3A_1520 : memref<1x26x64xf32, #tpu.memory_space<vmem>> -> memref<26x64xf32, #tpu.memory_space<vmem>>
      %dma_start3A_1522 = arith.constant 0 : i32
      %dma_start3A_1523 = arith.constant 0 : i32
      %dma_start3A_1524 = tpu.memref_slice %arg4[%add3A_1516, %dma_start3A_1522, %dma_start3A_1523] : memref<16384x32x128xf32, #tpu.memory_space<hbm>> -> memref<1x26x64xf32, #tpu.memory_space<hbm>>
      %dma_start3A_1525 = tpu.memref_squeeze %dma_start3A_1524 : memref<1x26x64xf32, #tpu.memory_space<hbm>> -> memref<26x64xf32, #tpu.memory_space<hbm>>
      %dma_start3A_1526 = arith.constant 0 : i32
      %dma_start3A_1527 = arith.constant 0 : i32
      %dma_start3A_1528 = tpu.memref_slice %arg4[%add3A_1516, %dma_start3A_1526, %dma_start3A_1527] : memref<16384x32x128xf32, #tpu.memory_space<hbm>> -> memref<1x26x64xf32, #tpu.memory_space<hbm>>
      %dma_start3A_1529 = tpu.memref_squeeze %dma_start3A_1528 : memref<1x26x64xf32, #tpu.memory_space<hbm>> -> memref<26x64xf32, #tpu.memory_space<hbm>>
      %dma_start3A_1530 = arith.constant 78 : i32
      %dma_start3A_1531 = arith.constant 0 : i32
      %dma_start3A_1532 = tpu.memref_slice %arg6[%dma_start3A_1517, %dma_start3A_1530, %dma_start3A_1531] : memref<8x104x64xf32, #tpu.memory_space<vmem>> -> memref<1x26x64xf32, #tpu.memory_space<vmem>>
      %dma_start3A_1533 = tpu.memref_squeeze %dma_start3A_1532 : memref<1x26x64xf32, #tpu.memory_space<vmem>> -> memref<26x64xf32, #tpu.memory_space<vmem>>
      tpu.enqueue_dma source(%dma_start3A_1533 : memref<26x64xf32, #tpu.memory_space<vmem>>) target(%dma_start3A_1529 : memref<26x64xf32, #tpu.memory_space<hbm>>) target_semaphore(%arg22 : memref<!tpu.dma_semaphore, #tpu.memory_space<semaphore_mem>>)
      %add3A_1534 = arith.constant 0 : i32
      %add3A_1535 = arith.addi %mul3A_717, %add3A_1534 : i32
      %add3A_1536 = arith.constant 8 : i32
      %add3A_1537 = arith.addi %add3A_1535, %add3A_1536 : i32
      %lt3A = arith.constant 128 : i32
      %lt3A_1538 = arith.cmpi slt, %add3A_1537, %lt3A : i32
      %convert_element_type3A = arith.extui %lt3A_1538 : i1 to i32
      %cond3A = arith.constant 0 : i32
      %cond3A_1539 = arith.cmpi ne, %convert_element_type3A, %cond3A : i32
      scf.if %cond3A_1539 {
        %add3A_1603 = arith.constant 0 : i32
        %add3A_1604 = arith.addi %mul3A_2, %add3A_1603 : i32
        %dma_wait3A_1605 = arith.constant 0 : i32
        %dma_wait3A_1606 = arith.constant 0 : i32
        %dma_wait3A_1607 = arith.constant 0 : i32
        %dma_wait3A_1608 = tpu.memref_slice %arg6[%dma_wait3A_1605, %dma_wait3A_1606, %dma_wait3A_1607] : memref<8x104x64xf32, #tpu.memory_space<vmem>> -> memref<1x26x64xf32, #tpu.memory_space<vmem>>
        %dma_wait3A_1609 = tpu.memref_squeeze %dma_wait3A_1608 : memref<1x26x64xf32, #tpu.memory_space<vmem>> -> memref<26x64xf32, #tpu.memory_space<vmem>>
        %dma_wait3A_1610 = arith.constant 0 : i32
        %dma_wait3A_1611 = arith.constant 0 : i32
        %dma_wait3A_1612 = tpu.memref_slice %arg4[%add3A_1604, %dma_wait3A_1610, %dma_wait3A_1611] : memref<16384x32x128xf32, #tpu.memory_space<hbm>> -> memref<1x26x64xf32, #tpu.memory_space<hbm>>
        %dma_wait3A_1613 = tpu.memref_squeeze %dma_wait3A_1612 : memref<1x26x64xf32, #tpu.memory_space<hbm>> -> memref<26x64xf32, #tpu.memory_space<hbm>>
        %dma_wait3A_1614 = arith.constant 0 : i32
        %dma_wait3A_1615 = arith.constant 0 : i32
        %dma_wait3A_1616 = tpu.memref_slice %arg4[%add3A_1604, %dma_wait3A_1614, %dma_wait3A_1615] : memref<16384x32x128xf32, #tpu.memory_space<hbm>> -> memref<1x26x64xf32, #tpu.memory_space<hbm>>
        %dma_wait3A_1617 = tpu.memref_squeeze %dma_wait3A_1616 : memref<1x26x64xf32, #tpu.memory_space<hbm>> -> memref<26x64xf32, #tpu.memory_space<hbm>>
        %dma_wait3A_1618 = arith.constant 0 : i32
        %dma_wait3A_1619 = arith.constant 0 : i32
        %dma_wait3A_1620 = tpu.memref_slice %arg6[%dma_wait3A_1605, %dma_wait3A_1618, %dma_wait3A_1619] : memref<8x104x64xf32, #tpu.memory_space<vmem>> -> memref<1x26x64xf32, #tpu.memory_space<vmem>>
        %dma_wait3A_1621 = tpu.memref_squeeze %dma_wait3A_1620 : memref<1x26x64xf32, #tpu.memory_space<vmem>> -> memref<26x64xf32, #tpu.memory_space<vmem>>
        tpu.wait_dma2 semaphore(%arg15 : memref<!tpu.dma_semaphore, #tpu.memory_space<semaphore_mem>>) src(%dma_wait3A_1621 : memref<26x64xf32, #tpu.memory_space<vmem>>) dst(%dma_wait3A_1617 : memref<26x64xf32, #tpu.memory_space<hbm>>)
        %add3A_1622 = arith.constant 1 : i32
        %add3A_1623 = arith.addi %mul3A_2, %add3A_1622 : i32
        %dma_wait3A_1624 = arith.constant 0 : i32
        %dma_wait3A_1625 = arith.constant 26 : i32
        %dma_wait3A_1626 = arith.constant 0 : i32
        %dma_wait3A_1627 = tpu.memref_slice %arg6[%dma_wait3A_1624, %dma_wait3A_1625, %dma_wait3A_1626] : memref<8x104x64xf32, #tpu.memory_space<vmem>> -> memref<1x26x64xf32, #tpu.memory_space<vmem>>
        %dma_wait3A_1628 = tpu.memref_squeeze %dma_wait3A_1627 : memref<1x26x64xf32, #tpu.memory_space<vmem>> -> memref<26x64xf32, #tpu.memory_space<vmem>>
        %dma_wait3A_1629 = arith.constant 0 : i32
        %dma_wait3A_1630 = arith.constant 0 : i32
        %dma_wait3A_1631 = tpu.memref_slice %arg4[%add3A_1623, %dma_wait3A_1629, %dma_wait3A_1630] : memref<16384x32x128xf32, #tpu.memory_space<hbm>> -> memref<1x26x64xf32, #tpu.memory_space<hbm>>
        %dma_wait3A_1632 = tpu.memref_squeeze %dma_wait3A_1631 : memref<1x26x64xf32, #tpu.memory_space<hbm>> -> memref<26x64xf32, #tpu.memory_space<hbm>>
        %dma_wait3A_1633 = arith.constant 0 : i32
        %dma_wait3A_1634 = arith.constant 0 : i32
        %dma_wait3A_1635 = tpu.memref_slice %arg4[%add3A_1623, %dma_wait3A_1633, %dma_wait3A_1634] : memref<16384x32x128xf32, #tpu.memory_space<hbm>> -> memref<1x26x64xf32, #tpu.memory_space<hbm>>
        %dma_wait3A_1636 = tpu.memref_squeeze %dma_wait3A_1635 : memref<1x26x64xf32, #tpu.memory_space<hbm>> -> memref<26x64xf32, #tpu.memory_space<hbm>>
        %dma_wait3A_1637 = arith.constant 26 : i32
        %dma_wait3A_1638 = arith.constant 0 : i32
        %dma_wait3A_1639 = tpu.memref_slice %arg6[%dma_wait3A_1624, %dma_wait3A_1637, %dma_wait3A_1638] : memref<8x104x64xf32, #tpu.memory_space<vmem>> -> memref<1x26x64xf32, #tpu.memory_space<vmem>>
        %dma_wait3A_1640 = tpu.memref_squeeze %dma_wait3A_1639 : memref<1x26x64xf32, #tpu.memory_space<vmem>> -> memref<26x64xf32, #tpu.memory_space<vmem>>
        tpu.wait_dma2 semaphore(%arg15 : memref<!tpu.dma_semaphore, #tpu.memory_space<semaphore_mem>>) src(%dma_wait3A_1640 : memref<26x64xf32, #tpu.memory_space<vmem>>) dst(%dma_wait3A_1636 : memref<26x64xf32, #tpu.memory_space<hbm>>)
        %add3A_1641 = arith.constant 2 : i32
        %add3A_1642 = arith.addi %mul3A_2, %add3A_1641 : i32
        %dma_wait3A_1643 = arith.constant 0 : i32
        %dma_wait3A_1644 = arith.constant 52 : i32
        %dma_wait3A_1645 = arith.constant 0 : i32
        %dma_wait3A_1646 = tpu.memref_slice %arg6[%dma_wait3A_1643, %dma_wait3A_1644, %dma_wait3A_1645] : memref<8x104x64xf32, #tpu.memory_space<vmem>> -> memref<1x26x64xf32, #tpu.memory_space<vmem>>
        %dma_wait3A_1647 = tpu.memref_squeeze %dma_wait3A_1646 : memref<1x26x64xf32, #tpu.memory_space<vmem>> -> memref<26x64xf32, #tpu.memory_space<vmem>>
        %dma_wait3A_1648 = arith.constant 0 : i32
        %dma_wait3A_1649 = arith.constant 0 : i32
        %dma_wait3A_1650 = tpu.memref_slice %arg4[%add3A_1642, %dma_wait3A_1648, %dma_wait3A_1649] : memref<16384x32x128xf32, #tpu.memory_space<hbm>> -> memref<1x26x64xf32, #tpu.memory_space<hbm>>
        %dma_wait3A_1651 = tpu.memref_squeeze %dma_wait3A_1650 : memref<1x26x64xf32, #tpu.memory_space<hbm>> -> memref<26x64xf32, #tpu.memory_space<hbm>>
        %dma_wait3A_1652 = arith.constant 0 : i32
        %dma_wait3A_1653 = arith.constant 0 : i32
        %dma_wait3A_1654 = tpu.memref_slice %arg4[%add3A_1642, %dma_wait3A_1652, %dma_wait3A_1653] : memref<16384x32x128xf32, #tpu.memory_space<hbm>> -> memref<1x26x64xf32, #tpu.memory_space<hbm>>
        %dma_wait3A_1655 = tpu.memref_squeeze %dma_wait3A_1654 : memref<1x26x64xf32, #tpu.memory_space<hbm>> -> memref<26x64xf32, #tpu.memory_space<hbm>>
        %dma_wait3A_1656 = arith.constant 52 : i32
        %dma_wait3A_1657 = arith.constant 0 : i32
        %dma_wait3A_1658 = tpu.memref_slice %arg6[%dma_wait3A_1643, %dma_wait3A_1656, %dma_wait3A_1657] : memref<8x104x64xf32, #tpu.memory_space<vmem>> -> memref<1x26x64xf32, #tpu.memory_space<vmem>>
        %dma_wait3A_1659 = tpu.memref_squeeze %dma_wait3A_1658 : memref<1x26x64xf32, #tpu.memory_space<vmem>> -> memref<26x64xf32, #tpu.memory_space<vmem>>
        tpu.wait_dma2 semaphore(%arg15 : memref<!tpu.dma_semaphore, #tpu.memory_space<semaphore_mem>>) src(%dma_wait3A_1659 : memref<26x64xf32, #tpu.memory_space<vmem>>) dst(%dma_wait3A_1655 : memref<26x64xf32, #tpu.memory_space<hbm>>)
        %add3A_1660 = arith.constant 3 : i32
        %add3A_1661 = arith.addi %mul3A_2, %add3A_1660 : i32
        %dma_wait3A_1662 = arith.constant 0 : i32
        %dma_wait3A_1663 = arith.constant 78 : i32
        %dma_wait3A_1664 = arith.constant 0 : i32
        %dma_wait3A_1665 = tpu.memref_slice %arg6[%dma_wait3A_1662, %dma_wait3A_1663, %dma_wait3A_1664] : memref<8x104x64xf32, #tpu.memory_space<vmem>> -> memref<1x26x64xf32, #tpu.memory_space<vmem>>
        %dma_wait3A_1666 = tpu.memref_squeeze %dma_wait3A_1665 : memref<1x26x64xf32, #tpu.memory_space<vmem>> -> memref<26x64xf32, #tpu.memory_space<vmem>>
        %dma_wait3A_1667 = arith.constant 0 : i32
        %dma_wait3A_1668 = arith.constant 0 : i32
        %dma_wait3A_1669 = tpu.memref_slice %arg4[%add3A_1661, %dma_wait3A_1667, %dma_wait3A_1668] : memref<16384x32x128xf32, #tpu.memory_space<hbm>> -> memref<1x26x64xf32, #tpu.memory_space<hbm>>
        %dma_wait3A_1670 = tpu.memref_squeeze %dma_wait3A_1669 : memref<1x26x64xf32, #tpu.memory_space<hbm>> -> memref<26x64xf32, #tpu.memory_space<hbm>>
        %dma_wait3A_1671 = arith.constant 0 : i32
        %dma_wait3A_1672 = arith.constant 0 : i32
        %dma_wait3A_1673 = tpu.memref_slice %arg4[%add3A_1661, %dma_wait3A_1671, %dma_wait3A_1672] : memref<16384x32x128xf32, #tpu.memory_space<hbm>> -> memref<1x26x64xf32, #tpu.memory_space<hbm>>
        %dma_wait3A_1674 = tpu.memref_squeeze %dma_wait3A_1673 : memref<1x26x64xf32, #tpu.memory_space<hbm>> -> memref<26x64xf32, #tpu.memory_space<hbm>>
        %dma_wait3A_1675 = arith.constant 78 : i32
        %dma_wait3A_1676 = arith.constant 0 : i32
        %dma_wait3A_1677 = tpu.memref_slice %arg6[%dma_wait3A_1662, %dma_wait3A_1675, %dma_wait3A_1676] : memref<8x104x64xf32, #tpu.memory_space<vmem>> -> memref<1x26x64xf32, #tpu.memory_space<vmem>>
        %dma_wait3A_1678 = tpu.memref_squeeze %dma_wait3A_1677 : memref<1x26x64xf32, #tpu.memory_space<vmem>> -> memref<26x64xf32, #tpu.memory_space<vmem>>
        tpu.wait_dma2 semaphore(%arg15 : memref<!tpu.dma_semaphore, #tpu.memory_space<semaphore_mem>>) src(%dma_wait3A_1678 : memref<26x64xf32, #tpu.memory_space<vmem>>) dst(%dma_wait3A_1674 : memref<26x64xf32, #tpu.memory_space<hbm>>)
        %add3A_1679 = arith.constant 0 : i32
        %add3A_1680 = arith.addi %mul3A_717, %add3A_1679 : i32
        %add3A_1681 = arith.constant 8 : i32
        %add3A_1682 = arith.addi %add3A_1680, %add3A_1681 : i32
        %dma_start3A_1683 = arith.constant 0 : i32
        %dma_start3A_1684 = arith.constant 0 : i32
        %dma_start3A_1685 = arith.constant 0 : i32
        %dma_start3A_1686 = tpu.memref_slice %arg6[%dma_start3A_1683, %dma_start3A_1684, %dma_start3A_1685] : memref<8x104x64xf32, #tpu.memory_space<vmem>> -> memref<1x104x64xf32, #tpu.memory_space<vmem>>
        %dma_start3A_1687 = tpu.memref_squeeze %dma_start3A_1686 : memref<1x104x64xf32, #tpu.memory_space<vmem>> -> memref<104x64xf32, #tpu.memory_space<vmem>>
        %dma_start3A_1688 = arith.constant 0 : i32
        %dma_start3A_1689 = tpu.memref_slice %arg5[%add3A_1682, %dma_start3A_1688] : memref<128x104xi32, #tpu.memory_space<vmem>> -> memref<1x104xi32, #tpu.memory_space<vmem>>
        %dma_start3A_1690 = tpu.memref_squeeze %dma_start3A_1689 : memref<1x104xi32, #tpu.memory_space<vmem>> -> memref<104xi32, #tpu.memory_space<vmem>>
        %dma_start3A_1691 = arith.constant 0 : i32
        %dma_start3A_1692 = arith.constant 0 : i32
        %dma_start3A_1693 = tpu.memref_slice %arg3[%dma_start3A_1691, %dma_start3A_1692] : memref<1000000x64xf32, #tpu.memory_space<hbm>> -> memref<1000000x64xf32, #tpu.memory_space<hbm>>
        tpu.enqueue_indirect_dma source(%dma_start3A_1693 : memref<1000000x64xf32, #tpu.memory_space<hbm>>) target(%dma_start3A_1687 : memref<104x64xf32, #tpu.memory_space<vmem>>) offsets(%dma_start3A_1690 : memref<104xi32, #tpu.memory_space<vmem>>) semaphore(%arg7 : memref<!tpu.dma_semaphore, #tpu.memory_space<semaphore_mem>>)
      } else {
      }
      %add3A_1540 = arith.constant 1 : i32
      %add3A_1541 = arith.addi %mul3A_717, %add3A_1540 : i32
      %add3A_1542 = arith.constant 8 : i32
      %add3A_1543 = arith.addi %add3A_1541, %add3A_1542 : i32
      %lt3A_1544 = arith.constant 128 : i32
      %lt3A_1545 = arith.cmpi slt, %add3A_1543, %lt3A_1544 : i32
      %convert_element_type3A_1546 = arith.extui %lt3A_1545 : i1 to i32
      %cond3A_1547 = arith.constant 0 : i32
      %cond3A_1548 = arith.cmpi ne, %convert_element_type3A_1546, %cond3A_1547 : i32
      scf.if %cond3A_1548 {
        %add3A_1603 = arith.constant 0 : i32
        %add3A_1604 = arith.addi %mul3A_2, %add3A_1603 : i32
        %dma_wait3A_1605 = arith.constant 1 : i32
        %dma_wait3A_1606 = arith.constant 0 : i32
        %dma_wait3A_1607 = arith.constant 0 : i32
        %dma_wait3A_1608 = tpu.memref_slice %arg6[%dma_wait3A_1605, %dma_wait3A_1606, %dma_wait3A_1607] : memref<8x104x64xf32, #tpu.memory_space<vmem>> -> memref<1x26x64xf32, #tpu.memory_space<vmem>>
        %dma_wait3A_1609 = tpu.memref_squeeze %dma_wait3A_1608 : memref<1x26x64xf32, #tpu.memory_space<vmem>> -> memref<26x64xf32, #tpu.memory_space<vmem>>
        %dma_wait3A_1610 = arith.constant 0 : i32
        %dma_wait3A_1611 = arith.constant 0 : i32
        %dma_wait3A_1612 = tpu.memref_slice %arg4[%add3A_1604, %dma_wait3A_1610, %dma_wait3A_1611] : memref<16384x32x128xf32, #tpu.memory_space<hbm>> -> memref<1x26x64xf32, #tpu.memory_space<hbm>>
        %dma_wait3A_1613 = tpu.memref_squeeze %dma_wait3A_1612 : memref<1x26x64xf32, #tpu.memory_space<hbm>> -> memref<26x64xf32, #tpu.memory_space<hbm>>
        %dma_wait3A_1614 = arith.constant 0 : i32
        %dma_wait3A_1615 = arith.constant 0 : i32
        %dma_wait3A_1616 = tpu.memref_slice %arg4[%add3A_1604, %dma_wait3A_1614, %dma_wait3A_1615] : memref<16384x32x128xf32, #tpu.memory_space<hbm>> -> memref<1x26x64xf32, #tpu.memory_space<hbm>>
        %dma_wait3A_1617 = tpu.memref_squeeze %dma_wait3A_1616 : memref<1x26x64xf32, #tpu.memory_space<hbm>> -> memref<26x64xf32, #tpu.memory_space<hbm>>
        %dma_wait3A_1618 = arith.constant 0 : i32
        %dma_wait3A_1619 = arith.constant 0 : i32
        %dma_wait3A_1620 = tpu.memref_slice %arg6[%dma_wait3A_1605, %dma_wait3A_1618, %dma_wait3A_1619] : memref<8x104x64xf32, #tpu.memory_space<vmem>> -> memref<1x26x64xf32, #tpu.memory_space<vmem>>
        %dma_wait3A_1621 = tpu.memref_squeeze %dma_wait3A_1620 : memref<1x26x64xf32, #tpu.memory_space<vmem>> -> memref<26x64xf32, #tpu.memory_space<vmem>>
        tpu.wait_dma2 semaphore(%arg16 : memref<!tpu.dma_semaphore, #tpu.memory_space<semaphore_mem>>) src(%dma_wait3A_1621 : memref<26x64xf32, #tpu.memory_space<vmem>>) dst(%dma_wait3A_1617 : memref<26x64xf32, #tpu.memory_space<hbm>>)
        %add3A_1622 = arith.constant 1 : i32
        %add3A_1623 = arith.addi %mul3A_2, %add3A_1622 : i32
        %dma_wait3A_1624 = arith.constant 1 : i32
        %dma_wait3A_1625 = arith.constant 26 : i32
        %dma_wait3A_1626 = arith.constant 0 : i32
        %dma_wait3A_1627 = tpu.memref_slice %arg6[%dma_wait3A_1624, %dma_wait3A_1625, %dma_wait3A_1626] : memref<8x104x64xf32, #tpu.memory_space<vmem>> -> memref<1x26x64xf32, #tpu.memory_space<vmem>>
        %dma_wait3A_1628 = tpu.memref_squeeze %dma_wait3A_1627 : memref<1x26x64xf32, #tpu.memory_space<vmem>> -> memref<26x64xf32, #tpu.memory_space<vmem>>
        %dma_wait3A_1629 = arith.constant 0 : i32
        %dma_wait3A_1630 = arith.constant 0 : i32
        %dma_wait3A_1631 = tpu.memref_slice %arg4[%add3A_1623, %dma_wait3A_1629, %dma_wait3A_1630] : memref<16384x32x128xf32, #tpu.memory_space<hbm>> -> memref<1x26x64xf32, #tpu.memory_space<hbm>>
        %dma_wait3A_1632 = tpu.memref_squeeze %dma_wait3A_1631 : memref<1x26x64xf32, #tpu.memory_space<hbm>> -> memref<26x64xf32, #tpu.memory_space<hbm>>
        %dma_wait3A_1633 = arith.constant 0 : i32
        %dma_wait3A_1634 = arith.constant 0 : i32
        %dma_wait3A_1635 = tpu.memref_slice %arg4[%add3A_1623, %dma_wait3A_1633, %dma_wait3A_1634] : memref<16384x32x128xf32, #tpu.memory_space<hbm>> -> memref<1x26x64xf32, #tpu.memory_space<hbm>>
        %dma_wait3A_1636 = tpu.memref_squeeze %dma_wait3A_1635 : memref<1x26x64xf32, #tpu.memory_space<hbm>> -> memref<26x64xf32, #tpu.memory_space<hbm>>
        %dma_wait3A_1637 = arith.constant 26 : i32
        %dma_wait3A_1638 = arith.constant 0 : i32
        %dma_wait3A_1639 = tpu.memref_slice %arg6[%dma_wait3A_1624, %dma_wait3A_1637, %dma_wait3A_1638] : memref<8x104x64xf32, #tpu.memory_space<vmem>> -> memref<1x26x64xf32, #tpu.memory_space<vmem>>
        %dma_wait3A_1640 = tpu.memref_squeeze %dma_wait3A_1639 : memref<1x26x64xf32, #tpu.memory_space<vmem>> -> memref<26x64xf32, #tpu.memory_space<vmem>>
        tpu.wait_dma2 semaphore(%arg16 : memref<!tpu.dma_semaphore, #tpu.memory_space<semaphore_mem>>) src(%dma_wait3A_1640 : memref<26x64xf32, #tpu.memory_space<vmem>>) dst(%dma_wait3A_1636 : memref<26x64xf32, #tpu.memory_space<hbm>>)
        %add3A_1641 = arith.constant 2 : i32
        %add3A_1642 = arith.addi %mul3A_2, %add3A_1641 : i32
        %dma_wait3A_1643 = arith.constant 1 : i32
        %dma_wait3A_1644 = arith.constant 52 : i32
        %dma_wait3A_1645 = arith.constant 0 : i32
        %dma_wait3A_1646 = tpu.memref_slice %arg6[%dma_wait3A_1643, %dma_wait3A_1644, %dma_wait3A_1645] : memref<8x104x64xf32, #tpu.memory_space<vmem>> -> memref<1x26x64xf32, #tpu.memory_space<vmem>>
        %dma_wait3A_1647 = tpu.memref_squeeze %dma_wait3A_1646 : memref<1x26x64xf32, #tpu.memory_space<vmem>> -> memref<26x64xf32, #tpu.memory_space<vmem>>
        %dma_wait3A_1648 = arith.constant 0 : i32
        %dma_wait3A_1649 = arith.constant 0 : i32
        %dma_wait3A_1650 = tpu.memref_slice %arg4[%add3A_1642, %dma_wait3A_1648, %dma_wait3A_1649] : memref<16384x32x128xf32, #tpu.memory_space<hbm>> -> memref<1x26x64xf32, #tpu.memory_space<hbm>>
        %dma_wait3A_1651 = tpu.memref_squeeze %dma_wait3A_1650 : memref<1x26x64xf32, #tpu.memory_space<hbm>> -> memref<26x64xf32, #tpu.memory_space<hbm>>
        %dma_wait3A_1652 = arith.constant 0 : i32
        %dma_wait3A_1653 = arith.constant 0 : i32
        %dma_wait3A_1654 = tpu.memref_slice %arg4[%add3A_1642, %dma_wait3A_1652, %dma_wait3A_1653] : memref<16384x32x128xf32, #tpu.memory_space<hbm>> -> memref<1x26x64xf32, #tpu.memory_space<hbm>>
        %dma_wait3A_1655 = tpu.memref_squeeze %dma_wait3A_1654 : memref<1x26x64xf32, #tpu.memory_space<hbm>> -> memref<26x64xf32, #tpu.memory_space<hbm>>
        %dma_wait3A_1656 = arith.constant 52 : i32
        %dma_wait3A_1657 = arith.constant 0 : i32
        %dma_wait3A_1658 = tpu.memref_slice %arg6[%dma_wait3A_1643, %dma_wait3A_1656, %dma_wait3A_1657] : memref<8x104x64xf32, #tpu.memory_space<vmem>> -> memref<1x26x64xf32, #tpu.memory_space<vmem>>
        %dma_wait3A_1659 = tpu.memref_squeeze %dma_wait3A_1658 : memref<1x26x64xf32, #tpu.memory_space<vmem>> -> memref<26x64xf32, #tpu.memory_space<vmem>>
        tpu.wait_dma2 semaphore(%arg16 : memref<!tpu.dma_semaphore, #tpu.memory_space<semaphore_mem>>) src(%dma_wait3A_1659 : memref<26x64xf32, #tpu.memory_space<vmem>>) dst(%dma_wait3A_1655 : memref<26x64xf32, #tpu.memory_space<hbm>>)
        %add3A_1660 = arith.constant 3 : i32
        %add3A_1661 = arith.addi %mul3A_2, %add3A_1660 : i32
        %dma_wait3A_1662 = arith.constant 1 : i32
        %dma_wait3A_1663 = arith.constant 78 : i32
        %dma_wait3A_1664 = arith.constant 0 : i32
        %dma_wait3A_1665 = tpu.memref_slice %arg6[%dma_wait3A_1662, %dma_wait3A_1663, %dma_wait3A_1664] : memref<8x104x64xf32, #tpu.memory_space<vmem>> -> memref<1x26x64xf32, #tpu.memory_space<vmem>>
        %dma_wait3A_1666 = tpu.memref_squeeze %dma_wait3A_1665 : memref<1x26x64xf32, #tpu.memory_space<vmem>> -> memref<26x64xf32, #tpu.memory_space<vmem>>
        %dma_wait3A_1667 = arith.constant 0 : i32
        %dma_wait3A_1668 = arith.constant 0 : i32
        %dma_wait3A_1669 = tpu.memref_slice %arg4[%add3A_1661, %dma_wait3A_1667, %dma_wait3A_1668] : memref<16384x32x128xf32, #tpu.memory_space<hbm>> -> memref<1x26x64xf32, #tpu.memory_space<hbm>>
        %dma_wait3A_1670 = tpu.memref_squeeze %dma_wait3A_1669 : memref<1x26x64xf32, #tpu.memory_space<hbm>> -> memref<26x64xf32, #tpu.memory_space<hbm>>
        %dma_wait3A_1671 = arith.constant 0 : i32
        %dma_wait3A_1672 = arith.constant 0 : i32
        %dma_wait3A_1673 = tpu.memref_slice %arg4[%add3A_1661, %dma_wait3A_1671, %dma_wait3A_1672] : memref<16384x32x128xf32, #tpu.memory_space<hbm>> -> memref<1x26x64xf32, #tpu.memory_space<hbm>>
        %dma_wait3A_1674 = tpu.memref_squeeze %dma_wait3A_1673 : memref<1x26x64xf32, #tpu.memory_space<hbm>> -> memref<26x64xf32, #tpu.memory_space<hbm>>
        %dma_wait3A_1675 = arith.constant 78 : i32
        %dma_wait3A_1676 = arith.constant 0 : i32
        %dma_wait3A_1677 = tpu.memref_slice %arg6[%dma_wait3A_1662, %dma_wait3A_1675, %dma_wait3A_1676] : memref<8x104x64xf32, #tpu.memory_space<vmem>> -> memref<1x26x64xf32, #tpu.memory_space<vmem>>
        %dma_wait3A_1678 = tpu.memref_squeeze %dma_wait3A_1677 : memref<1x26x64xf32, #tpu.memory_space<vmem>> -> memref<26x64xf32, #tpu.memory_space<vmem>>
        tpu.wait_dma2 semaphore(%arg16 : memref<!tpu.dma_semaphore, #tpu.memory_space<semaphore_mem>>) src(%dma_wait3A_1678 : memref<26x64xf32, #tpu.memory_space<vmem>>) dst(%dma_wait3A_1674 : memref<26x64xf32, #tpu.memory_space<hbm>>)
        %add3A_1679 = arith.constant 1 : i32
        %add3A_1680 = arith.addi %mul3A_717, %add3A_1679 : i32
        %add3A_1681 = arith.constant 8 : i32
        %add3A_1682 = arith.addi %add3A_1680, %add3A_1681 : i32
        %dma_start3A_1683 = arith.constant 1 : i32
        %dma_start3A_1684 = arith.constant 0 : i32
        %dma_start3A_1685 = arith.constant 0 : i32
        %dma_start3A_1686 = tpu.memref_slice %arg6[%dma_start3A_1683, %dma_start3A_1684, %dma_start3A_1685] : memref<8x104x64xf32, #tpu.memory_space<vmem>> -> memref<1x104x64xf32, #tpu.memory_space<vmem>>
        %dma_start3A_1687 = tpu.memref_squeeze %dma_start3A_1686 : memref<1x104x64xf32, #tpu.memory_space<vmem>> -> memref<104x64xf32, #tpu.memory_space<vmem>>
        %dma_start3A_1688 = arith.constant 0 : i32
        %dma_start3A_1689 = tpu.memref_slice %arg5[%add3A_1682, %dma_start3A_1688] : memref<128x104xi32, #tpu.memory_space<vmem>> -> memref<1x104xi32, #tpu.memory_space<vmem>>
        %dma_start3A_1690 = tpu.memref_squeeze %dma_start3A_1689 : memref<1x104xi32, #tpu.memory_space<vmem>> -> memref<104xi32, #tpu.memory_space<vmem>>
        %dma_start3A_1691 = arith.constant 0 : i32
        %dma_start3A_1692 = arith.constant 0 : i32
        %dma_start3A_1693 = tpu.memref_slice %arg3[%dma_start3A_1691, %dma_start3A_1692] : memref<1000000x64xf32, #tpu.memory_space<hbm>> -> memref<1000000x64xf32, #tpu.memory_space<hbm>>
        tpu.enqueue_indirect_dma source(%dma_start3A_1693 : memref<1000000x64xf32, #tpu.memory_space<hbm>>) target(%dma_start3A_1687 : memref<104x64xf32, #tpu.memory_space<vmem>>) offsets(%dma_start3A_1690 : memref<104xi32, #tpu.memory_space<vmem>>) semaphore(%arg8 : memref<!tpu.dma_semaphore, #tpu.memory_space<semaphore_mem>>)
      } else {
      }
      %add3A_1549 = arith.constant 2 : i32
      %add3A_1550 = arith.addi %mul3A_717, %add3A_1549 : i32
      %add3A_1551 = arith.constant 8 : i32
      %add3A_1552 = arith.addi %add3A_1550, %add3A_1551 : i32
      %lt3A_1553 = arith.constant 128 : i32
      %lt3A_1554 = arith.cmpi slt, %add3A_1552, %lt3A_1553 : i32
      %convert_element_type3A_1555 = arith.extui %lt3A_1554 : i1 to i32
      %cond3A_1556 = arith.constant 0 : i32
      %cond3A_1557 = arith.cmpi ne, %convert_element_type3A_1555, %cond3A_1556 : i32
      scf.if %cond3A_1557 {
        %add3A_1603 = arith.constant 0 : i32
        %add3A_1604 = arith.addi %mul3A_2, %add3A_1603 : i32
        %dma_wait3A_1605 = arith.constant 2 : i32
        %dma_wait3A_1606 = arith.constant 0 : i32
        %dma_wait3A_1607 = arith.constant 0 : i32
        %dma_wait3A_1608 = tpu.memref_slice %arg6[%dma_wait3A_1605, %dma_wait3A_1606, %dma_wait3A_1607] : memref<8x104x64xf32, #tpu.memory_space<vmem>> -> memref<1x26x64xf32, #tpu.memory_space<vmem>>
        %dma_wait3A_1609 = tpu.memref_squeeze %dma_wait3A_1608 : memref<1x26x64xf32, #tpu.memory_space<vmem>> -> memref<26x64xf32, #tpu.memory_space<vmem>>
        %dma_wait3A_1610 = arith.constant 0 : i32
        %dma_wait3A_1611 = arith.constant 0 : i32
        %dma_wait3A_1612 = tpu.memref_slice %arg4[%add3A_1604, %dma_wait3A_1610, %dma_wait3A_1611] : memref<16384x32x128xf32, #tpu.memory_space<hbm>> -> memref<1x26x64xf32, #tpu.memory_space<hbm>>
        %dma_wait3A_1613 = tpu.memref_squeeze %dma_wait3A_1612 : memref<1x26x64xf32, #tpu.memory_space<hbm>> -> memref<26x64xf32, #tpu.memory_space<hbm>>
        %dma_wait3A_1614 = arith.constant 0 : i32
        %dma_wait3A_1615 = arith.constant 0 : i32
        %dma_wait3A_1616 = tpu.memref_slice %arg4[%add3A_1604, %dma_wait3A_1614, %dma_wait3A_1615] : memref<16384x32x128xf32, #tpu.memory_space<hbm>> -> memref<1x26x64xf32, #tpu.memory_space<hbm>>
        %dma_wait3A_1617 = tpu.memref_squeeze %dma_wait3A_1616 : memref<1x26x64xf32, #tpu.memory_space<hbm>> -> memref<26x64xf32, #tpu.memory_space<hbm>>
        %dma_wait3A_1618 = arith.constant 0 : i32
        %dma_wait3A_1619 = arith.constant 0 : i32
        %dma_wait3A_1620 = tpu.memref_slice %arg6[%dma_wait3A_1605, %dma_wait3A_1618, %dma_wait3A_1619] : memref<8x104x64xf32, #tpu.memory_space<vmem>> -> memref<1x26x64xf32, #tpu.memory_space<vmem>>
        %dma_wait3A_1621 = tpu.memref_squeeze %dma_wait3A_1620 : memref<1x26x64xf32, #tpu.memory_space<vmem>> -> memref<26x64xf32, #tpu.memory_space<vmem>>
        tpu.wait_dma2 semaphore(%arg17 : memref<!tpu.dma_semaphore, #tpu.memory_space<semaphore_mem>>) src(%dma_wait3A_1621 : memref<26x64xf32, #tpu.memory_space<vmem>>) dst(%dma_wait3A_1617 : memref<26x64xf32, #tpu.memory_space<hbm>>)
        %add3A_1622 = arith.constant 1 : i32
        %add3A_1623 = arith.addi %mul3A_2, %add3A_1622 : i32
        %dma_wait3A_1624 = arith.constant 2 : i32
        %dma_wait3A_1625 = arith.constant 26 : i32
        %dma_wait3A_1626 = arith.constant 0 : i32
        %dma_wait3A_1627 = tpu.memref_slice %arg6[%dma_wait3A_1624, %dma_wait3A_1625, %dma_wait3A_1626] : memref<8x104x64xf32, #tpu.memory_space<vmem>> -> memref<1x26x64xf32, #tpu.memory_space<vmem>>
        %dma_wait3A_1628 = tpu.memref_squeeze %dma_wait3A_1627 : memref<1x26x64xf32, #tpu.memory_space<vmem>> -> memref<26x64xf32, #tpu.memory_space<vmem>>
        %dma_wait3A_1629 = arith.constant 0 : i32
        %dma_wait3A_1630 = arith.constant 0 : i32
        %dma_wait3A_1631 = tpu.memref_slice %arg4[%add3A_1623, %dma_wait3A_1629, %dma_wait3A_1630] : memref<16384x32x128xf32, #tpu.memory_space<hbm>> -> memref<1x26x64xf32, #tpu.memory_space<hbm>>
        %dma_wait3A_1632 = tpu.memref_squeeze %dma_wait3A_1631 : memref<1x26x64xf32, #tpu.memory_space<hbm>> -> memref<26x64xf32, #tpu.memory_space<hbm>>
        %dma_wait3A_1633 = arith.constant 0 : i32
        %dma_wait3A_1634 = arith.constant 0 : i32
        %dma_wait3A_1635 = tpu.memref_slice %arg4[%add3A_1623, %dma_wait3A_1633, %dma_wait3A_1634] : memref<16384x32x128xf32, #tpu.memory_space<hbm>> -> memref<1x26x64xf32, #tpu.memory_space<hbm>>
        %dma_wait3A_1636 = tpu.memref_squeeze %dma_wait3A_1635 : memref<1x26x64xf32, #tpu.memory_space<hbm>> -> memref<26x64xf32, #tpu.memory_space<hbm>>
        %dma_wait3A_1637 = arith.constant 26 : i32
        %dma_wait3A_1638 = arith.constant 0 : i32
        %dma_wait3A_1639 = tpu.memref_slice %arg6[%dma_wait3A_1624, %dma_wait3A_1637, %dma_wait3A_1638] : memref<8x104x64xf32, #tpu.memory_space<vmem>> -> memref<1x26x64xf32, #tpu.memory_space<vmem>>
        %dma_wait3A_1640 = tpu.memref_squeeze %dma_wait3A_1639 : memref<1x26x64xf32, #tpu.memory_space<vmem>> -> memref<26x64xf32, #tpu.memory_space<vmem>>
        tpu.wait_dma2 semaphore(%arg17 : memref<!tpu.dma_semaphore, #tpu.memory_space<semaphore_mem>>) src(%dma_wait3A_1640 : memref<26x64xf32, #tpu.memory_space<vmem>>) dst(%dma_wait3A_1636 : memref<26x64xf32, #tpu.memory_space<hbm>>)
        %add3A_1641 = arith.constant 2 : i32
        %add3A_1642 = arith.addi %mul3A_2, %add3A_1641 : i32
        %dma_wait3A_1643 = arith.constant 2 : i32
        %dma_wait3A_1644 = arith.constant 52 : i32
        %dma_wait3A_1645 = arith.constant 0 : i32
        %dma_wait3A_1646 = tpu.memref_slice %arg6[%dma_wait3A_1643, %dma_wait3A_1644, %dma_wait3A_1645] : memref<8x104x64xf32, #tpu.memory_space<vmem>> -> memref<1x26x64xf32, #tpu.memory_space<vmem>>
        %dma_wait3A_1647 = tpu.memref_squeeze %dma_wait3A_1646 : memref<1x26x64xf32, #tpu.memory_space<vmem>> -> memref<26x64xf32, #tpu.memory_space<vmem>>
        %dma_wait3A_1648 = arith.constant 0 : i32
        %dma_wait3A_1649 = arith.constant 0 : i32
        %dma_wait3A_1650 = tpu.memref_slice %arg4[%add3A_1642, %dma_wait3A_1648, %dma_wait3A_1649] : memref<16384x32x128xf32, #tpu.memory_space<hbm>> -> memref<1x26x64xf32, #tpu.memory_space<hbm>>
        %dma_wait3A_1651 = tpu.memref_squeeze %dma_wait3A_1650 : memref<1x26x64xf32, #tpu.memory_space<hbm>> -> memref<26x64xf32, #tpu.memory_space<hbm>>
        %dma_wait3A_1652 = arith.constant 0 : i32
        %dma_wait3A_1653 = arith.constant 0 : i32
        %dma_wait3A_1654 = tpu.memref_slice %arg4[%add3A_1642, %dma_wait3A_1652, %dma_wait3A_1653] : memref<16384x32x128xf32, #tpu.memory_space<hbm>> -> memref<1x26x64xf32, #tpu.memory_space<hbm>>
        %dma_wait3A_1655 = tpu.memref_squeeze %dma_wait3A_1654 : memref<1x26x64xf32, #tpu.memory_space<hbm>> -> memref<26x64xf32, #tpu.memory_space<hbm>>
        %dma_wait3A_1656 = arith.constant 52 : i32
        %dma_wait3A_1657 = arith.constant 0 : i32
        %dma_wait3A_1658 = tpu.memref_slice %arg6[%dma_wait3A_1643, %dma_wait3A_1656, %dma_wait3A_1657] : memref<8x104x64xf32, #tpu.memory_space<vmem>> -> memref<1x26x64xf32, #tpu.memory_space<vmem>>
        %dma_wait3A_1659 = tpu.memref_squeeze %dma_wait3A_1658 : memref<1x26x64xf32, #tpu.memory_space<vmem>> -> memref<26x64xf32, #tpu.memory_space<vmem>>
        tpu.wait_dma2 semaphore(%arg17 : memref<!tpu.dma_semaphore, #tpu.memory_space<semaphore_mem>>) src(%dma_wait3A_1659 : memref<26x64xf32, #tpu.memory_space<vmem>>) dst(%dma_wait3A_1655 : memref<26x64xf32, #tpu.memory_space<hbm>>)
        %add3A_1660 = arith.constant 3 : i32
        %add3A_1661 = arith.addi %mul3A_2, %add3A_1660 : i32
        %dma_wait3A_1662 = arith.constant 2 : i32
        %dma_wait3A_1663 = arith.constant 78 : i32
        %dma_wait3A_1664 = arith.constant 0 : i32
        %dma_wait3A_1665 = tpu.memref_slice %arg6[%dma_wait3A_1662, %dma_wait3A_1663, %dma_wait3A_1664] : memref<8x104x64xf32, #tpu.memory_space<vmem>> -> memref<1x26x64xf32, #tpu.memory_space<vmem>>
        %dma_wait3A_1666 = tpu.memref_squeeze %dma_wait3A_1665 : memref<1x26x64xf32, #tpu.memory_space<vmem>> -> memref<26x64xf32, #tpu.memory_space<vmem>>
        %dma_wait3A_1667 = arith.constant 0 : i32
        %dma_wait3A_1668 = arith.constant 0 : i32
        %dma_wait3A_1669 = tpu.memref_slice %arg4[%add3A_1661, %dma_wait3A_1667, %dma_wait3A_1668] : memref<16384x32x128xf32, #tpu.memory_space<hbm>> -> memref<1x26x64xf32, #tpu.memory_space<hbm>>
        %dma_wait3A_1670 = tpu.memref_squeeze %dma_wait3A_1669 : memref<1x26x64xf32, #tpu.memory_space<hbm>> -> memref<26x64xf32, #tpu.memory_space<hbm>>
        %dma_wait3A_1671 = arith.constant 0 : i32
        %dma_wait3A_1672 = arith.constant 0 : i32
        %dma_wait3A_1673 = tpu.memref_slice %arg4[%add3A_1661, %dma_wait3A_1671, %dma_wait3A_1672] : memref<16384x32x128xf32, #tpu.memory_space<hbm>> -> memref<1x26x64xf32, #tpu.memory_space<hbm>>
        %dma_wait3A_1674 = tpu.memref_squeeze %dma_wait3A_1673 : memref<1x26x64xf32, #tpu.memory_space<hbm>> -> memref<26x64xf32, #tpu.memory_space<hbm>>
        %dma_wait3A_1675 = arith.constant 78 : i32
        %dma_wait3A_1676 = arith.constant 0 : i32
        %dma_wait3A_1677 = tpu.memref_slice %arg6[%dma_wait3A_1662, %dma_wait3A_1675, %dma_wait3A_1676] : memref<8x104x64xf32, #tpu.memory_space<vmem>> -> memref<1x26x64xf32, #tpu.memory_space<vmem>>
        %dma_wait3A_1678 = tpu.memref_squeeze %dma_wait3A_1677 : memref<1x26x64xf32, #tpu.memory_space<vmem>> -> memref<26x64xf32, #tpu.memory_space<vmem>>
        tpu.wait_dma2 semaphore(%arg17 : memref<!tpu.dma_semaphore, #tpu.memory_space<semaphore_mem>>) src(%dma_wait3A_1678 : memref<26x64xf32, #tpu.memory_space<vmem>>) dst(%dma_wait3A_1674 : memref<26x64xf32, #tpu.memory_space<hbm>>)
        %add3A_1679 = arith.constant 2 : i32
        %add3A_1680 = arith.addi %mul3A_717, %add3A_1679 : i32
        %add3A_1681 = arith.constant 8 : i32
        %add3A_1682 = arith.addi %add3A_1680, %add3A_1681 : i32
        %dma_start3A_1683 = arith.constant 2 : i32
        %dma_start3A_1684 = arith.constant 0 : i32
        %dma_start3A_1685 = arith.constant 0 : i32
        %dma_start3A_1686 = tpu.memref_slice %arg6[%dma_start3A_1683, %dma_start3A_1684, %dma_start3A_1685] : memref<8x104x64xf32, #tpu.memory_space<vmem>> -> memref<1x104x64xf32, #tpu.memory_space<vmem>>
        %dma_start3A_1687 = tpu.memref_squeeze %dma_start3A_1686 : memref<1x104x64xf32, #tpu.memory_space<vmem>> -> memref<104x64xf32, #tpu.memory_space<vmem>>
        %dma_start3A_1688 = arith.constant 0 : i32
        %dma_start3A_1689 = tpu.memref_slice %arg5[%add3A_1682, %dma_start3A_1688] : memref<128x104xi32, #tpu.memory_space<vmem>> -> memref<1x104xi32, #tpu.memory_space<vmem>>
        %dma_start3A_1690 = tpu.memref_squeeze %dma_start3A_1689 : memref<1x104xi32, #tpu.memory_space<vmem>> -> memref<104xi32, #tpu.memory_space<vmem>>
        %dma_start3A_1691 = arith.constant 0 : i32
        %dma_start3A_1692 = arith.constant 0 : i32
        %dma_start3A_1693 = tpu.memref_slice %arg3[%dma_start3A_1691, %dma_start3A_1692] : memref<1000000x64xf32, #tpu.memory_space<hbm>> -> memref<1000000x64xf32, #tpu.memory_space<hbm>>
        tpu.enqueue_indirect_dma source(%dma_start3A_1693 : memref<1000000x64xf32, #tpu.memory_space<hbm>>) target(%dma_start3A_1687 : memref<104x64xf32, #tpu.memory_space<vmem>>) offsets(%dma_start3A_1690 : memref<104xi32, #tpu.memory_space<vmem>>) semaphore(%arg9 : memref<!tpu.dma_semaphore, #tpu.memory_space<semaphore_mem>>)
      } else {
      }
      %add3A_1558 = arith.constant 3 : i32
      %add3A_1559 = arith.addi %mul3A_717, %add3A_1558 : i32
      %add3A_1560 = arith.constant 8 : i32
      %add3A_1561 = arith.addi %add3A_1559, %add3A_1560 : i32
      %lt3A_1562 = arith.constant 128 : i32
      %lt3A_1563 = arith.cmpi slt, %add3A_1561, %lt3A_1562 : i32
      %convert_element_type3A_1564 = arith.extui %lt3A_1563 : i1 to i32
      %cond3A_1565 = arith.constant 0 : i32
      %cond3A_1566 = arith.cmpi ne, %convert_element_type3A_1564, %cond3A_1565 : i32
      scf.if %cond3A_1566 {
        %add3A_1603 = arith.constant 0 : i32
        %add3A_1604 = arith.addi %mul3A_2, %add3A_1603 : i32
        %dma_wait3A_1605 = arith.constant 3 : i32
        %dma_wait3A_1606 = arith.constant 0 : i32
        %dma_wait3A_1607 = arith.constant 0 : i32
        %dma_wait3A_1608 = tpu.memref_slice %arg6[%dma_wait3A_1605, %dma_wait3A_1606, %dma_wait3A_1607] : memref<8x104x64xf32, #tpu.memory_space<vmem>> -> memref<1x26x64xf32, #tpu.memory_space<vmem>>
        %dma_wait3A_1609 = tpu.memref_squeeze %dma_wait3A_1608 : memref<1x26x64xf32, #tpu.memory_space<vmem>> -> memref<26x64xf32, #tpu.memory_space<vmem>>
        %dma_wait3A_1610 = arith.constant 0 : i32
        %dma_wait3A_1611 = arith.constant 0 : i32
        %dma_wait3A_1612 = tpu.memref_slice %arg4[%add3A_1604, %dma_wait3A_1610, %dma_wait3A_1611] : memref<16384x32x128xf32, #tpu.memory_space<hbm>> -> memref<1x26x64xf32, #tpu.memory_space<hbm>>
        %dma_wait3A_1613 = tpu.memref_squeeze %dma_wait3A_1612 : memref<1x26x64xf32, #tpu.memory_space<hbm>> -> memref<26x64xf32, #tpu.memory_space<hbm>>
        %dma_wait3A_1614 = arith.constant 0 : i32
        %dma_wait3A_1615 = arith.constant 0 : i32
        %dma_wait3A_1616 = tpu.memref_slice %arg4[%add3A_1604, %dma_wait3A_1614, %dma_wait3A_1615] : memref<16384x32x128xf32, #tpu.memory_space<hbm>> -> memref<1x26x64xf32, #tpu.memory_space<hbm>>
        %dma_wait3A_1617 = tpu.memref_squeeze %dma_wait3A_1616 : memref<1x26x64xf32, #tpu.memory_space<hbm>> -> memref<26x64xf32, #tpu.memory_space<hbm>>
        %dma_wait3A_1618 = arith.constant 0 : i32
        %dma_wait3A_1619 = arith.constant 0 : i32
        %dma_wait3A_1620 = tpu.memref_slice %arg6[%dma_wait3A_1605, %dma_wait3A_1618, %dma_wait3A_1619] : memref<8x104x64xf32, #tpu.memory_space<vmem>> -> memref<1x26x64xf32, #tpu.memory_space<vmem>>
        %dma_wait3A_1621 = tpu.memref_squeeze %dma_wait3A_1620 : memref<1x26x64xf32, #tpu.memory_space<vmem>> -> memref<26x64xf32, #tpu.memory_space<vmem>>
        tpu.wait_dma2 semaphore(%arg18 : memref<!tpu.dma_semaphore, #tpu.memory_space<semaphore_mem>>) src(%dma_wait3A_1621 : memref<26x64xf32, #tpu.memory_space<vmem>>) dst(%dma_wait3A_1617 : memref<26x64xf32, #tpu.memory_space<hbm>>)
        %add3A_1622 = arith.constant 1 : i32
        %add3A_1623 = arith.addi %mul3A_2, %add3A_1622 : i32
        %dma_wait3A_1624 = arith.constant 3 : i32
        %dma_wait3A_1625 = arith.constant 26 : i32
        %dma_wait3A_1626 = arith.constant 0 : i32
        %dma_wait3A_1627 = tpu.memref_slice %arg6[%dma_wait3A_1624, %dma_wait3A_1625, %dma_wait3A_1626] : memref<8x104x64xf32, #tpu.memory_space<vmem>> -> memref<1x26x64xf32, #tpu.memory_space<vmem>>
        %dma_wait3A_1628 = tpu.memref_squeeze %dma_wait3A_1627 : memref<1x26x64xf32, #tpu.memory_space<vmem>> -> memref<26x64xf32, #tpu.memory_space<vmem>>
        %dma_wait3A_1629 = arith.constant 0 : i32
        %dma_wait3A_1630 = arith.constant 0 : i32
        %dma_wait3A_1631 = tpu.memref_slice %arg4[%add3A_1623, %dma_wait3A_1629, %dma_wait3A_1630] : memref<16384x32x128xf32, #tpu.memory_space<hbm>> -> memref<1x26x64xf32, #tpu.memory_space<hbm>>
        %dma_wait3A_1632 = tpu.memref_squeeze %dma_wait3A_1631 : memref<1x26x64xf32, #tpu.memory_space<hbm>> -> memref<26x64xf32, #tpu.memory_space<hbm>>
        %dma_wait3A_1633 = arith.constant 0 : i32
        %dma_wait3A_1634 = arith.constant 0 : i32
        %dma_wait3A_1635 = tpu.memref_slice %arg4[%add3A_1623, %dma_wait3A_1633, %dma_wait3A_1634] : memref<16384x32x128xf32, #tpu.memory_space<hbm>> -> memref<1x26x64xf32, #tpu.memory_space<hbm>>
        %dma_wait3A_1636 = tpu.memref_squeeze %dma_wait3A_1635 : memref<1x26x64xf32, #tpu.memory_space<hbm>> -> memref<26x64xf32, #tpu.memory_space<hbm>>
        %dma_wait3A_1637 = arith.constant 26 : i32
        %dma_wait3A_1638 = arith.constant 0 : i32
        %dma_wait3A_1639 = tpu.memref_slice %arg6[%dma_wait3A_1624, %dma_wait3A_1637, %dma_wait3A_1638] : memref<8x104x64xf32, #tpu.memory_space<vmem>> -> memref<1x26x64xf32, #tpu.memory_space<vmem>>
        %dma_wait3A_1640 = tpu.memref_squeeze %dma_wait3A_1639 : memref<1x26x64xf32, #tpu.memory_space<vmem>> -> memref<26x64xf32, #tpu.memory_space<vmem>>
        tpu.wait_dma2 semaphore(%arg18 : memref<!tpu.dma_semaphore, #tpu.memory_space<semaphore_mem>>) src(%dma_wait3A_1640 : memref<26x64xf32, #tpu.memory_space<vmem>>) dst(%dma_wait3A_1636 : memref<26x64xf32, #tpu.memory_space<hbm>>)
        %add3A_1641 = arith.constant 2 : i32
        %add3A_1642 = arith.addi %mul3A_2, %add3A_1641 : i32
        %dma_wait3A_1643 = arith.constant 3 : i32
        %dma_wait3A_1644 = arith.constant 52 : i32
        %dma_wait3A_1645 = arith.constant 0 : i32
        %dma_wait3A_1646 = tpu.memref_slice %arg6[%dma_wait3A_1643, %dma_wait3A_1644, %dma_wait3A_1645] : memref<8x104x64xf32, #tpu.memory_space<vmem>> -> memref<1x26x64xf32, #tpu.memory_space<vmem>>
        %dma_wait3A_1647 = tpu.memref_squeeze %dma_wait3A_1646 : memref<1x26x64xf32, #tpu.memory_space<vmem>> -> memref<26x64xf32, #tpu.memory_space<vmem>>
        %dma_wait3A_1648 = arith.constant 0 : i32
        %dma_wait3A_1649 = arith.constant 0 : i32
        %dma_wait3A_1650 = tpu.memref_slice %arg4[%add3A_1642, %dma_wait3A_1648, %dma_wait3A_1649] : memref<16384x32x128xf32, #tpu.memory_space<hbm>> -> memref<1x26x64xf32, #tpu.memory_space<hbm>>
        %dma_wait3A_1651 = tpu.memref_squeeze %dma_wait3A_1650 : memref<1x26x64xf32, #tpu.memory_space<hbm>> -> memref<26x64xf32, #tpu.memory_space<hbm>>
        %dma_wait3A_1652 = arith.constant 0 : i32
        %dma_wait3A_1653 = arith.constant 0 : i32
        %dma_wait3A_1654 = tpu.memref_slice %arg4[%add3A_1642, %dma_wait3A_1652, %dma_wait3A_1653] : memref<16384x32x128xf32, #tpu.memory_space<hbm>> -> memref<1x26x64xf32, #tpu.memory_space<hbm>>
        %dma_wait3A_1655 = tpu.memref_squeeze %dma_wait3A_1654 : memref<1x26x64xf32, #tpu.memory_space<hbm>> -> memref<26x64xf32, #tpu.memory_space<hbm>>
        %dma_wait3A_1656 = arith.constant 52 : i32
        %dma_wait3A_1657 = arith.constant 0 : i32
        %dma_wait3A_1658 = tpu.memref_slice %arg6[%dma_wait3A_1643, %dma_wait3A_1656, %dma_wait3A_1657] : memref<8x104x64xf32, #tpu.memory_space<vmem>> -> memref<1x26x64xf32, #tpu.memory_space<vmem>>
        %dma_wait3A_1659 = tpu.memref_squeeze %dma_wait3A_1658 : memref<1x26x64xf32, #tpu.memory_space<vmem>> -> memref<26x64xf32, #tpu.memory_space<vmem>>
        tpu.wait_dma2 semaphore(%arg18 : memref<!tpu.dma_semaphore, #tpu.memory_space<semaphore_mem>>) src(%dma_wait3A_1659 : memref<26x64xf32, #tpu.memory_space<vmem>>) dst(%dma_wait3A_1655 : memref<26x64xf32, #tpu.memory_space<hbm>>)
        %add3A_1660 = arith.constant 3 : i32
        %add3A_1661 = arith.addi %mul3A_2, %add3A_1660 : i32
        %dma_wait3A_1662 = arith.constant 3 : i32
        %dma_wait3A_1663 = arith.constant 78 : i32
        %dma_wait3A_1664 = arith.constant 0 : i32
        %dma_wait3A_1665 = tpu.memref_slice %arg6[%dma_wait3A_1662, %dma_wait3A_1663, %dma_wait3A_1664] : memref<8x104x64xf32, #tpu.memory_space<vmem>> -> memref<1x26x64xf32, #tpu.memory_space<vmem>>
        %dma_wait3A_1666 = tpu.memref_squeeze %dma_wait3A_1665 : memref<1x26x64xf32, #tpu.memory_space<vmem>> -> memref<26x64xf32, #tpu.memory_space<vmem>>
        %dma_wait3A_1667 = arith.constant 0 : i32
        %dma_wait3A_1668 = arith.constant 0 : i32
        %dma_wait3A_1669 = tpu.memref_slice %arg4[%add3A_1661, %dma_wait3A_1667, %dma_wait3A_1668] : memref<16384x32x128xf32, #tpu.memory_space<hbm>> -> memref<1x26x64xf32, #tpu.memory_space<hbm>>
        %dma_wait3A_1670 = tpu.memref_squeeze %dma_wait3A_1669 : memref<1x26x64xf32, #tpu.memory_space<hbm>> -> memref<26x64xf32, #tpu.memory_space<hbm>>
        %dma_wait3A_1671 = arith.constant 0 : i32
        %dma_wait3A_1672 = arith.constant 0 : i32
        %dma_wait3A_1673 = tpu.memref_slice %arg4[%add3A_1661, %dma_wait3A_1671, %dma_wait3A_1672] : memref<16384x32x128xf32, #tpu.memory_space<hbm>> -> memref<1x26x64xf32, #tpu.memory_space<hbm>>
        %dma_wait3A_1674 = tpu.memref_squeeze %dma_wait3A_1673 : memref<1x26x64xf32, #tpu.memory_space<hbm>> -> memref<26x64xf32, #tpu.memory_space<hbm>>
        %dma_wait3A_1675 = arith.constant 78 : i32
        %dma_wait3A_1676 = arith.constant 0 : i32
        %dma_wait3A_1677 = tpu.memref_slice %arg6[%dma_wait3A_1662, %dma_wait3A_1675, %dma_wait3A_1676] : memref<8x104x64xf32, #tpu.memory_space<vmem>> -> memref<1x26x64xf32, #tpu.memory_space<vmem>>
        %dma_wait3A_1678 = tpu.memref_squeeze %dma_wait3A_1677 : memref<1x26x64xf32, #tpu.memory_space<vmem>> -> memref<26x64xf32, #tpu.memory_space<vmem>>
        tpu.wait_dma2 semaphore(%arg18 : memref<!tpu.dma_semaphore, #tpu.memory_space<semaphore_mem>>) src(%dma_wait3A_1678 : memref<26x64xf32, #tpu.memory_space<vmem>>) dst(%dma_wait3A_1674 : memref<26x64xf32, #tpu.memory_space<hbm>>)
        %add3A_1679 = arith.constant 3 : i32
        %add3A_1680 = arith.addi %mul3A_717, %add3A_1679 : i32
        %add3A_1681 = arith.constant 8 : i32
        %add3A_1682 = arith.addi %add3A_1680, %add3A_1681 : i32
        %dma_start3A_1683 = arith.constant 3 : i32
        %dma_start3A_1684 = arith.constant 0 : i32
        %dma_start3A_1685 = arith.constant 0 : i32
        %dma_start3A_1686 = tpu.memref_slice %arg6[%dma_start3A_1683, %dma_start3A_1684, %dma_start3A_1685] : memref<8x104x64xf32, #tpu.memory_space<vmem>> -> memref<1x104x64xf32, #tpu.memory_space<vmem>>
        %dma_start3A_1687 = tpu.memref_squeeze %dma_start3A_1686 : memref<1x104x64xf32, #tpu.memory_space<vmem>> -> memref<104x64xf32, #tpu.memory_space<vmem>>
        %dma_start3A_1688 = arith.constant 0 : i32
        %dma_start3A_1689 = tpu.memref_slice %arg5[%add3A_1682, %dma_start3A_1688] : memref<128x104xi32, #tpu.memory_space<vmem>> -> memref<1x104xi32, #tpu.memory_space<vmem>>
        %dma_start3A_1690 = tpu.memref_squeeze %dma_start3A_1689 : memref<1x104xi32, #tpu.memory_space<vmem>> -> memref<104xi32, #tpu.memory_space<vmem>>
        %dma_start3A_1691 = arith.constant 0 : i32
        %dma_start3A_1692 = arith.constant 0 : i32
        %dma_start3A_1693 = tpu.memref_slice %arg3[%dma_start3A_1691, %dma_start3A_1692] : memref<1000000x64xf32, #tpu.memory_space<hbm>> -> memref<1000000x64xf32, #tpu.memory_space<hbm>>
        tpu.enqueue_indirect_dma source(%dma_start3A_1693 : memref<1000000x64xf32, #tpu.memory_space<hbm>>) target(%dma_start3A_1687 : memref<104x64xf32, #tpu.memory_space<vmem>>) offsets(%dma_start3A_1690 : memref<104xi32, #tpu.memory_space<vmem>>) semaphore(%arg10 : memref<!tpu.dma_semaphore, #tpu.memory_space<semaphore_mem>>)
      } else {
      }
      %add3A_1567 = arith.constant 4 : i32
      %add3A_1568 = arith.addi %mul3A_717, %add3A_1567 : i32
      %add3A_1569 = arith.constant 8 : i32
      %add3A_1570 = arith.addi %add3A_1568, %add3A_1569 : i32
      %lt3A_1571 = arith.constant 128 : i32
      %lt3A_1572 = arith.cmpi slt, %add3A_1570, %lt3A_1571 : i32
      %convert_element_type3A_1573 = arith.extui %lt3A_1572 : i1 to i32
      %cond3A_1574 = arith.constant 0 : i32
      %cond3A_1575 = arith.cmpi ne, %convert_element_type3A_1573, %cond3A_1574 : i32
      scf.if %cond3A_1575 {
        %add3A_1603 = arith.constant 0 : i32
        %add3A_1604 = arith.addi %mul3A_2, %add3A_1603 : i32
        %dma_wait3A_1605 = arith.constant 4 : i32
        %dma_wait3A_1606 = arith.constant 0 : i32
        %dma_wait3A_1607 = arith.constant 0 : i32
        %dma_wait3A_1608 = tpu.memref_slice %arg6[%dma_wait3A_1605, %dma_wait3A_1606, %dma_wait3A_1607] : memref<8x104x64xf32, #tpu.memory_space<vmem>> -> memref<1x26x64xf32, #tpu.memory_space<vmem>>
        %dma_wait3A_1609 = tpu.memref_squeeze %dma_wait3A_1608 : memref<1x26x64xf32, #tpu.memory_space<vmem>> -> memref<26x64xf32, #tpu.memory_space<vmem>>
        %dma_wait3A_1610 = arith.constant 0 : i32
        %dma_wait3A_1611 = arith.constant 0 : i32
        %dma_wait3A_1612 = tpu.memref_slice %arg4[%add3A_1604, %dma_wait3A_1610, %dma_wait3A_1611] : memref<16384x32x128xf32, #tpu.memory_space<hbm>> -> memref<1x26x64xf32, #tpu.memory_space<hbm>>
        %dma_wait3A_1613 = tpu.memref_squeeze %dma_wait3A_1612 : memref<1x26x64xf32, #tpu.memory_space<hbm>> -> memref<26x64xf32, #tpu.memory_space<hbm>>
        %dma_wait3A_1614 = arith.constant 0 : i32
        %dma_wait3A_1615 = arith.constant 0 : i32
        %dma_wait3A_1616 = tpu.memref_slice %arg4[%add3A_1604, %dma_wait3A_1614, %dma_wait3A_1615] : memref<16384x32x128xf32, #tpu.memory_space<hbm>> -> memref<1x26x64xf32, #tpu.memory_space<hbm>>
        %dma_wait3A_1617 = tpu.memref_squeeze %dma_wait3A_1616 : memref<1x26x64xf32, #tpu.memory_space<hbm>> -> memref<26x64xf32, #tpu.memory_space<hbm>>
        %dma_wait3A_1618 = arith.constant 0 : i32
        %dma_wait3A_1619 = arith.constant 0 : i32
        %dma_wait3A_1620 = tpu.memref_slice %arg6[%dma_wait3A_1605, %dma_wait3A_1618, %dma_wait3A_1619] : memref<8x104x64xf32, #tpu.memory_space<vmem>> -> memref<1x26x64xf32, #tpu.memory_space<vmem>>
        %dma_wait3A_1621 = tpu.memref_squeeze %dma_wait3A_1620 : memref<1x26x64xf32, #tpu.memory_space<vmem>> -> memref<26x64xf32, #tpu.memory_space<vmem>>
        tpu.wait_dma2 semaphore(%arg19 : memref<!tpu.dma_semaphore, #tpu.memory_space<semaphore_mem>>) src(%dma_wait3A_1621 : memref<26x64xf32, #tpu.memory_space<vmem>>) dst(%dma_wait3A_1617 : memref<26x64xf32, #tpu.memory_space<hbm>>)
        %add3A_1622 = arith.constant 1 : i32
        %add3A_1623 = arith.addi %mul3A_2, %add3A_1622 : i32
        %dma_wait3A_1624 = arith.constant 4 : i32
        %dma_wait3A_1625 = arith.constant 26 : i32
        %dma_wait3A_1626 = arith.constant 0 : i32
        %dma_wait3A_1627 = tpu.memref_slice %arg6[%dma_wait3A_1624, %dma_wait3A_1625, %dma_wait3A_1626] : memref<8x104x64xf32, #tpu.memory_space<vmem>> -> memref<1x26x64xf32, #tpu.memory_space<vmem>>
        %dma_wait3A_1628 = tpu.memref_squeeze %dma_wait3A_1627 : memref<1x26x64xf32, #tpu.memory_space<vmem>> -> memref<26x64xf32, #tpu.memory_space<vmem>>
        %dma_wait3A_1629 = arith.constant 0 : i32
        %dma_wait3A_1630 = arith.constant 0 : i32
        %dma_wait3A_1631 = tpu.memref_slice %arg4[%add3A_1623, %dma_wait3A_1629, %dma_wait3A_1630] : memref<16384x32x128xf32, #tpu.memory_space<hbm>> -> memref<1x26x64xf32, #tpu.memory_space<hbm>>
        %dma_wait3A_1632 = tpu.memref_squeeze %dma_wait3A_1631 : memref<1x26x64xf32, #tpu.memory_space<hbm>> -> memref<26x64xf32, #tpu.memory_space<hbm>>
        %dma_wait3A_1633 = arith.constant 0 : i32
        %dma_wait3A_1634 = arith.constant 0 : i32
        %dma_wait3A_1635 = tpu.memref_slice %arg4[%add3A_1623, %dma_wait3A_1633, %dma_wait3A_1634] : memref<16384x32x128xf32, #tpu.memory_space<hbm>> -> memref<1x26x64xf32, #tpu.memory_space<hbm>>
        %dma_wait3A_1636 = tpu.memref_squeeze %dma_wait3A_1635 : memref<1x26x64xf32, #tpu.memory_space<hbm>> -> memref<26x64xf32, #tpu.memory_space<hbm>>
        %dma_wait3A_1637 = arith.constant 26 : i32
        %dma_wait3A_1638 = arith.constant 0 : i32
        %dma_wait3A_1639 = tpu.memref_slice %arg6[%dma_wait3A_1624, %dma_wait3A_1637, %dma_wait3A_1638] : memref<8x104x64xf32, #tpu.memory_space<vmem>> -> memref<1x26x64xf32, #tpu.memory_space<vmem>>
        %dma_wait3A_1640 = tpu.memref_squeeze %dma_wait3A_1639 : memref<1x26x64xf32, #tpu.memory_space<vmem>> -> memref<26x64xf32, #tpu.memory_space<vmem>>
        tpu.wait_dma2 semaphore(%arg19 : memref<!tpu.dma_semaphore, #tpu.memory_space<semaphore_mem>>) src(%dma_wait3A_1640 : memref<26x64xf32, #tpu.memory_space<vmem>>) dst(%dma_wait3A_1636 : memref<26x64xf32, #tpu.memory_space<hbm>>)
        %add3A_1641 = arith.constant 2 : i32
        %add3A_1642 = arith.addi %mul3A_2, %add3A_1641 : i32
        %dma_wait3A_1643 = arith.constant 4 : i32
        %dma_wait3A_1644 = arith.constant 52 : i32
        %dma_wait3A_1645 = arith.constant 0 : i32
        %dma_wait3A_1646 = tpu.memref_slice %arg6[%dma_wait3A_1643, %dma_wait3A_1644, %dma_wait3A_1645] : memref<8x104x64xf32, #tpu.memory_space<vmem>> -> memref<1x26x64xf32, #tpu.memory_space<vmem>>
        %dma_wait3A_1647 = tpu.memref_squeeze %dma_wait3A_1646 : memref<1x26x64xf32, #tpu.memory_space<vmem>> -> memref<26x64xf32, #tpu.memory_space<vmem>>
        %dma_wait3A_1648 = arith.constant 0 : i32
        %dma_wait3A_1649 = arith.constant 0 : i32
        %dma_wait3A_1650 = tpu.memref_slice %arg4[%add3A_1642, %dma_wait3A_1648, %dma_wait3A_1649] : memref<16384x32x128xf32, #tpu.memory_space<hbm>> -> memref<1x26x64xf32, #tpu.memory_space<hbm>>
        %dma_wait3A_1651 = tpu.memref_squeeze %dma_wait3A_1650 : memref<1x26x64xf32, #tpu.memory_space<hbm>> -> memref<26x64xf32, #tpu.memory_space<hbm>>
        %dma_wait3A_1652 = arith.constant 0 : i32
        %dma_wait3A_1653 = arith.constant 0 : i32
        %dma_wait3A_1654 = tpu.memref_slice %arg4[%add3A_1642, %dma_wait3A_1652, %dma_wait3A_1653] : memref<16384x32x128xf32, #tpu.memory_space<hbm>> -> memref<1x26x64xf32, #tpu.memory_space<hbm>>
        %dma_wait3A_1655 = tpu.memref_squeeze %dma_wait3A_1654 : memref<1x26x64xf32, #tpu.memory_space<hbm>> -> memref<26x64xf32, #tpu.memory_space<hbm>>
        %dma_wait3A_1656 = arith.constant 52 : i32
        %dma_wait3A_1657 = arith.constant 0 : i32
        %dma_wait3A_1658 = tpu.memref_slice %arg6[%dma_wait3A_1643, %dma_wait3A_1656, %dma_wait3A_1657] : memref<8x104x64xf32, #tpu.memory_space<vmem>> -> memref<1x26x64xf32, #tpu.memory_space<vmem>>
        %dma_wait3A_1659 = tpu.memref_squeeze %dma_wait3A_1658 : memref<1x26x64xf32, #tpu.memory_space<vmem>> -> memref<26x64xf32, #tpu.memory_space<vmem>>
        tpu.wait_dma2 semaphore(%arg19 : memref<!tpu.dma_semaphore, #tpu.memory_space<semaphore_mem>>) src(%dma_wait3A_1659 : memref<26x64xf32, #tpu.memory_space<vmem>>) dst(%dma_wait3A_1655 : memref<26x64xf32, #tpu.memory_space<hbm>>)
        %add3A_1660 = arith.constant 3 : i32
        %add3A_1661 = arith.addi %mul3A_2, %add3A_1660 : i32
        %dma_wait3A_1662 = arith.constant 4 : i32
        %dma_wait3A_1663 = arith.constant 78 : i32
        %dma_wait3A_1664 = arith.constant 0 : i32
        %dma_wait3A_1665 = tpu.memref_slice %arg6[%dma_wait3A_1662, %dma_wait3A_1663, %dma_wait3A_1664] : memref<8x104x64xf32, #tpu.memory_space<vmem>> -> memref<1x26x64xf32, #tpu.memory_space<vmem>>
        %dma_wait3A_1666 = tpu.memref_squeeze %dma_wait3A_1665 : memref<1x26x64xf32, #tpu.memory_space<vmem>> -> memref<26x64xf32, #tpu.memory_space<vmem>>
        %dma_wait3A_1667 = arith.constant 0 : i32
        %dma_wait3A_1668 = arith.constant 0 : i32
        %dma_wait3A_1669 = tpu.memref_slice %arg4[%add3A_1661, %dma_wait3A_1667, %dma_wait3A_1668] : memref<16384x32x128xf32, #tpu.memory_space<hbm>> -> memref<1x26x64xf32, #tpu.memory_space<hbm>>
        %dma_wait3A_1670 = tpu.memref_squeeze %dma_wait3A_1669 : memref<1x26x64xf32, #tpu.memory_space<hbm>> -> memref<26x64xf32, #tpu.memory_space<hbm>>
        %dma_wait3A_1671 = arith.constant 0 : i32
        %dma_wait3A_1672 = arith.constant 0 : i32
        %dma_wait3A_1673 = tpu.memref_slice %arg4[%add3A_1661, %dma_wait3A_1671, %dma_wait3A_1672] : memref<16384x32x128xf32, #tpu.memory_space<hbm>> -> memref<1x26x64xf32, #tpu.memory_space<hbm>>
        %dma_wait3A_1674 = tpu.memref_squeeze %dma_wait3A_1673 : memref<1x26x64xf32, #tpu.memory_space<hbm>> -> memref<26x64xf32, #tpu.memory_space<hbm>>
        %dma_wait3A_1675 = arith.constant 78 : i32
        %dma_wait3A_1676 = arith.constant 0 : i32
        %dma_wait3A_1677 = tpu.memref_slice %arg6[%dma_wait3A_1662, %dma_wait3A_1675, %dma_wait3A_1676] : memref<8x104x64xf32, #tpu.memory_space<vmem>> -> memref<1x26x64xf32, #tpu.memory_space<vmem>>
        %dma_wait3A_1678 = tpu.memref_squeeze %dma_wait3A_1677 : memref<1x26x64xf32, #tpu.memory_space<vmem>> -> memref<26x64xf32, #tpu.memory_space<vmem>>
        tpu.wait_dma2 semaphore(%arg19 : memref<!tpu.dma_semaphore, #tpu.memory_space<semaphore_mem>>) src(%dma_wait3A_1678 : memref<26x64xf32, #tpu.memory_space<vmem>>) dst(%dma_wait3A_1674 : memref<26x64xf32, #tpu.memory_space<hbm>>)
        %add3A_1679 = arith.constant 4 : i32
        %add3A_1680 = arith.addi %mul3A_717, %add3A_1679 : i32
        %add3A_1681 = arith.constant 8 : i32
        %add3A_1682 = arith.addi %add3A_1680, %add3A_1681 : i32
        %dma_start3A_1683 = arith.constant 4 : i32
        %dma_start3A_1684 = arith.constant 0 : i32
        %dma_start3A_1685 = arith.constant 0 : i32
        %dma_start3A_1686 = tpu.memref_slice %arg6[%dma_start3A_1683, %dma_start3A_1684, %dma_start3A_1685] : memref<8x104x64xf32, #tpu.memory_space<vmem>> -> memref<1x104x64xf32, #tpu.memory_space<vmem>>
        %dma_start3A_1687 = tpu.memref_squeeze %dma_start3A_1686 : memref<1x104x64xf32, #tpu.memory_space<vmem>> -> memref<104x64xf32, #tpu.memory_space<vmem>>
        %dma_start3A_1688 = arith.constant 0 : i32
        %dma_start3A_1689 = tpu.memref_slice %arg5[%add3A_1682, %dma_start3A_1688] : memref<128x104xi32, #tpu.memory_space<vmem>> -> memref<1x104xi32, #tpu.memory_space<vmem>>
        %dma_start3A_1690 = tpu.memref_squeeze %dma_start3A_1689 : memref<1x104xi32, #tpu.memory_space<vmem>> -> memref<104xi32, #tpu.memory_space<vmem>>
        %dma_start3A_1691 = arith.constant 0 : i32
        %dma_start3A_1692 = arith.constant 0 : i32
        %dma_start3A_1693 = tpu.memref_slice %arg3[%dma_start3A_1691, %dma_start3A_1692] : memref<1000000x64xf32, #tpu.memory_space<hbm>> -> memref<1000000x64xf32, #tpu.memory_space<hbm>>
        tpu.enqueue_indirect_dma source(%dma_start3A_1693 : memref<1000000x64xf32, #tpu.memory_space<hbm>>) target(%dma_start3A_1687 : memref<104x64xf32, #tpu.memory_space<vmem>>) offsets(%dma_start3A_1690 : memref<104xi32, #tpu.memory_space<vmem>>) semaphore(%arg11 : memref<!tpu.dma_semaphore, #tpu.memory_space<semaphore_mem>>)
      } else {
      }
      %add3A_1576 = arith.constant 5 : i32
      %add3A_1577 = arith.addi %mul3A_717, %add3A_1576 : i32
      %add3A_1578 = arith.constant 8 : i32
      %add3A_1579 = arith.addi %add3A_1577, %add3A_1578 : i32
      %lt3A_1580 = arith.constant 128 : i32
      %lt3A_1581 = arith.cmpi slt, %add3A_1579, %lt3A_1580 : i32
      %convert_element_type3A_1582 = arith.extui %lt3A_1581 : i1 to i32
      %cond3A_1583 = arith.constant 0 : i32
      %cond3A_1584 = arith.cmpi ne, %convert_element_type3A_1582, %cond3A_1583 : i32
      scf.if %cond3A_1584 {
        %add3A_1603 = arith.constant 0 : i32
        %add3A_1604 = arith.addi %mul3A_2, %add3A_1603 : i32
        %dma_wait3A_1605 = arith.constant 5 : i32
        %dma_wait3A_1606 = arith.constant 0 : i32
        %dma_wait3A_1607 = arith.constant 0 : i32
        %dma_wait3A_1608 = tpu.memref_slice %arg6[%dma_wait3A_1605, %dma_wait3A_1606, %dma_wait3A_1607] : memref<8x104x64xf32, #tpu.memory_space<vmem>> -> memref<1x26x64xf32, #tpu.memory_space<vmem>>
        %dma_wait3A_1609 = tpu.memref_squeeze %dma_wait3A_1608 : memref<1x26x64xf32, #tpu.memory_space<vmem>> -> memref<26x64xf32, #tpu.memory_space<vmem>>
        %dma_wait3A_1610 = arith.constant 0 : i32
        %dma_wait3A_1611 = arith.constant 0 : i32
        %dma_wait3A_1612 = tpu.memref_slice %arg4[%add3A_1604, %dma_wait3A_1610, %dma_wait3A_1611] : memref<16384x32x128xf32, #tpu.memory_space<hbm>> -> memref<1x26x64xf32, #tpu.memory_space<hbm>>
        %dma_wait3A_1613 = tpu.memref_squeeze %dma_wait3A_1612 : memref<1x26x64xf32, #tpu.memory_space<hbm>> -> memref<26x64xf32, #tpu.memory_space<hbm>>
        %dma_wait3A_1614 = arith.constant 0 : i32
        %dma_wait3A_1615 = arith.constant 0 : i32
        %dma_wait3A_1616 = tpu.memref_slice %arg4[%add3A_1604, %dma_wait3A_1614, %dma_wait3A_1615] : memref<16384x32x128xf32, #tpu.memory_space<hbm>> -> memref<1x26x64xf32, #tpu.memory_space<hbm>>
        %dma_wait3A_1617 = tpu.memref_squeeze %dma_wait3A_1616 : memref<1x26x64xf32, #tpu.memory_space<hbm>> -> memref<26x64xf32, #tpu.memory_space<hbm>>
        %dma_wait3A_1618 = arith.constant 0 : i32
        %dma_wait3A_1619 = arith.constant 0 : i32
        %dma_wait3A_1620 = tpu.memref_slice %arg6[%dma_wait3A_1605, %dma_wait3A_1618, %dma_wait3A_1619] : memref<8x104x64xf32, #tpu.memory_space<vmem>> -> memref<1x26x64xf32, #tpu.memory_space<vmem>>
        %dma_wait3A_1621 = tpu.memref_squeeze %dma_wait3A_1620 : memref<1x26x64xf32, #tpu.memory_space<vmem>> -> memref<26x64xf32, #tpu.memory_space<vmem>>
        tpu.wait_dma2 semaphore(%arg20 : memref<!tpu.dma_semaphore, #tpu.memory_space<semaphore_mem>>) src(%dma_wait3A_1621 : memref<26x64xf32, #tpu.memory_space<vmem>>) dst(%dma_wait3A_1617 : memref<26x64xf32, #tpu.memory_space<hbm>>)
        %add3A_1622 = arith.constant 1 : i32
        %add3A_1623 = arith.addi %mul3A_2, %add3A_1622 : i32
        %dma_wait3A_1624 = arith.constant 5 : i32
        %dma_wait3A_1625 = arith.constant 26 : i32
        %dma_wait3A_1626 = arith.constant 0 : i32
        %dma_wait3A_1627 = tpu.memref_slice %arg6[%dma_wait3A_1624, %dma_wait3A_1625, %dma_wait3A_1626] : memref<8x104x64xf32, #tpu.memory_space<vmem>> -> memref<1x26x64xf32, #tpu.memory_space<vmem>>
        %dma_wait3A_1628 = tpu.memref_squeeze %dma_wait3A_1627 : memref<1x26x64xf32, #tpu.memory_space<vmem>> -> memref<26x64xf32, #tpu.memory_space<vmem>>
        %dma_wait3A_1629 = arith.constant 0 : i32
        %dma_wait3A_1630 = arith.constant 0 : i32
        %dma_wait3A_1631 = tpu.memref_slice %arg4[%add3A_1623, %dma_wait3A_1629, %dma_wait3A_1630] : memref<16384x32x128xf32, #tpu.memory_space<hbm>> -> memref<1x26x64xf32, #tpu.memory_space<hbm>>
        %dma_wait3A_1632 = tpu.memref_squeeze %dma_wait3A_1631 : memref<1x26x64xf32, #tpu.memory_space<hbm>> -> memref<26x64xf32, #tpu.memory_space<hbm>>
        %dma_wait3A_1633 = arith.constant 0 : i32
        %dma_wait3A_1634 = arith.constant 0 : i32
        %dma_wait3A_1635 = tpu.memref_slice %arg4[%add3A_1623, %dma_wait3A_1633, %dma_wait3A_1634] : memref<16384x32x128xf32, #tpu.memory_space<hbm>> -> memref<1x26x64xf32, #tpu.memory_space<hbm>>
        %dma_wait3A_1636 = tpu.memref_squeeze %dma_wait3A_1635 : memref<1x26x64xf32, #tpu.memory_space<hbm>> -> memref<26x64xf32, #tpu.memory_space<hbm>>
        %dma_wait3A_1637 = arith.constant 26 : i32
        %dma_wait3A_1638 = arith.constant 0 : i32
        %dma_wait3A_1639 = tpu.memref_slice %arg6[%dma_wait3A_1624, %dma_wait3A_1637, %dma_wait3A_1638] : memref<8x104x64xf32, #tpu.memory_space<vmem>> -> memref<1x26x64xf32, #tpu.memory_space<vmem>>
        %dma_wait3A_1640 = tpu.memref_squeeze %dma_wait3A_1639 : memref<1x26x64xf32, #tpu.memory_space<vmem>> -> memref<26x64xf32, #tpu.memory_space<vmem>>
        tpu.wait_dma2 semaphore(%arg20 : memref<!tpu.dma_semaphore, #tpu.memory_space<semaphore_mem>>) src(%dma_wait3A_1640 : memref<26x64xf32, #tpu.memory_space<vmem>>) dst(%dma_wait3A_1636 : memref<26x64xf32, #tpu.memory_space<hbm>>)
        %add3A_1641 = arith.constant 2 : i32
        %add3A_1642 = arith.addi %mul3A_2, %add3A_1641 : i32
        %dma_wait3A_1643 = arith.constant 5 : i32
        %dma_wait3A_1644 = arith.constant 52 : i32
        %dma_wait3A_1645 = arith.constant 0 : i32
        %dma_wait3A_1646 = tpu.memref_slice %arg6[%dma_wait3A_1643, %dma_wait3A_1644, %dma_wait3A_1645] : memref<8x104x64xf32, #tpu.memory_space<vmem>> -> memref<1x26x64xf32, #tpu.memory_space<vmem>>
        %dma_wait3A_1647 = tpu.memref_squeeze %dma_wait3A_1646 : memref<1x26x64xf32, #tpu.memory_space<vmem>> -> memref<26x64xf32, #tpu.memory_space<vmem>>
        %dma_wait3A_1648 = arith.constant 0 : i32
        %dma_wait3A_1649 = arith.constant 0 : i32
        %dma_wait3A_1650 = tpu.memref_slice %arg4[%add3A_1642, %dma_wait3A_1648, %dma_wait3A_1649] : memref<16384x32x128xf32, #tpu.memory_space<hbm>> -> memref<1x26x64xf32, #tpu.memory_space<hbm>>
        %dma_wait3A_1651 = tpu.memref_squeeze %dma_wait3A_1650 : memref<1x26x64xf32, #tpu.memory_space<hbm>> -> memref<26x64xf32, #tpu.memory_space<hbm>>
        %dma_wait3A_1652 = arith.constant 0 : i32
        %dma_wait3A_1653 = arith.constant 0 : i32
        %dma_wait3A_1654 = tpu.memref_slice %arg4[%add3A_1642, %dma_wait3A_1652, %dma_wait3A_1653] : memref<16384x32x128xf32, #tpu.memory_space<hbm>> -> memref<1x26x64xf32, #tpu.memory_space<hbm>>
        %dma_wait3A_1655 = tpu.memref_squeeze %dma_wait3A_1654 : memref<1x26x64xf32, #tpu.memory_space<hbm>> -> memref<26x64xf32, #tpu.memory_space<hbm>>
        %dma_wait3A_1656 = arith.constant 52 : i32
        %dma_wait3A_1657 = arith.constant 0 : i32
        %dma_wait3A_1658 = tpu.memref_slice %arg6[%dma_wait3A_1643, %dma_wait3A_1656, %dma_wait3A_1657] : memref<8x104x64xf32, #tpu.memory_space<vmem>> -> memref<1x26x64xf32, #tpu.memory_space<vmem>>
        %dma_wait3A_1659 = tpu.memref_squeeze %dma_wait3A_1658 : memref<1x26x64xf32, #tpu.memory_space<vmem>> -> memref<26x64xf32, #tpu.memory_space<vmem>>
        tpu.wait_dma2 semaphore(%arg20 : memref<!tpu.dma_semaphore, #tpu.memory_space<semaphore_mem>>) src(%dma_wait3A_1659 : memref<26x64xf32, #tpu.memory_space<vmem>>) dst(%dma_wait3A_1655 : memref<26x64xf32, #tpu.memory_space<hbm>>)
        %add3A_1660 = arith.constant 3 : i32
        %add3A_1661 = arith.addi %mul3A_2, %add3A_1660 : i32
        %dma_wait3A_1662 = arith.constant 5 : i32
        %dma_wait3A_1663 = arith.constant 78 : i32
        %dma_wait3A_1664 = arith.constant 0 : i32
        %dma_wait3A_1665 = tpu.memref_slice %arg6[%dma_wait3A_1662, %dma_wait3A_1663, %dma_wait3A_1664] : memref<8x104x64xf32, #tpu.memory_space<vmem>> -> memref<1x26x64xf32, #tpu.memory_space<vmem>>
        %dma_wait3A_1666 = tpu.memref_squeeze %dma_wait3A_1665 : memref<1x26x64xf32, #tpu.memory_space<vmem>> -> memref<26x64xf32, #tpu.memory_space<vmem>>
        %dma_wait3A_1667 = arith.constant 0 : i32
        %dma_wait3A_1668 = arith.constant 0 : i32
        %dma_wait3A_1669 = tpu.memref_slice %arg4[%add3A_1661, %dma_wait3A_1667, %dma_wait3A_1668] : memref<16384x32x128xf32, #tpu.memory_space<hbm>> -> memref<1x26x64xf32, #tpu.memory_space<hbm>>
        %dma_wait3A_1670 = tpu.memref_squeeze %dma_wait3A_1669 : memref<1x26x64xf32, #tpu.memory_space<hbm>> -> memref<26x64xf32, #tpu.memory_space<hbm>>
        %dma_wait3A_1671 = arith.constant 0 : i32
        %dma_wait3A_1672 = arith.constant 0 : i32
        %dma_wait3A_1673 = tpu.memref_slice %arg4[%add3A_1661, %dma_wait3A_1671, %dma_wait3A_1672] : memref<16384x32x128xf32, #tpu.memory_space<hbm>> -> memref<1x26x64xf32, #tpu.memory_space<hbm>>
        %dma_wait3A_1674 = tpu.memref_squeeze %dma_wait3A_1673 : memref<1x26x64xf32, #tpu.memory_space<hbm>> -> memref<26x64xf32, #tpu.memory_space<hbm>>
        %dma_wait3A_1675 = arith.constant 78 : i32
        %dma_wait3A_1676 = arith.constant 0 : i32
        %dma_wait3A_1677 = tpu.memref_slice %arg6[%dma_wait3A_1662, %dma_wait3A_1675, %dma_wait3A_1676] : memref<8x104x64xf32, #tpu.memory_space<vmem>> -> memref<1x26x64xf32, #tpu.memory_space<vmem>>
        %dma_wait3A_1678 = tpu.memref_squeeze %dma_wait3A_1677 : memref<1x26x64xf32, #tpu.memory_space<vmem>> -> memref<26x64xf32, #tpu.memory_space<vmem>>
        tpu.wait_dma2 semaphore(%arg20 : memref<!tpu.dma_semaphore, #tpu.memory_space<semaphore_mem>>) src(%dma_wait3A_1678 : memref<26x64xf32, #tpu.memory_space<vmem>>) dst(%dma_wait3A_1674 : memref<26x64xf32, #tpu.memory_space<hbm>>)
        %add3A_1679 = arith.constant 5 : i32
        %add3A_1680 = arith.addi %mul3A_717, %add3A_1679 : i32
        %add3A_1681 = arith.constant 8 : i32
        %add3A_1682 = arith.addi %add3A_1680, %add3A_1681 : i32
        %dma_start3A_1683 = arith.constant 5 : i32
        %dma_start3A_1684 = arith.constant 0 : i32
        %dma_start3A_1685 = arith.constant 0 : i32
        %dma_start3A_1686 = tpu.memref_slice %arg6[%dma_start3A_1683, %dma_start3A_1684, %dma_start3A_1685] : memref<8x104x64xf32, #tpu.memory_space<vmem>> -> memref<1x104x64xf32, #tpu.memory_space<vmem>>
        %dma_start3A_1687 = tpu.memref_squeeze %dma_start3A_1686 : memref<1x104x64xf32, #tpu.memory_space<vmem>> -> memref<104x64xf32, #tpu.memory_space<vmem>>
        %dma_start3A_1688 = arith.constant 0 : i32
        %dma_start3A_1689 = tpu.memref_slice %arg5[%add3A_1682, %dma_start3A_1688] : memref<128x104xi32, #tpu.memory_space<vmem>> -> memref<1x104xi32, #tpu.memory_space<vmem>>
        %dma_start3A_1690 = tpu.memref_squeeze %dma_start3A_1689 : memref<1x104xi32, #tpu.memory_space<vmem>> -> memref<104xi32, #tpu.memory_space<vmem>>
        %dma_start3A_1691 = arith.constant 0 : i32
        %dma_start3A_1692 = arith.constant 0 : i32
        %dma_start3A_1693 = tpu.memref_slice %arg3[%dma_start3A_1691, %dma_start3A_1692] : memref<1000000x64xf32, #tpu.memory_space<hbm>> -> memref<1000000x64xf32, #tpu.memory_space<hbm>>
        tpu.enqueue_indirect_dma source(%dma_start3A_1693 : memref<1000000x64xf32, #tpu.memory_space<hbm>>) target(%dma_start3A_1687 : memref<104x64xf32, #tpu.memory_space<vmem>>) offsets(%dma_start3A_1690 : memref<104xi32, #tpu.memory_space<vmem>>) semaphore(%arg12 : memref<!tpu.dma_semaphore, #tpu.memory_space<semaphore_mem>>)
      } else {
      }
      %add3A_1585 = arith.constant 6 : i32
      %add3A_1586 = arith.addi %mul3A_717, %add3A_1585 : i32
      %add3A_1587 = arith.constant 8 : i32
      %add3A_1588 = arith.addi %add3A_1586, %add3A_1587 : i32
      %lt3A_1589 = arith.constant 128 : i32
      %lt3A_1590 = arith.cmpi slt, %add3A_1588, %lt3A_1589 : i32
      %convert_element_type3A_1591 = arith.extui %lt3A_1590 : i1 to i32
      %cond3A_1592 = arith.constant 0 : i32
      %cond3A_1593 = arith.cmpi ne, %convert_element_type3A_1591, %cond3A_1592 : i32
      scf.if %cond3A_1593 {
        %add3A_1603 = arith.constant 0 : i32
        %add3A_1604 = arith.addi %mul3A_2, %add3A_1603 : i32
        %dma_wait3A_1605 = arith.constant 6 : i32
        %dma_wait3A_1606 = arith.constant 0 : i32
        %dma_wait3A_1607 = arith.constant 0 : i32
        %dma_wait3A_1608 = tpu.memref_slice %arg6[%dma_wait3A_1605, %dma_wait3A_1606, %dma_wait3A_1607] : memref<8x104x64xf32, #tpu.memory_space<vmem>> -> memref<1x26x64xf32, #tpu.memory_space<vmem>>
        %dma_wait3A_1609 = tpu.memref_squeeze %dma_wait3A_1608 : memref<1x26x64xf32, #tpu.memory_space<vmem>> -> memref<26x64xf32, #tpu.memory_space<vmem>>
        %dma_wait3A_1610 = arith.constant 0 : i32
        %dma_wait3A_1611 = arith.constant 0 : i32
        %dma_wait3A_1612 = tpu.memref_slice %arg4[%add3A_1604, %dma_wait3A_1610, %dma_wait3A_1611] : memref<16384x32x128xf32, #tpu.memory_space<hbm>> -> memref<1x26x64xf32, #tpu.memory_space<hbm>>
        %dma_wait3A_1613 = tpu.memref_squeeze %dma_wait3A_1612 : memref<1x26x64xf32, #tpu.memory_space<hbm>> -> memref<26x64xf32, #tpu.memory_space<hbm>>
        %dma_wait3A_1614 = arith.constant 0 : i32
        %dma_wait3A_1615 = arith.constant 0 : i32
        %dma_wait3A_1616 = tpu.memref_slice %arg4[%add3A_1604, %dma_wait3A_1614, %dma_wait3A_1615] : memref<16384x32x128xf32, #tpu.memory_space<hbm>> -> memref<1x26x64xf32, #tpu.memory_space<hbm>>
        %dma_wait3A_1617 = tpu.memref_squeeze %dma_wait3A_1616 : memref<1x26x64xf32, #tpu.memory_space<hbm>> -> memref<26x64xf32, #tpu.memory_space<hbm>>
        %dma_wait3A_1618 = arith.constant 0 : i32
        %dma_wait3A_1619 = arith.constant 0 : i32
        %dma_wait3A_1620 = tpu.memref_slice %arg6[%dma_wait3A_1605, %dma_wait3A_1618, %dma_wait3A_1619] : memref<8x104x64xf32, #tpu.memory_space<vmem>> -> memref<1x26x64xf32, #tpu.memory_space<vmem>>
        %dma_wait3A_1621 = tpu.memref_squeeze %dma_wait3A_1620 : memref<1x26x64xf32, #tpu.memory_space<vmem>> -> memref<26x64xf32, #tpu.memory_space<vmem>>
        tpu.wait_dma2 semaphore(%arg21 : memref<!tpu.dma_semaphore, #tpu.memory_space<semaphore_mem>>) src(%dma_wait3A_1621 : memref<26x64xf32, #tpu.memory_space<vmem>>) dst(%dma_wait3A_1617 : memref<26x64xf32, #tpu.memory_space<hbm>>)
        %add3A_1622 = arith.constant 1 : i32
        %add3A_1623 = arith.addi %mul3A_2, %add3A_1622 : i32
        %dma_wait3A_1624 = arith.constant 6 : i32
        %dma_wait3A_1625 = arith.constant 26 : i32
        %dma_wait3A_1626 = arith.constant 0 : i32
        %dma_wait3A_1627 = tpu.memref_slice %arg6[%dma_wait3A_1624, %dma_wait3A_1625, %dma_wait3A_1626] : memref<8x104x64xf32, #tpu.memory_space<vmem>> -> memref<1x26x64xf32, #tpu.memory_space<vmem>>
        %dma_wait3A_1628 = tpu.memref_squeeze %dma_wait3A_1627 : memref<1x26x64xf32, #tpu.memory_space<vmem>> -> memref<26x64xf32, #tpu.memory_space<vmem>>
        %dma_wait3A_1629 = arith.constant 0 : i32
        %dma_wait3A_1630 = arith.constant 0 : i32
        %dma_wait3A_1631 = tpu.memref_slice %arg4[%add3A_1623, %dma_wait3A_1629, %dma_wait3A_1630] : memref<16384x32x128xf32, #tpu.memory_space<hbm>> -> memref<1x26x64xf32, #tpu.memory_space<hbm>>
        %dma_wait3A_1632 = tpu.memref_squeeze %dma_wait3A_1631 : memref<1x26x64xf32, #tpu.memory_space<hbm>> -> memref<26x64xf32, #tpu.memory_space<hbm>>
        %dma_wait3A_1633 = arith.constant 0 : i32
        %dma_wait3A_1634 = arith.constant 0 : i32
        %dma_wait3A_1635 = tpu.memref_slice %arg4[%add3A_1623, %dma_wait3A_1633, %dma_wait3A_1634] : memref<16384x32x128xf32, #tpu.memory_space<hbm>> -> memref<1x26x64xf32, #tpu.memory_space<hbm>>
        %dma_wait3A_1636 = tpu.memref_squeeze %dma_wait3A_1635 : memref<1x26x64xf32, #tpu.memory_space<hbm>> -> memref<26x64xf32, #tpu.memory_space<hbm>>
        %dma_wait3A_1637 = arith.constant 26 : i32
        %dma_wait3A_1638 = arith.constant 0 : i32
        %dma_wait3A_1639 = tpu.memref_slice %arg6[%dma_wait3A_1624, %dma_wait3A_1637, %dma_wait3A_1638] : memref<8x104x64xf32, #tpu.memory_space<vmem>> -> memref<1x26x64xf32, #tpu.memory_space<vmem>>
        %dma_wait3A_1640 = tpu.memref_squeeze %dma_wait3A_1639 : memref<1x26x64xf32, #tpu.memory_space<vmem>> -> memref<26x64xf32, #tpu.memory_space<vmem>>
        tpu.wait_dma2 semaphore(%arg21 : memref<!tpu.dma_semaphore, #tpu.memory_space<semaphore_mem>>) src(%dma_wait3A_1640 : memref<26x64xf32, #tpu.memory_space<vmem>>) dst(%dma_wait3A_1636 : memref<26x64xf32, #tpu.memory_space<hbm>>)
        %add3A_1641 = arith.constant 2 : i32
        %add3A_1642 = arith.addi %mul3A_2, %add3A_1641 : i32
        %dma_wait3A_1643 = arith.constant 6 : i32
        %dma_wait3A_1644 = arith.constant 52 : i32
        %dma_wait3A_1645 = arith.constant 0 : i32
        %dma_wait3A_1646 = tpu.memref_slice %arg6[%dma_wait3A_1643, %dma_wait3A_1644, %dma_wait3A_1645] : memref<8x104x64xf32, #tpu.memory_space<vmem>> -> memref<1x26x64xf32, #tpu.memory_space<vmem>>
        %dma_wait3A_1647 = tpu.memref_squeeze %dma_wait3A_1646 : memref<1x26x64xf32, #tpu.memory_space<vmem>> -> memref<26x64xf32, #tpu.memory_space<vmem>>
        %dma_wait3A_1648 = arith.constant 0 : i32
        %dma_wait3A_1649 = arith.constant 0 : i32
        %dma_wait3A_1650 = tpu.memref_slice %arg4[%add3A_1642, %dma_wait3A_1648, %dma_wait3A_1649] : memref<16384x32x128xf32, #tpu.memory_space<hbm>> -> memref<1x26x64xf32, #tpu.memory_space<hbm>>
        %dma_wait3A_1651 = tpu.memref_squeeze %dma_wait3A_1650 : memref<1x26x64xf32, #tpu.memory_space<hbm>> -> memref<26x64xf32, #tpu.memory_space<hbm>>
        %dma_wait3A_1652 = arith.constant 0 : i32
        %dma_wait3A_1653 = arith.constant 0 : i32
        %dma_wait3A_1654 = tpu.memref_slice %arg4[%add3A_1642, %dma_wait3A_1652, %dma_wait3A_1653] : memref<16384x32x128xf32, #tpu.memory_space<hbm>> -> memref<1x26x64xf32, #tpu.memory_space<hbm>>
        %dma_wait3A_1655 = tpu.memref_squeeze %dma_wait3A_1654 : memref<1x26x64xf32, #tpu.memory_space<hbm>> -> memref<26x64xf32, #tpu.memory_space<hbm>>
        %dma_wait3A_1656 = arith.constant 52 : i32
        %dma_wait3A_1657 = arith.constant 0 : i32
        %dma_wait3A_1658 = tpu.memref_slice %arg6[%dma_wait3A_1643, %dma_wait3A_1656, %dma_wait3A_1657] : memref<8x104x64xf32, #tpu.memory_space<vmem>> -> memref<1x26x64xf32, #tpu.memory_space<vmem>>
        %dma_wait3A_1659 = tpu.memref_squeeze %dma_wait3A_1658 : memref<1x26x64xf32, #tpu.memory_space<vmem>> -> memref<26x64xf32, #tpu.memory_space<vmem>>
        tpu.wait_dma2 semaphore(%arg21 : memref<!tpu.dma_semaphore, #tpu.memory_space<semaphore_mem>>) src(%dma_wait3A_1659 : memref<26x64xf32, #tpu.memory_space<vmem>>) dst(%dma_wait3A_1655 : memref<26x64xf32, #tpu.memory_space<hbm>>)
        %add3A_1660 = arith.constant 3 : i32
        %add3A_1661 = arith.addi %mul3A_2, %add3A_1660 : i32
        %dma_wait3A_1662 = arith.constant 6 : i32
        %dma_wait3A_1663 = arith.constant 78 : i32
        %dma_wait3A_1664 = arith.constant 0 : i32
        %dma_wait3A_1665 = tpu.memref_slice %arg6[%dma_wait3A_1662, %dma_wait3A_1663, %dma_wait3A_1664] : memref<8x104x64xf32, #tpu.memory_space<vmem>> -> memref<1x26x64xf32, #tpu.memory_space<vmem>>
        %dma_wait3A_1666 = tpu.memref_squeeze %dma_wait3A_1665 : memref<1x26x64xf32, #tpu.memory_space<vmem>> -> memref<26x64xf32, #tpu.memory_space<vmem>>
        %dma_wait3A_1667 = arith.constant 0 : i32
        %dma_wait3A_1668 = arith.constant 0 : i32
        %dma_wait3A_1669 = tpu.memref_slice %arg4[%add3A_1661, %dma_wait3A_1667, %dma_wait3A_1668] : memref<16384x32x128xf32, #tpu.memory_space<hbm>> -> memref<1x26x64xf32, #tpu.memory_space<hbm>>
        %dma_wait3A_1670 = tpu.memref_squeeze %dma_wait3A_1669 : memref<1x26x64xf32, #tpu.memory_space<hbm>> -> memref<26x64xf32, #tpu.memory_space<hbm>>
        %dma_wait3A_1671 = arith.constant 0 : i32
        %dma_wait3A_1672 = arith.constant 0 : i32
        %dma_wait3A_1673 = tpu.memref_slice %arg4[%add3A_1661, %dma_wait3A_1671, %dma_wait3A_1672] : memref<16384x32x128xf32, #tpu.memory_space<hbm>> -> memref<1x26x64xf32, #tpu.memory_space<hbm>>
        %dma_wait3A_1674 = tpu.memref_squeeze %dma_wait3A_1673 : memref<1x26x64xf32, #tpu.memory_space<hbm>> -> memref<26x64xf32, #tpu.memory_space<hbm>>
        %dma_wait3A_1675 = arith.constant 78 : i32
        %dma_wait3A_1676 = arith.constant 0 : i32
        %dma_wait3A_1677 = tpu.memref_slice %arg6[%dma_wait3A_1662, %dma_wait3A_1675, %dma_wait3A_1676] : memref<8x104x64xf32, #tpu.memory_space<vmem>> -> memref<1x26x64xf32, #tpu.memory_space<vmem>>
        %dma_wait3A_1678 = tpu.memref_squeeze %dma_wait3A_1677 : memref<1x26x64xf32, #tpu.memory_space<vmem>> -> memref<26x64xf32, #tpu.memory_space<vmem>>
        tpu.wait_dma2 semaphore(%arg21 : memref<!tpu.dma_semaphore, #tpu.memory_space<semaphore_mem>>) src(%dma_wait3A_1678 : memref<26x64xf32, #tpu.memory_space<vmem>>) dst(%dma_wait3A_1674 : memref<26x64xf32, #tpu.memory_space<hbm>>)
        %add3A_1679 = arith.constant 6 : i32
        %add3A_1680 = arith.addi %mul3A_717, %add3A_1679 : i32
        %add3A_1681 = arith.constant 8 : i32
        %add3A_1682 = arith.addi %add3A_1680, %add3A_1681 : i32
        %dma_start3A_1683 = arith.constant 6 : i32
        %dma_start3A_1684 = arith.constant 0 : i32
        %dma_start3A_1685 = arith.constant 0 : i32
        %dma_start3A_1686 = tpu.memref_slice %arg6[%dma_start3A_1683, %dma_start3A_1684, %dma_start3A_1685] : memref<8x104x64xf32, #tpu.memory_space<vmem>> -> memref<1x104x64xf32, #tpu.memory_space<vmem>>
        %dma_start3A_1687 = tpu.memref_squeeze %dma_start3A_1686 : memref<1x104x64xf32, #tpu.memory_space<vmem>> -> memref<104x64xf32, #tpu.memory_space<vmem>>
        %dma_start3A_1688 = arith.constant 0 : i32
        %dma_start3A_1689 = tpu.memref_slice %arg5[%add3A_1682, %dma_start3A_1688] : memref<128x104xi32, #tpu.memory_space<vmem>> -> memref<1x104xi32, #tpu.memory_space<vmem>>
        %dma_start3A_1690 = tpu.memref_squeeze %dma_start3A_1689 : memref<1x104xi32, #tpu.memory_space<vmem>> -> memref<104xi32, #tpu.memory_space<vmem>>
        %dma_start3A_1691 = arith.constant 0 : i32
        %dma_start3A_1692 = arith.constant 0 : i32
        %dma_start3A_1693 = tpu.memref_slice %arg3[%dma_start3A_1691, %dma_start3A_1692] : memref<1000000x64xf32, #tpu.memory_space<hbm>> -> memref<1000000x64xf32, #tpu.memory_space<hbm>>
        tpu.enqueue_indirect_dma source(%dma_start3A_1693 : memref<1000000x64xf32, #tpu.memory_space<hbm>>) target(%dma_start3A_1687 : memref<104x64xf32, #tpu.memory_space<vmem>>) offsets(%dma_start3A_1690 : memref<104xi32, #tpu.memory_space<vmem>>) semaphore(%arg13 : memref<!tpu.dma_semaphore, #tpu.memory_space<semaphore_mem>>)
      } else {
      }
      %add3A_1594 = arith.constant 7 : i32
      %add3A_1595 = arith.addi %mul3A_717, %add3A_1594 : i32
      %add3A_1596 = arith.constant 8 : i32
      %add3A_1597 = arith.addi %add3A_1595, %add3A_1596 : i32
      %lt3A_1598 = arith.constant 128 : i32
      %lt3A_1599 = arith.cmpi slt, %add3A_1597, %lt3A_1598 : i32
      %convert_element_type3A_1600 = arith.extui %lt3A_1599 : i1 to i32
      %cond3A_1601 = arith.constant 0 : i32
      %cond3A_1602 = arith.cmpi ne, %convert_element_type3A_1600, %cond3A_1601 : i32
      scf.if %cond3A_1602 {
        %add3A_1603 = arith.constant 0 : i32
        %add3A_1604 = arith.addi %mul3A_2, %add3A_1603 : i32
        %dma_wait3A_1605 = arith.constant 7 : i32
        %dma_wait3A_1606 = arith.constant 0 : i32
        %dma_wait3A_1607 = arith.constant 0 : i32
        %dma_wait3A_1608 = tpu.memref_slice %arg6[%dma_wait3A_1605, %dma_wait3A_1606, %dma_wait3A_1607] : memref<8x104x64xf32, #tpu.memory_space<vmem>> -> memref<1x26x64xf32, #tpu.memory_space<vmem>>
        %dma_wait3A_1609 = tpu.memref_squeeze %dma_wait3A_1608 : memref<1x26x64xf32, #tpu.memory_space<vmem>> -> memref<26x64xf32, #tpu.memory_space<vmem>>
        %dma_wait3A_1610 = arith.constant 0 : i32
        %dma_wait3A_1611 = arith.constant 0 : i32
        %dma_wait3A_1612 = tpu.memref_slice %arg4[%add3A_1604, %dma_wait3A_1610, %dma_wait3A_1611] : memref<16384x32x128xf32, #tpu.memory_space<hbm>> -> memref<1x26x64xf32, #tpu.memory_space<hbm>>
        %dma_wait3A_1613 = tpu.memref_squeeze %dma_wait3A_1612 : memref<1x26x64xf32, #tpu.memory_space<hbm>> -> memref<26x64xf32, #tpu.memory_space<hbm>>
        %dma_wait3A_1614 = arith.constant 0 : i32
        %dma_wait3A_1615 = arith.constant 0 : i32
        %dma_wait3A_1616 = tpu.memref_slice %arg4[%add3A_1604, %dma_wait3A_1614, %dma_wait3A_1615] : memref<16384x32x128xf32, #tpu.memory_space<hbm>> -> memref<1x26x64xf32, #tpu.memory_space<hbm>>
        %dma_wait3A_1617 = tpu.memref_squeeze %dma_wait3A_1616 : memref<1x26x64xf32, #tpu.memory_space<hbm>> -> memref<26x64xf32, #tpu.memory_space<hbm>>
        %dma_wait3A_1618 = arith.constant 0 : i32
        %dma_wait3A_1619 = arith.constant 0 : i32
        %dma_wait3A_1620 = tpu.memref_slice %arg6[%dma_wait3A_1605, %dma_wait3A_1618, %dma_wait3A_1619] : memref<8x104x64xf32, #tpu.memory_space<vmem>> -> memref<1x26x64xf32, #tpu.memory_space<vmem>>
        %dma_wait3A_1621 = tpu.memref_squeeze %dma_wait3A_1620 : memref<1x26x64xf32, #tpu.memory_space<vmem>> -> memref<26x64xf32, #tpu.memory_space<vmem>>
        tpu.wait_dma2 semaphore(%arg22 : memref<!tpu.dma_semaphore, #tpu.memory_space<semaphore_mem>>) src(%dma_wait3A_1621 : memref<26x64xf32, #tpu.memory_space<vmem>>) dst(%dma_wait3A_1617 : memref<26x64xf32, #tpu.memory_space<hbm>>)
        %add3A_1622 = arith.constant 1 : i32
        %add3A_1623 = arith.addi %mul3A_2, %add3A_1622 : i32
        %dma_wait3A_1624 = arith.constant 7 : i32
        %dma_wait3A_1625 = arith.constant 26 : i32
        %dma_wait3A_1626 = arith.constant 0 : i32
        %dma_wait3A_1627 = tpu.memref_slice %arg6[%dma_wait3A_1624, %dma_wait3A_1625, %dma_wait3A_1626] : memref<8x104x64xf32, #tpu.memory_space<vmem>> -> memref<1x26x64xf32, #tpu.memory_space<vmem>>
        %dma_wait3A_1628 = tpu.memref_squeeze %dma_wait3A_1627 : memref<1x26x64xf32, #tpu.memory_space<vmem>> -> memref<26x64xf32, #tpu.memory_space<vmem>>
        %dma_wait3A_1629 = arith.constant 0 : i32
        %dma_wait3A_1630 = arith.constant 0 : i32
        %dma_wait3A_1631 = tpu.memref_slice %arg4[%add3A_1623, %dma_wait3A_1629, %dma_wait3A_1630] : memref<16384x32x128xf32, #tpu.memory_space<hbm>> -> memref<1x26x64xf32, #tpu.memory_space<hbm>>
        %dma_wait3A_1632 = tpu.memref_squeeze %dma_wait3A_1631 : memref<1x26x64xf32, #tpu.memory_space<hbm>> -> memref<26x64xf32, #tpu.memory_space<hbm>>
        %dma_wait3A_1633 = arith.constant 0 : i32
        %dma_wait3A_1634 = arith.constant 0 : i32
        %dma_wait3A_1635 = tpu.memref_slice %arg4[%add3A_1623, %dma_wait3A_1633, %dma_wait3A_1634] : memref<16384x32x128xf32, #tpu.memory_space<hbm>> -> memref<1x26x64xf32, #tpu.memory_space<hbm>>
        %dma_wait3A_1636 = tpu.memref_squeeze %dma_wait3A_1635 : memref<1x26x64xf32, #tpu.memory_space<hbm>> -> memref<26x64xf32, #tpu.memory_space<hbm>>
        %dma_wait3A_1637 = arith.constant 26 : i32
        %dma_wait3A_1638 = arith.constant 0 : i32
        %dma_wait3A_1639 = tpu.memref_slice %arg6[%dma_wait3A_1624, %dma_wait3A_1637, %dma_wait3A_1638] : memref<8x104x64xf32, #tpu.memory_space<vmem>> -> memref<1x26x64xf32, #tpu.memory_space<vmem>>
        %dma_wait3A_1640 = tpu.memref_squeeze %dma_wait3A_1639 : memref<1x26x64xf32, #tpu.memory_space<vmem>> -> memref<26x64xf32, #tpu.memory_space<vmem>>
        tpu.wait_dma2 semaphore(%arg22 : memref<!tpu.dma_semaphore, #tpu.memory_space<semaphore_mem>>) src(%dma_wait3A_1640 : memref<26x64xf32, #tpu.memory_space<vmem>>) dst(%dma_wait3A_1636 : memref<26x64xf32, #tpu.memory_space<hbm>>)
        %add3A_1641 = arith.constant 2 : i32
        %add3A_1642 = arith.addi %mul3A_2, %add3A_1641 : i32
        %dma_wait3A_1643 = arith.constant 7 : i32
        %dma_wait3A_1644 = arith.constant 52 : i32
        %dma_wait3A_1645 = arith.constant 0 : i32
        %dma_wait3A_1646 = tpu.memref_slice %arg6[%dma_wait3A_1643, %dma_wait3A_1644, %dma_wait3A_1645] : memref<8x104x64xf32, #tpu.memory_space<vmem>> -> memref<1x26x64xf32, #tpu.memory_space<vmem>>
        %dma_wait3A_1647 = tpu.memref_squeeze %dma_wait3A_1646 : memref<1x26x64xf32, #tpu.memory_space<vmem>> -> memref<26x64xf32, #tpu.memory_space<vmem>>
        %dma_wait3A_1648 = arith.constant 0 : i32
        %dma_wait3A_1649 = arith.constant 0 : i32
        %dma_wait3A_1650 = tpu.memref_slice %arg4[%add3A_1642, %dma_wait3A_1648, %dma_wait3A_1649] : memref<16384x32x128xf32, #tpu.memory_space<hbm>> -> memref<1x26x64xf32, #tpu.memory_space<hbm>>
        %dma_wait3A_1651 = tpu.memref_squeeze %dma_wait3A_1650 : memref<1x26x64xf32, #tpu.memory_space<hbm>> -> memref<26x64xf32, #tpu.memory_space<hbm>>
        %dma_wait3A_1652 = arith.constant 0 : i32
        %dma_wait3A_1653 = arith.constant 0 : i32
        %dma_wait3A_1654 = tpu.memref_slice %arg4[%add3A_1642, %dma_wait3A_1652, %dma_wait3A_1653] : memref<16384x32x128xf32, #tpu.memory_space<hbm>> -> memref<1x26x64xf32, #tpu.memory_space<hbm>>
        %dma_wait3A_1655 = tpu.memref_squeeze %dma_wait3A_1654 : memref<1x26x64xf32, #tpu.memory_space<hbm>> -> memref<26x64xf32, #tpu.memory_space<hbm>>
        %dma_wait3A_1656 = arith.constant 52 : i32
        %dma_wait3A_1657 = arith.constant 0 : i32
        %dma_wait3A_1658 = tpu.memref_slice %arg6[%dma_wait3A_1643, %dma_wait3A_1656, %dma_wait3A_1657] : memref<8x104x64xf32, #tpu.memory_space<vmem>> -> memref<1x26x64xf32, #tpu.memory_space<vmem>>
        %dma_wait3A_1659 = tpu.memref_squeeze %dma_wait3A_1658 : memref<1x26x64xf32, #tpu.memory_space<vmem>> -> memref<26x64xf32, #tpu.memory_space<vmem>>
        tpu.wait_dma2 semaphore(%arg22 : memref<!tpu.dma_semaphore, #tpu.memory_space<semaphore_mem>>) src(%dma_wait3A_1659 : memref<26x64xf32, #tpu.memory_space<vmem>>) dst(%dma_wait3A_1655 : memref<26x64xf32, #tpu.memory_space<hbm>>)
        %add3A_1660 = arith.constant 3 : i32
        %add3A_1661 = arith.addi %mul3A_2, %add3A_1660 : i32
        %dma_wait3A_1662 = arith.constant 7 : i32
        %dma_wait3A_1663 = arith.constant 78 : i32
        %dma_wait3A_1664 = arith.constant 0 : i32
        %dma_wait3A_1665 = tpu.memref_slice %arg6[%dma_wait3A_1662, %dma_wait3A_1663, %dma_wait3A_1664] : memref<8x104x64xf32, #tpu.memory_space<vmem>> -> memref<1x26x64xf32, #tpu.memory_space<vmem>>
        %dma_wait3A_1666 = tpu.memref_squeeze %dma_wait3A_1665 : memref<1x26x64xf32, #tpu.memory_space<vmem>> -> memref<26x64xf32, #tpu.memory_space<vmem>>
        %dma_wait3A_1667 = arith.constant 0 : i32
        %dma_wait3A_1668 = arith.constant 0 : i32
        %dma_wait3A_1669 = tpu.memref_slice %arg4[%add3A_1661, %dma_wait3A_1667, %dma_wait3A_1668] : memref<16384x32x128xf32, #tpu.memory_space<hbm>> -> memref<1x26x64xf32, #tpu.memory_space<hbm>>
        %dma_wait3A_1670 = tpu.memref_squeeze %dma_wait3A_1669 : memref<1x26x64xf32, #tpu.memory_space<hbm>> -> memref<26x64xf32, #tpu.memory_space<hbm>>
        %dma_wait3A_1671 = arith.constant 0 : i32
        %dma_wait3A_1672 = arith.constant 0 : i32
        %dma_wait3A_1673 = tpu.memref_slice %arg4[%add3A_1661, %dma_wait3A_1671, %dma_wait3A_1672] : memref<16384x32x128xf32, #tpu.memory_space<hbm>> -> memref<1x26x64xf32, #tpu.memory_space<hbm>>
        %dma_wait3A_1674 = tpu.memref_squeeze %dma_wait3A_1673 : memref<1x26x64xf32, #tpu.memory_space<hbm>> -> memref<26x64xf32, #tpu.memory_space<hbm>>
        %dma_wait3A_1675 = arith.constant 78 : i32
        %dma_wait3A_1676 = arith.constant 0 : i32
        %dma_wait3A_1677 = tpu.memref_slice %arg6[%dma_wait3A_1662, %dma_wait3A_1675, %dma_wait3A_1676] : memref<8x104x64xf32, #tpu.memory_space<vmem>> -> memref<1x26x64xf32, #tpu.memory_space<vmem>>
        %dma_wait3A_1678 = tpu.memref_squeeze %dma_wait3A_1677 : memref<1x26x64xf32, #tpu.memory_space<vmem>> -> memref<26x64xf32, #tpu.memory_space<vmem>>
        tpu.wait_dma2 semaphore(%arg22 : memref<!tpu.dma_semaphore, #tpu.memory_space<semaphore_mem>>) src(%dma_wait3A_1678 : memref<26x64xf32, #tpu.memory_space<vmem>>) dst(%dma_wait3A_1674 : memref<26x64xf32, #tpu.memory_space<hbm>>)
        %add3A_1679 = arith.constant 7 : i32
        %add3A_1680 = arith.addi %mul3A_717, %add3A_1679 : i32
        %add3A_1681 = arith.constant 8 : i32
        %add3A_1682 = arith.addi %add3A_1680, %add3A_1681 : i32
        %dma_start3A_1683 = arith.constant 7 : i32
        %dma_start3A_1684 = arith.constant 0 : i32
        %dma_start3A_1685 = arith.constant 0 : i32
        %dma_start3A_1686 = tpu.memref_slice %arg6[%dma_start3A_1683, %dma_start3A_1684, %dma_start3A_1685] : memref<8x104x64xf32, #tpu.memory_space<vmem>> -> memref<1x104x64xf32, #tpu.memory_space<vmem>>
        %dma_start3A_1687 = tpu.memref_squeeze %dma_start3A_1686 : memref<1x104x64xf32, #tpu.memory_space<vmem>> -> memref<104x64xf32, #tpu.memory_space<vmem>>
        %dma_start3A_1688 = arith.constant 0 : i32
        %dma_start3A_1689 = tpu.memref_slice %arg5[%add3A_1682, %dma_start3A_1688] : memref<128x104xi32, #tpu.memory_space<vmem>> -> memref<1x104xi32, #tpu.memory_space<vmem>>
        %dma_start3A_1690 = tpu.memref_squeeze %dma_start3A_1689 : memref<1x104xi32, #tpu.memory_space<vmem>> -> memref<104xi32, #tpu.memory_space<vmem>>
        %dma_start3A_1691 = arith.constant 0 : i32
        %dma_start3A_1692 = arith.constant 0 : i32
        %dma_start3A_1693 = tpu.memref_slice %arg3[%dma_start3A_1691, %dma_start3A_1692] : memref<1000000x64xf32, #tpu.memory_space<hbm>> -> memref<1000000x64xf32, #tpu.memory_space<hbm>>
        tpu.enqueue_indirect_dma source(%dma_start3A_1693 : memref<1000000x64xf32, #tpu.memory_space<hbm>>) target(%dma_start3A_1687 : memref<104x64xf32, #tpu.memory_space<vmem>>) offsets(%dma_start3A_1690 : memref<104xi32, #tpu.memory_space<vmem>>) semaphore(%arg14 : memref<!tpu.dma_semaphore, #tpu.memory_space<semaphore_mem>>)
      } else {
      }
    }
    %scan3A_103 = arith.constant 16 : i32
    %add3A_104 = arith.constant 0 : i32
    %add3A_105 = arith.addi %mul3A_2, %add3A_104 : i32
    %dma_wait3A = arith.constant 0 : i32
    %dma_wait3A_106 = arith.constant 0 : i32
    %dma_wait3A_107 = arith.constant 0 : i32
    %dma_wait3A_108 = tpu.memref_slice %arg6[%dma_wait3A, %dma_wait3A_106, %dma_wait3A_107] : memref<8x104x64xf32, #tpu.memory_space<vmem>> -> memref<1x26x64xf32, #tpu.memory_space<vmem>>
    %dma_wait3A_109 = tpu.memref_squeeze %dma_wait3A_108 : memref<1x26x64xf32, #tpu.memory_space<vmem>> -> memref<26x64xf32, #tpu.memory_space<vmem>>
    %dma_wait3A_110 = arith.constant 0 : i32
    %dma_wait3A_111 = arith.constant 0 : i32
    %dma_wait3A_112 = tpu.memref_slice %arg4[%add3A_105, %dma_wait3A_110, %dma_wait3A_111] : memref<16384x32x128xf32, #tpu.memory_space<hbm>> -> memref<1x26x64xf32, #tpu.memory_space<hbm>>
    %dma_wait3A_113 = tpu.memref_squeeze %dma_wait3A_112 : memref<1x26x64xf32, #tpu.memory_space<hbm>> -> memref<26x64xf32, #tpu.memory_space<hbm>>
    %dma_wait3A_114 = arith.constant 0 : i32
    %dma_wait3A_115 = arith.constant 0 : i32
    %dma_wait3A_116 = tpu.memref_slice %arg4[%add3A_105, %dma_wait3A_114, %dma_wait3A_115] : memref<16384x32x128xf32, #tpu.memory_space<hbm>> -> memref<1x26x64xf32, #tpu.memory_space<hbm>>
    %dma_wait3A_117 = tpu.memref_squeeze %dma_wait3A_116 : memref<1x26x64xf32, #tpu.memory_space<hbm>> -> memref<26x64xf32, #tpu.memory_space<hbm>>
    %dma_wait3A_118 = arith.constant 0 : i32
    %dma_wait3A_119 = arith.constant 0 : i32
    %dma_wait3A_120 = tpu.memref_slice %arg6[%dma_wait3A, %dma_wait3A_118, %dma_wait3A_119] : memref<8x104x64xf32, #tpu.memory_space<vmem>> -> memref<1x26x64xf32, #tpu.memory_space<vmem>>
    %dma_wait3A_121 = tpu.memref_squeeze %dma_wait3A_120 : memref<1x26x64xf32, #tpu.memory_space<vmem>> -> memref<26x64xf32, #tpu.memory_space<vmem>>
    tpu.wait_dma2 semaphore(%arg15 : memref<!tpu.dma_semaphore, #tpu.memory_space<semaphore_mem>>) src(%dma_wait3A_121 : memref<26x64xf32, #tpu.memory_space<vmem>>) dst(%dma_wait3A_117 : memref<26x64xf32, #tpu.memory_space<hbm>>)
    %add3A_122 = arith.constant 1 : i32
    %add3A_123 = arith.addi %mul3A_2, %add3A_122 : i32
    %dma_wait3A_124 = arith.constant 0 : i32
    %dma_wait3A_125 = arith.constant 26 : i32
    %dma_wait3A_126 = arith.constant 0 : i32
    %dma_wait3A_127 = tpu.memref_slice %arg6[%dma_wait3A_124, %dma_wait3A_125, %dma_wait3A_126] : memref<8x104x64xf32, #tpu.memory_space<vmem>> -> memref<1x26x64xf32, #tpu.memory_space<vmem>>
    %dma_wait3A_128 = tpu.memref_squeeze %dma_wait3A_127 : memref<1x26x64xf32, #tpu.memory_space<vmem>> -> memref<26x64xf32, #tpu.memory_space<vmem>>
    %dma_wait3A_129 = arith.constant 0 : i32
    %dma_wait3A_130 = arith.constant 0 : i32
    %dma_wait3A_131 = tpu.memref_slice %arg4[%add3A_123, %dma_wait3A_129, %dma_wait3A_130] : memref<16384x32x128xf32, #tpu.memory_space<hbm>> -> memref<1x26x64xf32, #tpu.memory_space<hbm>>
    %dma_wait3A_132 = tpu.memref_squeeze %dma_wait3A_131 : memref<1x26x64xf32, #tpu.memory_space<hbm>> -> memref<26x64xf32, #tpu.memory_space<hbm>>
    %dma_wait3A_133 = arith.constant 0 : i32
    %dma_wait3A_134 = arith.constant 0 : i32
    %dma_wait3A_135 = tpu.memref_slice %arg4[%add3A_123, %dma_wait3A_133, %dma_wait3A_134] : memref<16384x32x128xf32, #tpu.memory_space<hbm>> -> memref<1x26x64xf32, #tpu.memory_space<hbm>>
    %dma_wait3A_136 = tpu.memref_squeeze %dma_wait3A_135 : memref<1x26x64xf32, #tpu.memory_space<hbm>> -> memref<26x64xf32, #tpu.memory_space<hbm>>
    %dma_wait3A_137 = arith.constant 26 : i32
    %dma_wait3A_138 = arith.constant 0 : i32
    %dma_wait3A_139 = tpu.memref_slice %arg6[%dma_wait3A_124, %dma_wait3A_137, %dma_wait3A_138] : memref<8x104x64xf32, #tpu.memory_space<vmem>> -> memref<1x26x64xf32, #tpu.memory_space<vmem>>
    %dma_wait3A_140 = tpu.memref_squeeze %dma_wait3A_139 : memref<1x26x64xf32, #tpu.memory_space<vmem>> -> memref<26x64xf32, #tpu.memory_space<vmem>>
    tpu.wait_dma2 semaphore(%arg15 : memref<!tpu.dma_semaphore, #tpu.memory_space<semaphore_mem>>) src(%dma_wait3A_140 : memref<26x64xf32, #tpu.memory_space<vmem>>) dst(%dma_wait3A_136 : memref<26x64xf32, #tpu.memory_space<hbm>>)
    %add3A_141 = arith.constant 2 : i32
    %add3A_142 = arith.addi %mul3A_2, %add3A_141 : i32
    %dma_wait3A_143 = arith.constant 0 : i32
    %dma_wait3A_144 = arith.constant 52 : i32
    %dma_wait3A_145 = arith.constant 0 : i32
    %dma_wait3A_146 = tpu.memref_slice %arg6[%dma_wait3A_143, %dma_wait3A_144, %dma_wait3A_145] : memref<8x104x64xf32, #tpu.memory_space<vmem>> -> memref<1x26x64xf32, #tpu.memory_space<vmem>>
    %dma_wait3A_147 = tpu.memref_squeeze %dma_wait3A_146 : memref<1x26x64xf32, #tpu.memory_space<vmem>> -> memref<26x64xf32, #tpu.memory_space<vmem>>
    %dma_wait3A_148 = arith.constant 0 : i32
    %dma_wait3A_149 = arith.constant 0 : i32
    %dma_wait3A_150 = tpu.memref_slice %arg4[%add3A_142, %dma_wait3A_148, %dma_wait3A_149] : memref<16384x32x128xf32, #tpu.memory_space<hbm>> -> memref<1x26x64xf32, #tpu.memory_space<hbm>>
    %dma_wait3A_151 = tpu.memref_squeeze %dma_wait3A_150 : memref<1x26x64xf32, #tpu.memory_space<hbm>> -> memref<26x64xf32, #tpu.memory_space<hbm>>
    %dma_wait3A_152 = arith.constant 0 : i32
    %dma_wait3A_153 = arith.constant 0 : i32
    %dma_wait3A_154 = tpu.memref_slice %arg4[%add3A_142, %dma_wait3A_152, %dma_wait3A_153] : memref<16384x32x128xf32, #tpu.memory_space<hbm>> -> memref<1x26x64xf32, #tpu.memory_space<hbm>>
    %dma_wait3A_155 = tpu.memref_squeeze %dma_wait3A_154 : memref<1x26x64xf32, #tpu.memory_space<hbm>> -> memref<26x64xf32, #tpu.memory_space<hbm>>
    %dma_wait3A_156 = arith.constant 52 : i32
    %dma_wait3A_157 = arith.constant 0 : i32
    %dma_wait3A_158 = tpu.memref_slice %arg6[%dma_wait3A_143, %dma_wait3A_156, %dma_wait3A_157] : memref<8x104x64xf32, #tpu.memory_space<vmem>> -> memref<1x26x64xf32, #tpu.memory_space<vmem>>
    %dma_wait3A_159 = tpu.memref_squeeze %dma_wait3A_158 : memref<1x26x64xf32, #tpu.memory_space<vmem>> -> memref<26x64xf32, #tpu.memory_space<vmem>>
    tpu.wait_dma2 semaphore(%arg15 : memref<!tpu.dma_semaphore, #tpu.memory_space<semaphore_mem>>) src(%dma_wait3A_159 : memref<26x64xf32, #tpu.memory_space<vmem>>) dst(%dma_wait3A_155 : memref<26x64xf32, #tpu.memory_space<hbm>>)
    %add3A_160 = arith.constant 3 : i32
    %add3A_161 = arith.addi %mul3A_2, %add3A_160 : i32
    %dma_wait3A_162 = arith.constant 0 : i32
    %dma_wait3A_163 = arith.constant 78 : i32
    %dma_wait3A_164 = arith.constant 0 : i32
    %dma_wait3A_165 = tpu.memref_slice %arg6[%dma_wait3A_162, %dma_wait3A_163, %dma_wait3A_164] : memref<8x104x64xf32, #tpu.memory_space<vmem>> -> memref<1x26x64xf32, #tpu.memory_space<vmem>>
    %dma_wait3A_166 = tpu.memref_squeeze %dma_wait3A_165 : memref<1x26x64xf32, #tpu.memory_space<vmem>> -> memref<26x64xf32, #tpu.memory_space<vmem>>
    %dma_wait3A_167 = arith.constant 0 : i32
    %dma_wait3A_168 = arith.constant 0 : i32
    %dma_wait3A_169 = tpu.memref_slice %arg4[%add3A_161, %dma_wait3A_167, %dma_wait3A_168] : memref<16384x32x128xf32, #tpu.memory_space<hbm>> -> memref<1x26x64xf32, #tpu.memory_space<hbm>>
    %dma_wait3A_170 = tpu.memref_squeeze %dma_wait3A_169 : memref<1x26x64xf32, #tpu.memory_space<hbm>> -> memref<26x64xf32, #tpu.memory_space<hbm>>
    %dma_wait3A_171 = arith.constant 0 : i32
    %dma_wait3A_172 = arith.constant 0 : i32
    %dma_wait3A_173 = tpu.memref_slice %arg4[%add3A_161, %dma_wait3A_171, %dma_wait3A_172] : memref<16384x32x128xf32, #tpu.memory_space<hbm>> -> memref<1x26x64xf32, #tpu.memory_space<hbm>>
    %dma_wait3A_174 = tpu.memref_squeeze %dma_wait3A_173 : memref<1x26x64xf32, #tpu.memory_space<hbm>> -> memref<26x64xf32, #tpu.memory_space<hbm>>
    %dma_wait3A_175 = arith.constant 78 : i32
    %dma_wait3A_176 = arith.constant 0 : i32
    %dma_wait3A_177 = tpu.memref_slice %arg6[%dma_wait3A_162, %dma_wait3A_175, %dma_wait3A_176] : memref<8x104x64xf32, #tpu.memory_space<vmem>> -> memref<1x26x64xf32, #tpu.memory_space<vmem>>
    %dma_wait3A_178 = tpu.memref_squeeze %dma_wait3A_177 : memref<1x26x64xf32, #tpu.memory_space<vmem>> -> memref<26x64xf32, #tpu.memory_space<vmem>>
    tpu.wait_dma2 semaphore(%arg15 : memref<!tpu.dma_semaphore, #tpu.memory_space<semaphore_mem>>) src(%dma_wait3A_178 : memref<26x64xf32, #tpu.memory_space<vmem>>) dst(%dma_wait3A_174 : memref<26x64xf32, #tpu.memory_space<hbm>>)
    %add3A_179 = arith.constant 0 : i32
    %add3A_180 = arith.addi %mul3A_2, %add3A_179 : i32
    %dma_wait3A_181 = arith.constant 1 : i32
    %dma_wait3A_182 = arith.constant 0 : i32
    %dma_wait3A_183 = arith.constant 0 : i32
    %dma_wait3A_184 = tpu.memref_slice %arg6[%dma_wait3A_181, %dma_wait3A_182, %dma_wait3A_183] : memref<8x104x64xf32, #tpu.memory_space<vmem>> -> memref<1x26x64xf32, #tpu.memory_space<vmem>>
    %dma_wait3A_185 = tpu.memref_squeeze %dma_wait3A_184 : memref<1x26x64xf32, #tpu.memory_space<vmem>> -> memref<26x64xf32, #tpu.memory_space<vmem>>
    %dma_wait3A_186 = arith.constant 0 : i32
    %dma_wait3A_187 = arith.constant 0 : i32
    %dma_wait3A_188 = tpu.memref_slice %arg4[%add3A_180, %dma_wait3A_186, %dma_wait3A_187] : memref<16384x32x128xf32, #tpu.memory_space<hbm>> -> memref<1x26x64xf32, #tpu.memory_space<hbm>>
    %dma_wait3A_189 = tpu.memref_squeeze %dma_wait3A_188 : memref<1x26x64xf32, #tpu.memory_space<hbm>> -> memref<26x64xf32, #tpu.memory_space<hbm>>
    %dma_wait3A_190 = arith.constant 0 : i32
    %dma_wait3A_191 = arith.constant 0 : i32
    %dma_wait3A_192 = tpu.memref_slice %arg4[%add3A_180, %dma_wait3A_190, %dma_wait3A_191] : memref<16384x32x128xf32, #tpu.memory_space<hbm>> -> memref<1x26x64xf32, #tpu.memory_space<hbm>>
    %dma_wait3A_193 = tpu.memref_squeeze %dma_wait3A_192 : memref<1x26x64xf32, #tpu.memory_space<hbm>> -> memref<26x64xf32, #tpu.memory_space<hbm>>
    %dma_wait3A_194 = arith.constant 0 : i32
    %dma_wait3A_195 = arith.constant 0 : i32
    %dma_wait3A_196 = tpu.memref_slice %arg6[%dma_wait3A_181, %dma_wait3A_194, %dma_wait3A_195] : memref<8x104x64xf32, #tpu.memory_space<vmem>> -> memref<1x26x64xf32, #tpu.memory_space<vmem>>
    %dma_wait3A_197 = tpu.memref_squeeze %dma_wait3A_196 : memref<1x26x64xf32, #tpu.memory_space<vmem>> -> memref<26x64xf32, #tpu.memory_space<vmem>>
    tpu.wait_dma2 semaphore(%arg16 : memref<!tpu.dma_semaphore, #tpu.memory_space<semaphore_mem>>) src(%dma_wait3A_197 : memref<26x64xf32, #tpu.memory_space<vmem>>) dst(%dma_wait3A_193 : memref<26x64xf32, #tpu.memory_space<hbm>>)
    %add3A_198 = arith.constant 1 : i32
    %add3A_199 = arith.addi %mul3A_2, %add3A_198 : i32
    %dma_wait3A_200 = arith.constant 1 : i32
    %dma_wait3A_201 = arith.constant 26 : i32
    %dma_wait3A_202 = arith.constant 0 : i32
    %dma_wait3A_203 = tpu.memref_slice %arg6[%dma_wait3A_200, %dma_wait3A_201, %dma_wait3A_202] : memref<8x104x64xf32, #tpu.memory_space<vmem>> -> memref<1x26x64xf32, #tpu.memory_space<vmem>>
    %dma_wait3A_204 = tpu.memref_squeeze %dma_wait3A_203 : memref<1x26x64xf32, #tpu.memory_space<vmem>> -> memref<26x64xf32, #tpu.memory_space<vmem>>
    %dma_wait3A_205 = arith.constant 0 : i32
    %dma_wait3A_206 = arith.constant 0 : i32
    %dma_wait3A_207 = tpu.memref_slice %arg4[%add3A_199, %dma_wait3A_205, %dma_wait3A_206] : memref<16384x32x128xf32, #tpu.memory_space<hbm>> -> memref<1x26x64xf32, #tpu.memory_space<hbm>>
    %dma_wait3A_208 = tpu.memref_squeeze %dma_wait3A_207 : memref<1x26x64xf32, #tpu.memory_space<hbm>> -> memref<26x64xf32, #tpu.memory_space<hbm>>
    %dma_wait3A_209 = arith.constant 0 : i32
    %dma_wait3A_210 = arith.constant 0 : i32
    %dma_wait3A_211 = tpu.memref_slice %arg4[%add3A_199, %dma_wait3A_209, %dma_wait3A_210] : memref<16384x32x128xf32, #tpu.memory_space<hbm>> -> memref<1x26x64xf32, #tpu.memory_space<hbm>>
    %dma_wait3A_212 = tpu.memref_squeeze %dma_wait3A_211 : memref<1x26x64xf32, #tpu.memory_space<hbm>> -> memref<26x64xf32, #tpu.memory_space<hbm>>
    %dma_wait3A_213 = arith.constant 26 : i32
    %dma_wait3A_214 = arith.constant 0 : i32
    %dma_wait3A_215 = tpu.memref_slice %arg6[%dma_wait3A_200, %dma_wait3A_213, %dma_wait3A_214] : memref<8x104x64xf32, #tpu.memory_space<vmem>> -> memref<1x26x64xf32, #tpu.memory_space<vmem>>
    %dma_wait3A_216 = tpu.memref_squeeze %dma_wait3A_215 : memref<1x26x64xf32, #tpu.memory_space<vmem>> -> memref<26x64xf32, #tpu.memory_space<vmem>>
    tpu.wait_dma2 semaphore(%arg16 : memref<!tpu.dma_semaphore, #tpu.memory_space<semaphore_mem>>) src(%dma_wait3A_216 : memref<26x64xf32, #tpu.memory_space<vmem>>) dst(%dma_wait3A_212 : memref<26x64xf32, #tpu.memory_space<hbm>>)
    %add3A_217 = arith.constant 2 : i32
    %add3A_218 = arith.addi %mul3A_2, %add3A_217 : i32
    %dma_wait3A_219 = arith.constant 1 : i32
    %dma_wait3A_220 = arith.constant 52 : i32
    %dma_wait3A_221 = arith.constant 0 : i32
    %dma_wait3A_222 = tpu.memref_slice %arg6[%dma_wait3A_219, %dma_wait3A_220, %dma_wait3A_221] : memref<8x104x64xf32, #tpu.memory_space<vmem>> -> memref<1x26x64xf32, #tpu.memory_space<vmem>>
    %dma_wait3A_223 = tpu.memref_squeeze %dma_wait3A_222 : memref<1x26x64xf32, #tpu.memory_space<vmem>> -> memref<26x64xf32, #tpu.memory_space<vmem>>
    %dma_wait3A_224 = arith.constant 0 : i32
    %dma_wait3A_225 = arith.constant 0 : i32
    %dma_wait3A_226 = tpu.memref_slice %arg4[%add3A_218, %dma_wait3A_224, %dma_wait3A_225] : memref<16384x32x128xf32, #tpu.memory_space<hbm>> -> memref<1x26x64xf32, #tpu.memory_space<hbm>>
    %dma_wait3A_227 = tpu.memref_squeeze %dma_wait3A_226 : memref<1x26x64xf32, #tpu.memory_space<hbm>> -> memref<26x64xf32, #tpu.memory_space<hbm>>
    %dma_wait3A_228 = arith.constant 0 : i32
    %dma_wait3A_229 = arith.constant 0 : i32
    %dma_wait3A_230 = tpu.memref_slice %arg4[%add3A_218, %dma_wait3A_228, %dma_wait3A_229] : memref<16384x32x128xf32, #tpu.memory_space<hbm>> -> memref<1x26x64xf32, #tpu.memory_space<hbm>>
    %dma_wait3A_231 = tpu.memref_squeeze %dma_wait3A_230 : memref<1x26x64xf32, #tpu.memory_space<hbm>> -> memref<26x64xf32, #tpu.memory_space<hbm>>
    %dma_wait3A_232 = arith.constant 52 : i32
    %dma_wait3A_233 = arith.constant 0 : i32
    %dma_wait3A_234 = tpu.memref_slice %arg6[%dma_wait3A_219, %dma_wait3A_232, %dma_wait3A_233] : memref<8x104x64xf32, #tpu.memory_space<vmem>> -> memref<1x26x64xf32, #tpu.memory_space<vmem>>
    %dma_wait3A_235 = tpu.memref_squeeze %dma_wait3A_234 : memref<1x26x64xf32, #tpu.memory_space<vmem>> -> memref<26x64xf32, #tpu.memory_space<vmem>>
    tpu.wait_dma2 semaphore(%arg16 : memref<!tpu.dma_semaphore, #tpu.memory_space<semaphore_mem>>) src(%dma_wait3A_235 : memref<26x64xf32, #tpu.memory_space<vmem>>) dst(%dma_wait3A_231 : memref<26x64xf32, #tpu.memory_space<hbm>>)
    %add3A_236 = arith.constant 3 : i32
    %add3A_237 = arith.addi %mul3A_2, %add3A_236 : i32
    %dma_wait3A_238 = arith.constant 1 : i32
    %dma_wait3A_239 = arith.constant 78 : i32
    %dma_wait3A_240 = arith.constant 0 : i32
    %dma_wait3A_241 = tpu.memref_slice %arg6[%dma_wait3A_238, %dma_wait3A_239, %dma_wait3A_240] : memref<8x104x64xf32, #tpu.memory_space<vmem>> -> memref<1x26x64xf32, #tpu.memory_space<vmem>>
    %dma_wait3A_242 = tpu.memref_squeeze %dma_wait3A_241 : memref<1x26x64xf32, #tpu.memory_space<vmem>> -> memref<26x64xf32, #tpu.memory_space<vmem>>
    %dma_wait3A_243 = arith.constant 0 : i32
    %dma_wait3A_244 = arith.constant 0 : i32
    %dma_wait3A_245 = tpu.memref_slice %arg4[%add3A_237, %dma_wait3A_243, %dma_wait3A_244] : memref<16384x32x128xf32, #tpu.memory_space<hbm>> -> memref<1x26x64xf32, #tpu.memory_space<hbm>>
    %dma_wait3A_246 = tpu.memref_squeeze %dma_wait3A_245 : memref<1x26x64xf32, #tpu.memory_space<hbm>> -> memref<26x64xf32, #tpu.memory_space<hbm>>
    %dma_wait3A_247 = arith.constant 0 : i32
    %dma_wait3A_248 = arith.constant 0 : i32
    %dma_wait3A_249 = tpu.memref_slice %arg4[%add3A_237, %dma_wait3A_247, %dma_wait3A_248] : memref<16384x32x128xf32, #tpu.memory_space<hbm>> -> memref<1x26x64xf32, #tpu.memory_space<hbm>>
    %dma_wait3A_250 = tpu.memref_squeeze %dma_wait3A_249 : memref<1x26x64xf32, #tpu.memory_space<hbm>> -> memref<26x64xf32, #tpu.memory_space<hbm>>
    %dma_wait3A_251 = arith.constant 78 : i32
    %dma_wait3A_252 = arith.constant 0 : i32
    %dma_wait3A_253 = tpu.memref_slice %arg6[%dma_wait3A_238, %dma_wait3A_251, %dma_wait3A_252] : memref<8x104x64xf32, #tpu.memory_space<vmem>> -> memref<1x26x64xf32, #tpu.memory_space<vmem>>
    %dma_wait3A_254 = tpu.memref_squeeze %dma_wait3A_253 : memref<1x26x64xf32, #tpu.memory_space<vmem>> -> memref<26x64xf32, #tpu.memory_space<vmem>>
    tpu.wait_dma2 semaphore(%arg16 : memref<!tpu.dma_semaphore, #tpu.memory_space<semaphore_mem>>) src(%dma_wait3A_254 : memref<26x64xf32, #tpu.memory_space<vmem>>) dst(%dma_wait3A_250 : memref<26x64xf32, #tpu.memory_space<hbm>>)
    %add3A_255 = arith.constant 0 : i32
    %add3A_256 = arith.addi %mul3A_2, %add3A_255 : i32
    %dma_wait3A_257 = arith.constant 2 : i32
    %dma_wait3A_258 = arith.constant 0 : i32
    %dma_wait3A_259 = arith.constant 0 : i32
    %dma_wait3A_260 = tpu.memref_slice %arg6[%dma_wait3A_257, %dma_wait3A_258, %dma_wait3A_259] : memref<8x104x64xf32, #tpu.memory_space<vmem>> -> memref<1x26x64xf32, #tpu.memory_space<vmem>>
    %dma_wait3A_261 = tpu.memref_squeeze %dma_wait3A_260 : memref<1x26x64xf32, #tpu.memory_space<vmem>> -> memref<26x64xf32, #tpu.memory_space<vmem>>
    %dma_wait3A_262 = arith.constant 0 : i32
    %dma_wait3A_263 = arith.constant 0 : i32
    %dma_wait3A_264 = tpu.memref_slice %arg4[%add3A_256, %dma_wait3A_262, %dma_wait3A_263] : memref<16384x32x128xf32, #tpu.memory_space<hbm>> -> memref<1x26x64xf32, #tpu.memory_space<hbm>>
    %dma_wait3A_265 = tpu.memref_squeeze %dma_wait3A_264 : memref<1x26x64xf32, #tpu.memory_space<hbm>> -> memref<26x64xf32, #tpu.memory_space<hbm>>
    %dma_wait3A_266 = arith.constant 0 : i32
    %dma_wait3A_267 = arith.constant 0 : i32
    %dma_wait3A_268 = tpu.memref_slice %arg4[%add3A_256, %dma_wait3A_266, %dma_wait3A_267] : memref<16384x32x128xf32, #tpu.memory_space<hbm>> -> memref<1x26x64xf32, #tpu.memory_space<hbm>>
    %dma_wait3A_269 = tpu.memref_squeeze %dma_wait3A_268 : memref<1x26x64xf32, #tpu.memory_space<hbm>> -> memref<26x64xf32, #tpu.memory_space<hbm>>
    %dma_wait3A_270 = arith.constant 0 : i32
    %dma_wait3A_271 = arith.constant 0 : i32
    %dma_wait3A_272 = tpu.memref_slice %arg6[%dma_wait3A_257, %dma_wait3A_270, %dma_wait3A_271] : memref<8x104x64xf32, #tpu.memory_space<vmem>> -> memref<1x26x64xf32, #tpu.memory_space<vmem>>
    %dma_wait3A_273 = tpu.memref_squeeze %dma_wait3A_272 : memref<1x26x64xf32, #tpu.memory_space<vmem>> -> memref<26x64xf32, #tpu.memory_space<vmem>>
    tpu.wait_dma2 semaphore(%arg17 : memref<!tpu.dma_semaphore, #tpu.memory_space<semaphore_mem>>) src(%dma_wait3A_273 : memref<26x64xf32, #tpu.memory_space<vmem>>) dst(%dma_wait3A_269 : memref<26x64xf32, #tpu.memory_space<hbm>>)
    %add3A_274 = arith.constant 1 : i32
    %add3A_275 = arith.addi %mul3A_2, %add3A_274 : i32
    %dma_wait3A_276 = arith.constant 2 : i32
    %dma_wait3A_277 = arith.constant 26 : i32
    %dma_wait3A_278 = arith.constant 0 : i32
    %dma_wait3A_279 = tpu.memref_slice %arg6[%dma_wait3A_276, %dma_wait3A_277, %dma_wait3A_278] : memref<8x104x64xf32, #tpu.memory_space<vmem>> -> memref<1x26x64xf32, #tpu.memory_space<vmem>>
    %dma_wait3A_280 = tpu.memref_squeeze %dma_wait3A_279 : memref<1x26x64xf32, #tpu.memory_space<vmem>> -> memref<26x64xf32, #tpu.memory_space<vmem>>
    %dma_wait3A_281 = arith.constant 0 : i32
    %dma_wait3A_282 = arith.constant 0 : i32
    %dma_wait3A_283 = tpu.memref_slice %arg4[%add3A_275, %dma_wait3A_281, %dma_wait3A_282] : memref<16384x32x128xf32, #tpu.memory_space<hbm>> -> memref<1x26x64xf32, #tpu.memory_space<hbm>>
    %dma_wait3A_284 = tpu.memref_squeeze %dma_wait3A_283 : memref<1x26x64xf32, #tpu.memory_space<hbm>> -> memref<26x64xf32, #tpu.memory_space<hbm>>
    %dma_wait3A_285 = arith.constant 0 : i32
    %dma_wait3A_286 = arith.constant 0 : i32
    %dma_wait3A_287 = tpu.memref_slice %arg4[%add3A_275, %dma_wait3A_285, %dma_wait3A_286] : memref<16384x32x128xf32, #tpu.memory_space<hbm>> -> memref<1x26x64xf32, #tpu.memory_space<hbm>>
    %dma_wait3A_288 = tpu.memref_squeeze %dma_wait3A_287 : memref<1x26x64xf32, #tpu.memory_space<hbm>> -> memref<26x64xf32, #tpu.memory_space<hbm>>
    %dma_wait3A_289 = arith.constant 26 : i32
    %dma_wait3A_290 = arith.constant 0 : i32
    %dma_wait3A_291 = tpu.memref_slice %arg6[%dma_wait3A_276, %dma_wait3A_289, %dma_wait3A_290] : memref<8x104x64xf32, #tpu.memory_space<vmem>> -> memref<1x26x64xf32, #tpu.memory_space<vmem>>
    %dma_wait3A_292 = tpu.memref_squeeze %dma_wait3A_291 : memref<1x26x64xf32, #tpu.memory_space<vmem>> -> memref<26x64xf32, #tpu.memory_space<vmem>>
    tpu.wait_dma2 semaphore(%arg17 : memref<!tpu.dma_semaphore, #tpu.memory_space<semaphore_mem>>) src(%dma_wait3A_292 : memref<26x64xf32, #tpu.memory_space<vmem>>) dst(%dma_wait3A_288 : memref<26x64xf32, #tpu.memory_space<hbm>>)
    %add3A_293 = arith.constant 2 : i32
    %add3A_294 = arith.addi %mul3A_2, %add3A_293 : i32
    %dma_wait3A_295 = arith.constant 2 : i32
    %dma_wait3A_296 = arith.constant 52 : i32
    %dma_wait3A_297 = arith.constant 0 : i32
    %dma_wait3A_298 = tpu.memref_slice %arg6[%dma_wait3A_295, %dma_wait3A_296, %dma_wait3A_297] : memref<8x104x64xf32, #tpu.memory_space<vmem>> -> memref<1x26x64xf32, #tpu.memory_space<vmem>>
    %dma_wait3A_299 = tpu.memref_squeeze %dma_wait3A_298 : memref<1x26x64xf32, #tpu.memory_space<vmem>> -> memref<26x64xf32, #tpu.memory_space<vmem>>
    %dma_wait3A_300 = arith.constant 0 : i32
    %dma_wait3A_301 = arith.constant 0 : i32
    %dma_wait3A_302 = tpu.memref_slice %arg4[%add3A_294, %dma_wait3A_300, %dma_wait3A_301] : memref<16384x32x128xf32, #tpu.memory_space<hbm>> -> memref<1x26x64xf32, #tpu.memory_space<hbm>>
    %dma_wait3A_303 = tpu.memref_squeeze %dma_wait3A_302 : memref<1x26x64xf32, #tpu.memory_space<hbm>> -> memref<26x64xf32, #tpu.memory_space<hbm>>
    %dma_wait3A_304 = arith.constant 0 : i32
    %dma_wait3A_305 = arith.constant 0 : i32
    %dma_wait3A_306 = tpu.memref_slice %arg4[%add3A_294, %dma_wait3A_304, %dma_wait3A_305] : memref<16384x32x128xf32, #tpu.memory_space<hbm>> -> memref<1x26x64xf32, #tpu.memory_space<hbm>>
    %dma_wait3A_307 = tpu.memref_squeeze %dma_wait3A_306 : memref<1x26x64xf32, #tpu.memory_space<hbm>> -> memref<26x64xf32, #tpu.memory_space<hbm>>
    %dma_wait3A_308 = arith.constant 52 : i32
    %dma_wait3A_309 = arith.constant 0 : i32
    %dma_wait3A_310 = tpu.memref_slice %arg6[%dma_wait3A_295, %dma_wait3A_308, %dma_wait3A_309] : memref<8x104x64xf32, #tpu.memory_space<vmem>> -> memref<1x26x64xf32, #tpu.memory_space<vmem>>
    %dma_wait3A_311 = tpu.memref_squeeze %dma_wait3A_310 : memref<1x26x64xf32, #tpu.memory_space<vmem>> -> memref<26x64xf32, #tpu.memory_space<vmem>>
    tpu.wait_dma2 semaphore(%arg17 : memref<!tpu.dma_semaphore, #tpu.memory_space<semaphore_mem>>) src(%dma_wait3A_311 : memref<26x64xf32, #tpu.memory_space<vmem>>) dst(%dma_wait3A_307 : memref<26x64xf32, #tpu.memory_space<hbm>>)
    %add3A_312 = arith.constant 3 : i32
    %add3A_313 = arith.addi %mul3A_2, %add3A_312 : i32
    %dma_wait3A_314 = arith.constant 2 : i32
    %dma_wait3A_315 = arith.constant 78 : i32
    %dma_wait3A_316 = arith.constant 0 : i32
    %dma_wait3A_317 = tpu.memref_slice %arg6[%dma_wait3A_314, %dma_wait3A_315, %dma_wait3A_316] : memref<8x104x64xf32, #tpu.memory_space<vmem>> -> memref<1x26x64xf32, #tpu.memory_space<vmem>>
    %dma_wait3A_318 = tpu.memref_squeeze %dma_wait3A_317 : memref<1x26x64xf32, #tpu.memory_space<vmem>> -> memref<26x64xf32, #tpu.memory_space<vmem>>
    %dma_wait3A_319 = arith.constant 0 : i32
    %dma_wait3A_320 = arith.constant 0 : i32
    %dma_wait3A_321 = tpu.memref_slice %arg4[%add3A_313, %dma_wait3A_319, %dma_wait3A_320] : memref<16384x32x128xf32, #tpu.memory_space<hbm>> -> memref<1x26x64xf32, #tpu.memory_space<hbm>>
    %dma_wait3A_322 = tpu.memref_squeeze %dma_wait3A_321 : memref<1x26x64xf32, #tpu.memory_space<hbm>> -> memref<26x64xf32, #tpu.memory_space<hbm>>
    %dma_wait3A_323 = arith.constant 0 : i32
    %dma_wait3A_324 = arith.constant 0 : i32
    %dma_wait3A_325 = tpu.memref_slice %arg4[%add3A_313, %dma_wait3A_323, %dma_wait3A_324] : memref<16384x32x128xf32, #tpu.memory_space<hbm>> -> memref<1x26x64xf32, #tpu.memory_space<hbm>>
    %dma_wait3A_326 = tpu.memref_squeeze %dma_wait3A_325 : memref<1x26x64xf32, #tpu.memory_space<hbm>> -> memref<26x64xf32, #tpu.memory_space<hbm>>
    %dma_wait3A_327 = arith.constant 78 : i32
    %dma_wait3A_328 = arith.constant 0 : i32
    %dma_wait3A_329 = tpu.memref_slice %arg6[%dma_wait3A_314, %dma_wait3A_327, %dma_wait3A_328] : memref<8x104x64xf32, #tpu.memory_space<vmem>> -> memref<1x26x64xf32, #tpu.memory_space<vmem>>
    %dma_wait3A_330 = tpu.memref_squeeze %dma_wait3A_329 : memref<1x26x64xf32, #tpu.memory_space<vmem>> -> memref<26x64xf32, #tpu.memory_space<vmem>>
    tpu.wait_dma2 semaphore(%arg17 : memref<!tpu.dma_semaphore, #tpu.memory_space<semaphore_mem>>) src(%dma_wait3A_330 : memref<26x64xf32, #tpu.memory_space<vmem>>) dst(%dma_wait3A_326 : memref<26x64xf32, #tpu.memory_space<hbm>>)
    %add3A_331 = arith.constant 0 : i32
    %add3A_332 = arith.addi %mul3A_2, %add3A_331 : i32
    %dma_wait3A_333 = arith.constant 3 : i32
    %dma_wait3A_334 = arith.constant 0 : i32
    %dma_wait3A_335 = arith.constant 0 : i32
    %dma_wait3A_336 = tpu.memref_slice %arg6[%dma_wait3A_333, %dma_wait3A_334, %dma_wait3A_335] : memref<8x104x64xf32, #tpu.memory_space<vmem>> -> memref<1x26x64xf32, #tpu.memory_space<vmem>>
    %dma_wait3A_337 = tpu.memref_squeeze %dma_wait3A_336 : memref<1x26x64xf32, #tpu.memory_space<vmem>> -> memref<26x64xf32, #tpu.memory_space<vmem>>
    %dma_wait3A_338 = arith.constant 0 : i32
    %dma_wait3A_339 = arith.constant 0 : i32
    %dma_wait3A_340 = tpu.memref_slice %arg4[%add3A_332, %dma_wait3A_338, %dma_wait3A_339] : memref<16384x32x128xf32, #tpu.memory_space<hbm>> -> memref<1x26x64xf32, #tpu.memory_space<hbm>>
    %dma_wait3A_341 = tpu.memref_squeeze %dma_wait3A_340 : memref<1x26x64xf32, #tpu.memory_space<hbm>> -> memref<26x64xf32, #tpu.memory_space<hbm>>
    %dma_wait3A_342 = arith.constant 0 : i32
    %dma_wait3A_343 = arith.constant 0 : i32
    %dma_wait3A_344 = tpu.memref_slice %arg4[%add3A_332, %dma_wait3A_342, %dma_wait3A_343] : memref<16384x32x128xf32, #tpu.memory_space<hbm>> -> memref<1x26x64xf32, #tpu.memory_space<hbm>>
    %dma_wait3A_345 = tpu.memref_squeeze %dma_wait3A_344 : memref<1x26x64xf32, #tpu.memory_space<hbm>> -> memref<26x64xf32, #tpu.memory_space<hbm>>
    %dma_wait3A_346 = arith.constant 0 : i32
    %dma_wait3A_347 = arith.constant 0 : i32
    %dma_wait3A_348 = tpu.memref_slice %arg6[%dma_wait3A_333, %dma_wait3A_346, %dma_wait3A_347] : memref<8x104x64xf32, #tpu.memory_space<vmem>> -> memref<1x26x64xf32, #tpu.memory_space<vmem>>
    %dma_wait3A_349 = tpu.memref_squeeze %dma_wait3A_348 : memref<1x26x64xf32, #tpu.memory_space<vmem>> -> memref<26x64xf32, #tpu.memory_space<vmem>>
    tpu.wait_dma2 semaphore(%arg18 : memref<!tpu.dma_semaphore, #tpu.memory_space<semaphore_mem>>) src(%dma_wait3A_349 : memref<26x64xf32, #tpu.memory_space<vmem>>) dst(%dma_wait3A_345 : memref<26x64xf32, #tpu.memory_space<hbm>>)
    %add3A_350 = arith.constant 1 : i32
    %add3A_351 = arith.addi %mul3A_2, %add3A_350 : i32
    %dma_wait3A_352 = arith.constant 3 : i32
    %dma_wait3A_353 = arith.constant 26 : i32
    %dma_wait3A_354 = arith.constant 0 : i32
    %dma_wait3A_355 = tpu.memref_slice %arg6[%dma_wait3A_352, %dma_wait3A_353, %dma_wait3A_354] : memref<8x104x64xf32, #tpu.memory_space<vmem>> -> memref<1x26x64xf32, #tpu.memory_space<vmem>>
    %dma_wait3A_356 = tpu.memref_squeeze %dma_wait3A_355 : memref<1x26x64xf32, #tpu.memory_space<vmem>> -> memref<26x64xf32, #tpu.memory_space<vmem>>
    %dma_wait3A_357 = arith.constant 0 : i32
    %dma_wait3A_358 = arith.constant 0 : i32
    %dma_wait3A_359 = tpu.memref_slice %arg4[%add3A_351, %dma_wait3A_357, %dma_wait3A_358] : memref<16384x32x128xf32, #tpu.memory_space<hbm>> -> memref<1x26x64xf32, #tpu.memory_space<hbm>>
    %dma_wait3A_360 = tpu.memref_squeeze %dma_wait3A_359 : memref<1x26x64xf32, #tpu.memory_space<hbm>> -> memref<26x64xf32, #tpu.memory_space<hbm>>
    %dma_wait3A_361 = arith.constant 0 : i32
    %dma_wait3A_362 = arith.constant 0 : i32
    %dma_wait3A_363 = tpu.memref_slice %arg4[%add3A_351, %dma_wait3A_361, %dma_wait3A_362] : memref<16384x32x128xf32, #tpu.memory_space<hbm>> -> memref<1x26x64xf32, #tpu.memory_space<hbm>>
    %dma_wait3A_364 = tpu.memref_squeeze %dma_wait3A_363 : memref<1x26x64xf32, #tpu.memory_space<hbm>> -> memref<26x64xf32, #tpu.memory_space<hbm>>
    %dma_wait3A_365 = arith.constant 26 : i32
    %dma_wait3A_366 = arith.constant 0 : i32
    %dma_wait3A_367 = tpu.memref_slice %arg6[%dma_wait3A_352, %dma_wait3A_365, %dma_wait3A_366] : memref<8x104x64xf32, #tpu.memory_space<vmem>> -> memref<1x26x64xf32, #tpu.memory_space<vmem>>
    %dma_wait3A_368 = tpu.memref_squeeze %dma_wait3A_367 : memref<1x26x64xf32, #tpu.memory_space<vmem>> -> memref<26x64xf32, #tpu.memory_space<vmem>>
    tpu.wait_dma2 semaphore(%arg18 : memref<!tpu.dma_semaphore, #tpu.memory_space<semaphore_mem>>) src(%dma_wait3A_368 : memref<26x64xf32, #tpu.memory_space<vmem>>) dst(%dma_wait3A_364 : memref<26x64xf32, #tpu.memory_space<hbm>>)
    %add3A_369 = arith.constant 2 : i32
    %add3A_370 = arith.addi %mul3A_2, %add3A_369 : i32
    %dma_wait3A_371 = arith.constant 3 : i32
    %dma_wait3A_372 = arith.constant 52 : i32
    %dma_wait3A_373 = arith.constant 0 : i32
    %dma_wait3A_374 = tpu.memref_slice %arg6[%dma_wait3A_371, %dma_wait3A_372, %dma_wait3A_373] : memref<8x104x64xf32, #tpu.memory_space<vmem>> -> memref<1x26x64xf32, #tpu.memory_space<vmem>>
    %dma_wait3A_375 = tpu.memref_squeeze %dma_wait3A_374 : memref<1x26x64xf32, #tpu.memory_space<vmem>> -> memref<26x64xf32, #tpu.memory_space<vmem>>
    %dma_wait3A_376 = arith.constant 0 : i32
    %dma_wait3A_377 = arith.constant 0 : i32
    %dma_wait3A_378 = tpu.memref_slice %arg4[%add3A_370, %dma_wait3A_376, %dma_wait3A_377] : memref<16384x32x128xf32, #tpu.memory_space<hbm>> -> memref<1x26x64xf32, #tpu.memory_space<hbm>>
    %dma_wait3A_379 = tpu.memref_squeeze %dma_wait3A_378 : memref<1x26x64xf32, #tpu.memory_space<hbm>> -> memref<26x64xf32, #tpu.memory_space<hbm>>
    %dma_wait3A_380 = arith.constant 0 : i32
    %dma_wait3A_381 = arith.constant 0 : i32
    %dma_wait3A_382 = tpu.memref_slice %arg4[%add3A_370, %dma_wait3A_380, %dma_wait3A_381] : memref<16384x32x128xf32, #tpu.memory_space<hbm>> -> memref<1x26x64xf32, #tpu.memory_space<hbm>>
    %dma_wait3A_383 = tpu.memref_squeeze %dma_wait3A_382 : memref<1x26x64xf32, #tpu.memory_space<hbm>> -> memref<26x64xf32, #tpu.memory_space<hbm>>
    %dma_wait3A_384 = arith.constant 52 : i32
    %dma_wait3A_385 = arith.constant 0 : i32
    %dma_wait3A_386 = tpu.memref_slice %arg6[%dma_wait3A_371, %dma_wait3A_384, %dma_wait3A_385] : memref<8x104x64xf32, #tpu.memory_space<vmem>> -> memref<1x26x64xf32, #tpu.memory_space<vmem>>
    %dma_wait3A_387 = tpu.memref_squeeze %dma_wait3A_386 : memref<1x26x64xf32, #tpu.memory_space<vmem>> -> memref<26x64xf32, #tpu.memory_space<vmem>>
    tpu.wait_dma2 semaphore(%arg18 : memref<!tpu.dma_semaphore, #tpu.memory_space<semaphore_mem>>) src(%dma_wait3A_387 : memref<26x64xf32, #tpu.memory_space<vmem>>) dst(%dma_wait3A_383 : memref<26x64xf32, #tpu.memory_space<hbm>>)
    %add3A_388 = arith.constant 3 : i32
    %add3A_389 = arith.addi %mul3A_2, %add3A_388 : i32
    %dma_wait3A_390 = arith.constant 3 : i32
    %dma_wait3A_391 = arith.constant 78 : i32
    %dma_wait3A_392 = arith.constant 0 : i32
    %dma_wait3A_393 = tpu.memref_slice %arg6[%dma_wait3A_390, %dma_wait3A_391, %dma_wait3A_392] : memref<8x104x64xf32, #tpu.memory_space<vmem>> -> memref<1x26x64xf32, #tpu.memory_space<vmem>>
    %dma_wait3A_394 = tpu.memref_squeeze %dma_wait3A_393 : memref<1x26x64xf32, #tpu.memory_space<vmem>> -> memref<26x64xf32, #tpu.memory_space<vmem>>
    %dma_wait3A_395 = arith.constant 0 : i32
    %dma_wait3A_396 = arith.constant 0 : i32
    %dma_wait3A_397 = tpu.memref_slice %arg4[%add3A_389, %dma_wait3A_395, %dma_wait3A_396] : memref<16384x32x128xf32, #tpu.memory_space<hbm>> -> memref<1x26x64xf32, #tpu.memory_space<hbm>>
    %dma_wait3A_398 = tpu.memref_squeeze %dma_wait3A_397 : memref<1x26x64xf32, #tpu.memory_space<hbm>> -> memref<26x64xf32, #tpu.memory_space<hbm>>
    %dma_wait3A_399 = arith.constant 0 : i32
    %dma_wait3A_400 = arith.constant 0 : i32
    %dma_wait3A_401 = tpu.memref_slice %arg4[%add3A_389, %dma_wait3A_399, %dma_wait3A_400] : memref<16384x32x128xf32, #tpu.memory_space<hbm>> -> memref<1x26x64xf32, #tpu.memory_space<hbm>>
    %dma_wait3A_402 = tpu.memref_squeeze %dma_wait3A_401 : memref<1x26x64xf32, #tpu.memory_space<hbm>> -> memref<26x64xf32, #tpu.memory_space<hbm>>
    %dma_wait3A_403 = arith.constant 78 : i32
    %dma_wait3A_404 = arith.constant 0 : i32
    %dma_wait3A_405 = tpu.memref_slice %arg6[%dma_wait3A_390, %dma_wait3A_403, %dma_wait3A_404] : memref<8x104x64xf32, #tpu.memory_space<vmem>> -> memref<1x26x64xf32, #tpu.memory_space<vmem>>
    %dma_wait3A_406 = tpu.memref_squeeze %dma_wait3A_405 : memref<1x26x64xf32, #tpu.memory_space<vmem>> -> memref<26x64xf32, #tpu.memory_space<vmem>>
    tpu.wait_dma2 semaphore(%arg18 : memref<!tpu.dma_semaphore, #tpu.memory_space<semaphore_mem>>) src(%dma_wait3A_406 : memref<26x64xf32, #tpu.memory_space<vmem>>) dst(%dma_wait3A_402 : memref<26x64xf32, #tpu.memory_space<hbm>>)
    %add3A_407 = arith.constant 0 : i32
    %add3A_408 = arith.addi %mul3A_2, %add3A_407 : i32
    %dma_wait3A_409 = arith.constant 4 : i32
    %dma_wait3A_410 = arith.constant 0 : i32
    %dma_wait3A_411 = arith.constant 0 : i32
    %dma_wait3A_412 = tpu.memref_slice %arg6[%dma_wait3A_409, %dma_wait3A_410, %dma_wait3A_411] : memref<8x104x64xf32, #tpu.memory_space<vmem>> -> memref<1x26x64xf32, #tpu.memory_space<vmem>>
    %dma_wait3A_413 = tpu.memref_squeeze %dma_wait3A_412 : memref<1x26x64xf32, #tpu.memory_space<vmem>> -> memref<26x64xf32, #tpu.memory_space<vmem>>
    %dma_wait3A_414 = arith.constant 0 : i32
    %dma_wait3A_415 = arith.constant 0 : i32
    %dma_wait3A_416 = tpu.memref_slice %arg4[%add3A_408, %dma_wait3A_414, %dma_wait3A_415] : memref<16384x32x128xf32, #tpu.memory_space<hbm>> -> memref<1x26x64xf32, #tpu.memory_space<hbm>>
    %dma_wait3A_417 = tpu.memref_squeeze %dma_wait3A_416 : memref<1x26x64xf32, #tpu.memory_space<hbm>> -> memref<26x64xf32, #tpu.memory_space<hbm>>
    %dma_wait3A_418 = arith.constant 0 : i32
    %dma_wait3A_419 = arith.constant 0 : i32
    %dma_wait3A_420 = tpu.memref_slice %arg4[%add3A_408, %dma_wait3A_418, %dma_wait3A_419] : memref<16384x32x128xf32, #tpu.memory_space<hbm>> -> memref<1x26x64xf32, #tpu.memory_space<hbm>>
    %dma_wait3A_421 = tpu.memref_squeeze %dma_wait3A_420 : memref<1x26x64xf32, #tpu.memory_space<hbm>> -> memref<26x64xf32, #tpu.memory_space<hbm>>
    %dma_wait3A_422 = arith.constant 0 : i32
    %dma_wait3A_423 = arith.constant 0 : i32
    %dma_wait3A_424 = tpu.memref_slice %arg6[%dma_wait3A_409, %dma_wait3A_422, %dma_wait3A_423] : memref<8x104x64xf32, #tpu.memory_space<vmem>> -> memref<1x26x64xf32, #tpu.memory_space<vmem>>
    %dma_wait3A_425 = tpu.memref_squeeze %dma_wait3A_424 : memref<1x26x64xf32, #tpu.memory_space<vmem>> -> memref<26x64xf32, #tpu.memory_space<vmem>>
    tpu.wait_dma2 semaphore(%arg19 : memref<!tpu.dma_semaphore, #tpu.memory_space<semaphore_mem>>) src(%dma_wait3A_425 : memref<26x64xf32, #tpu.memory_space<vmem>>) dst(%dma_wait3A_421 : memref<26x64xf32, #tpu.memory_space<hbm>>)
    %add3A_426 = arith.constant 1 : i32
    %add3A_427 = arith.addi %mul3A_2, %add3A_426 : i32
    %dma_wait3A_428 = arith.constant 4 : i32
    %dma_wait3A_429 = arith.constant 26 : i32
    %dma_wait3A_430 = arith.constant 0 : i32
    %dma_wait3A_431 = tpu.memref_slice %arg6[%dma_wait3A_428, %dma_wait3A_429, %dma_wait3A_430] : memref<8x104x64xf32, #tpu.memory_space<vmem>> -> memref<1x26x64xf32, #tpu.memory_space<vmem>>
    %dma_wait3A_432 = tpu.memref_squeeze %dma_wait3A_431 : memref<1x26x64xf32, #tpu.memory_space<vmem>> -> memref<26x64xf32, #tpu.memory_space<vmem>>
    %dma_wait3A_433 = arith.constant 0 : i32
    %dma_wait3A_434 = arith.constant 0 : i32
    %dma_wait3A_435 = tpu.memref_slice %arg4[%add3A_427, %dma_wait3A_433, %dma_wait3A_434] : memref<16384x32x128xf32, #tpu.memory_space<hbm>> -> memref<1x26x64xf32, #tpu.memory_space<hbm>>
    %dma_wait3A_436 = tpu.memref_squeeze %dma_wait3A_435 : memref<1x26x64xf32, #tpu.memory_space<hbm>> -> memref<26x64xf32, #tpu.memory_space<hbm>>
    %dma_wait3A_437 = arith.constant 0 : i32
    %dma_wait3A_438 = arith.constant 0 : i32
    %dma_wait3A_439 = tpu.memref_slice %arg4[%add3A_427, %dma_wait3A_437, %dma_wait3A_438] : memref<16384x32x128xf32, #tpu.memory_space<hbm>> -> memref<1x26x64xf32, #tpu.memory_space<hbm>>
    %dma_wait3A_440 = tpu.memref_squeeze %dma_wait3A_439 : memref<1x26x64xf32, #tpu.memory_space<hbm>> -> memref<26x64xf32, #tpu.memory_space<hbm>>
    %dma_wait3A_441 = arith.constant 26 : i32
    %dma_wait3A_442 = arith.constant 0 : i32
    %dma_wait3A_443 = tpu.memref_slice %arg6[%dma_wait3A_428, %dma_wait3A_441, %dma_wait3A_442] : memref<8x104x64xf32, #tpu.memory_space<vmem>> -> memref<1x26x64xf32, #tpu.memory_space<vmem>>
    %dma_wait3A_444 = tpu.memref_squeeze %dma_wait3A_443 : memref<1x26x64xf32, #tpu.memory_space<vmem>> -> memref<26x64xf32, #tpu.memory_space<vmem>>
    tpu.wait_dma2 semaphore(%arg19 : memref<!tpu.dma_semaphore, #tpu.memory_space<semaphore_mem>>) src(%dma_wait3A_444 : memref<26x64xf32, #tpu.memory_space<vmem>>) dst(%dma_wait3A_440 : memref<26x64xf32, #tpu.memory_space<hbm>>)
    %add3A_445 = arith.constant 2 : i32
    %add3A_446 = arith.addi %mul3A_2, %add3A_445 : i32
    %dma_wait3A_447 = arith.constant 4 : i32
    %dma_wait3A_448 = arith.constant 52 : i32
    %dma_wait3A_449 = arith.constant 0 : i32
    %dma_wait3A_450 = tpu.memref_slice %arg6[%dma_wait3A_447, %dma_wait3A_448, %dma_wait3A_449] : memref<8x104x64xf32, #tpu.memory_space<vmem>> -> memref<1x26x64xf32, #tpu.memory_space<vmem>>
    %dma_wait3A_451 = tpu.memref_squeeze %dma_wait3A_450 : memref<1x26x64xf32, #tpu.memory_space<vmem>> -> memref<26x64xf32, #tpu.memory_space<vmem>>
    %dma_wait3A_452 = arith.constant 0 : i32
    %dma_wait3A_453 = arith.constant 0 : i32
    %dma_wait3A_454 = tpu.memref_slice %arg4[%add3A_446, %dma_wait3A_452, %dma_wait3A_453] : memref<16384x32x128xf32, #tpu.memory_space<hbm>> -> memref<1x26x64xf32, #tpu.memory_space<hbm>>
    %dma_wait3A_455 = tpu.memref_squeeze %dma_wait3A_454 : memref<1x26x64xf32, #tpu.memory_space<hbm>> -> memref<26x64xf32, #tpu.memory_space<hbm>>
    %dma_wait3A_456 = arith.constant 0 : i32
    %dma_wait3A_457 = arith.constant 0 : i32
    %dma_wait3A_458 = tpu.memref_slice %arg4[%add3A_446, %dma_wait3A_456, %dma_wait3A_457] : memref<16384x32x128xf32, #tpu.memory_space<hbm>> -> memref<1x26x64xf32, #tpu.memory_space<hbm>>
    %dma_wait3A_459 = tpu.memref_squeeze %dma_wait3A_458 : memref<1x26x64xf32, #tpu.memory_space<hbm>> -> memref<26x64xf32, #tpu.memory_space<hbm>>
    %dma_wait3A_460 = arith.constant 52 : i32
    %dma_wait3A_461 = arith.constant 0 : i32
    %dma_wait3A_462 = tpu.memref_slice %arg6[%dma_wait3A_447, %dma_wait3A_460, %dma_wait3A_461] : memref<8x104x64xf32, #tpu.memory_space<vmem>> -> memref<1x26x64xf32, #tpu.memory_space<vmem>>
    %dma_wait3A_463 = tpu.memref_squeeze %dma_wait3A_462 : memref<1x26x64xf32, #tpu.memory_space<vmem>> -> memref<26x64xf32, #tpu.memory_space<vmem>>
    tpu.wait_dma2 semaphore(%arg19 : memref<!tpu.dma_semaphore, #tpu.memory_space<semaphore_mem>>) src(%dma_wait3A_463 : memref<26x64xf32, #tpu.memory_space<vmem>>) dst(%dma_wait3A_459 : memref<26x64xf32, #tpu.memory_space<hbm>>)
    %add3A_464 = arith.constant 3 : i32
    %add3A_465 = arith.addi %mul3A_2, %add3A_464 : i32
    %dma_wait3A_466 = arith.constant 4 : i32
    %dma_wait3A_467 = arith.constant 78 : i32
    %dma_wait3A_468 = arith.constant 0 : i32
    %dma_wait3A_469 = tpu.memref_slice %arg6[%dma_wait3A_466, %dma_wait3A_467, %dma_wait3A_468] : memref<8x104x64xf32, #tpu.memory_space<vmem>> -> memref<1x26x64xf32, #tpu.memory_space<vmem>>
    %dma_wait3A_470 = tpu.memref_squeeze %dma_wait3A_469 : memref<1x26x64xf32, #tpu.memory_space<vmem>> -> memref<26x64xf32, #tpu.memory_space<vmem>>
    %dma_wait3A_471 = arith.constant 0 : i32
    %dma_wait3A_472 = arith.constant 0 : i32
    %dma_wait3A_473 = tpu.memref_slice %arg4[%add3A_465, %dma_wait3A_471, %dma_wait3A_472] : memref<16384x32x128xf32, #tpu.memory_space<hbm>> -> memref<1x26x64xf32, #tpu.memory_space<hbm>>
    %dma_wait3A_474 = tpu.memref_squeeze %dma_wait3A_473 : memref<1x26x64xf32, #tpu.memory_space<hbm>> -> memref<26x64xf32, #tpu.memory_space<hbm>>
    %dma_wait3A_475 = arith.constant 0 : i32
    %dma_wait3A_476 = arith.constant 0 : i32
    %dma_wait3A_477 = tpu.memref_slice %arg4[%add3A_465, %dma_wait3A_475, %dma_wait3A_476] : memref<16384x32x128xf32, #tpu.memory_space<hbm>> -> memref<1x26x64xf32, #tpu.memory_space<hbm>>
    %dma_wait3A_478 = tpu.memref_squeeze %dma_wait3A_477 : memref<1x26x64xf32, #tpu.memory_space<hbm>> -> memref<26x64xf32, #tpu.memory_space<hbm>>
    %dma_wait3A_479 = arith.constant 78 : i32
    %dma_wait3A_480 = arith.constant 0 : i32
    %dma_wait3A_481 = tpu.memref_slice %arg6[%dma_wait3A_466, %dma_wait3A_479, %dma_wait3A_480] : memref<8x104x64xf32, #tpu.memory_space<vmem>> -> memref<1x26x64xf32, #tpu.memory_space<vmem>>
    %dma_wait3A_482 = tpu.memref_squeeze %dma_wait3A_481 : memref<1x26x64xf32, #tpu.memory_space<vmem>> -> memref<26x64xf32, #tpu.memory_space<vmem>>
    tpu.wait_dma2 semaphore(%arg19 : memref<!tpu.dma_semaphore, #tpu.memory_space<semaphore_mem>>) src(%dma_wait3A_482 : memref<26x64xf32, #tpu.memory_space<vmem>>) dst(%dma_wait3A_478 : memref<26x64xf32, #tpu.memory_space<hbm>>)
    %add3A_483 = arith.constant 0 : i32
    %add3A_484 = arith.addi %mul3A_2, %add3A_483 : i32
    %dma_wait3A_485 = arith.constant 5 : i32
    %dma_wait3A_486 = arith.constant 0 : i32
    %dma_wait3A_487 = arith.constant 0 : i32
    %dma_wait3A_488 = tpu.memref_slice %arg6[%dma_wait3A_485, %dma_wait3A_486, %dma_wait3A_487] : memref<8x104x64xf32, #tpu.memory_space<vmem>> -> memref<1x26x64xf32, #tpu.memory_space<vmem>>
    %dma_wait3A_489 = tpu.memref_squeeze %dma_wait3A_488 : memref<1x26x64xf32, #tpu.memory_space<vmem>> -> memref<26x64xf32, #tpu.memory_space<vmem>>
    %dma_wait3A_490 = arith.constant 0 : i32
    %dma_wait3A_491 = arith.constant 0 : i32
    %dma_wait3A_492 = tpu.memref_slice %arg4[%add3A_484, %dma_wait3A_490, %dma_wait3A_491] : memref<16384x32x128xf32, #tpu.memory_space<hbm>> -> memref<1x26x64xf32, #tpu.memory_space<hbm>>
    %dma_wait3A_493 = tpu.memref_squeeze %dma_wait3A_492 : memref<1x26x64xf32, #tpu.memory_space<hbm>> -> memref<26x64xf32, #tpu.memory_space<hbm>>
    %dma_wait3A_494 = arith.constant 0 : i32
    %dma_wait3A_495 = arith.constant 0 : i32
    %dma_wait3A_496 = tpu.memref_slice %arg4[%add3A_484, %dma_wait3A_494, %dma_wait3A_495] : memref<16384x32x128xf32, #tpu.memory_space<hbm>> -> memref<1x26x64xf32, #tpu.memory_space<hbm>>
    %dma_wait3A_497 = tpu.memref_squeeze %dma_wait3A_496 : memref<1x26x64xf32, #tpu.memory_space<hbm>> -> memref<26x64xf32, #tpu.memory_space<hbm>>
    %dma_wait3A_498 = arith.constant 0 : i32
    %dma_wait3A_499 = arith.constant 0 : i32
    %dma_wait3A_500 = tpu.memref_slice %arg6[%dma_wait3A_485, %dma_wait3A_498, %dma_wait3A_499] : memref<8x104x64xf32, #tpu.memory_space<vmem>> -> memref<1x26x64xf32, #tpu.memory_space<vmem>>
    %dma_wait3A_501 = tpu.memref_squeeze %dma_wait3A_500 : memref<1x26x64xf32, #tpu.memory_space<vmem>> -> memref<26x64xf32, #tpu.memory_space<vmem>>
    tpu.wait_dma2 semaphore(%arg20 : memref<!tpu.dma_semaphore, #tpu.memory_space<semaphore_mem>>) src(%dma_wait3A_501 : memref<26x64xf32, #tpu.memory_space<vmem>>) dst(%dma_wait3A_497 : memref<26x64xf32, #tpu.memory_space<hbm>>)
    %add3A_502 = arith.constant 1 : i32
    %add3A_503 = arith.addi %mul3A_2, %add3A_502 : i32
    %dma_wait3A_504 = arith.constant 5 : i32
    %dma_wait3A_505 = arith.constant 26 : i32
    %dma_wait3A_506 = arith.constant 0 : i32
    %dma_wait3A_507 = tpu.memref_slice %arg6[%dma_wait3A_504, %dma_wait3A_505, %dma_wait3A_506] : memref<8x104x64xf32, #tpu.memory_space<vmem>> -> memref<1x26x64xf32, #tpu.memory_space<vmem>>
    %dma_wait3A_508 = tpu.memref_squeeze %dma_wait3A_507 : memref<1x26x64xf32, #tpu.memory_space<vmem>> -> memref<26x64xf32, #tpu.memory_space<vmem>>
    %dma_wait3A_509 = arith.constant 0 : i32
    %dma_wait3A_510 = arith.constant 0 : i32
    %dma_wait3A_511 = tpu.memref_slice %arg4[%add3A_503, %dma_wait3A_509, %dma_wait3A_510] : memref<16384x32x128xf32, #tpu.memory_space<hbm>> -> memref<1x26x64xf32, #tpu.memory_space<hbm>>
    %dma_wait3A_512 = tpu.memref_squeeze %dma_wait3A_511 : memref<1x26x64xf32, #tpu.memory_space<hbm>> -> memref<26x64xf32, #tpu.memory_space<hbm>>
    %dma_wait3A_513 = arith.constant 0 : i32
    %dma_wait3A_514 = arith.constant 0 : i32
    %dma_wait3A_515 = tpu.memref_slice %arg4[%add3A_503, %dma_wait3A_513, %dma_wait3A_514] : memref<16384x32x128xf32, #tpu.memory_space<hbm>> -> memref<1x26x64xf32, #tpu.memory_space<hbm>>
    %dma_wait3A_516 = tpu.memref_squeeze %dma_wait3A_515 : memref<1x26x64xf32, #tpu.memory_space<hbm>> -> memref<26x64xf32, #tpu.memory_space<hbm>>
    %dma_wait3A_517 = arith.constant 26 : i32
    %dma_wait3A_518 = arith.constant 0 : i32
    %dma_wait3A_519 = tpu.memref_slice %arg6[%dma_wait3A_504, %dma_wait3A_517, %dma_wait3A_518] : memref<8x104x64xf32, #tpu.memory_space<vmem>> -> memref<1x26x64xf32, #tpu.memory_space<vmem>>
    %dma_wait3A_520 = tpu.memref_squeeze %dma_wait3A_519 : memref<1x26x64xf32, #tpu.memory_space<vmem>> -> memref<26x64xf32, #tpu.memory_space<vmem>>
    tpu.wait_dma2 semaphore(%arg20 : memref<!tpu.dma_semaphore, #tpu.memory_space<semaphore_mem>>) src(%dma_wait3A_520 : memref<26x64xf32, #tpu.memory_space<vmem>>) dst(%dma_wait3A_516 : memref<26x64xf32, #tpu.memory_space<hbm>>)
    %add3A_521 = arith.constant 2 : i32
    %add3A_522 = arith.addi %mul3A_2, %add3A_521 : i32
    %dma_wait3A_523 = arith.constant 5 : i32
    %dma_wait3A_524 = arith.constant 52 : i32
    %dma_wait3A_525 = arith.constant 0 : i32
    %dma_wait3A_526 = tpu.memref_slice %arg6[%dma_wait3A_523, %dma_wait3A_524, %dma_wait3A_525] : memref<8x104x64xf32, #tpu.memory_space<vmem>> -> memref<1x26x64xf32, #tpu.memory_space<vmem>>
    %dma_wait3A_527 = tpu.memref_squeeze %dma_wait3A_526 : memref<1x26x64xf32, #tpu.memory_space<vmem>> -> memref<26x64xf32, #tpu.memory_space<vmem>>
    %dma_wait3A_528 = arith.constant 0 : i32
    %dma_wait3A_529 = arith.constant 0 : i32
    %dma_wait3A_530 = tpu.memref_slice %arg4[%add3A_522, %dma_wait3A_528, %dma_wait3A_529] : memref<16384x32x128xf32, #tpu.memory_space<hbm>> -> memref<1x26x64xf32, #tpu.memory_space<hbm>>
    %dma_wait3A_531 = tpu.memref_squeeze %dma_wait3A_530 : memref<1x26x64xf32, #tpu.memory_space<hbm>> -> memref<26x64xf32, #tpu.memory_space<hbm>>
    %dma_wait3A_532 = arith.constant 0 : i32
    %dma_wait3A_533 = arith.constant 0 : i32
    %dma_wait3A_534 = tpu.memref_slice %arg4[%add3A_522, %dma_wait3A_532, %dma_wait3A_533] : memref<16384x32x128xf32, #tpu.memory_space<hbm>> -> memref<1x26x64xf32, #tpu.memory_space<hbm>>
    %dma_wait3A_535 = tpu.memref_squeeze %dma_wait3A_534 : memref<1x26x64xf32, #tpu.memory_space<hbm>> -> memref<26x64xf32, #tpu.memory_space<hbm>>
    %dma_wait3A_536 = arith.constant 52 : i32
    %dma_wait3A_537 = arith.constant 0 : i32
    %dma_wait3A_538 = tpu.memref_slice %arg6[%dma_wait3A_523, %dma_wait3A_536, %dma_wait3A_537] : memref<8x104x64xf32, #tpu.memory_space<vmem>> -> memref<1x26x64xf32, #tpu.memory_space<vmem>>
    %dma_wait3A_539 = tpu.memref_squeeze %dma_wait3A_538 : memref<1x26x64xf32, #tpu.memory_space<vmem>> -> memref<26x64xf32, #tpu.memory_space<vmem>>
    tpu.wait_dma2 semaphore(%arg20 : memref<!tpu.dma_semaphore, #tpu.memory_space<semaphore_mem>>) src(%dma_wait3A_539 : memref<26x64xf32, #tpu.memory_space<vmem>>) dst(%dma_wait3A_535 : memref<26x64xf32, #tpu.memory_space<hbm>>)
    %add3A_540 = arith.constant 3 : i32
    %add3A_541 = arith.addi %mul3A_2, %add3A_540 : i32
    %dma_wait3A_542 = arith.constant 5 : i32
    %dma_wait3A_543 = arith.constant 78 : i32
    %dma_wait3A_544 = arith.constant 0 : i32
    %dma_wait3A_545 = tpu.memref_slice %arg6[%dma_wait3A_542, %dma_wait3A_543, %dma_wait3A_544] : memref<8x104x64xf32, #tpu.memory_space<vmem>> -> memref<1x26x64xf32, #tpu.memory_space<vmem>>
    %dma_wait3A_546 = tpu.memref_squeeze %dma_wait3A_545 : memref<1x26x64xf32, #tpu.memory_space<vmem>> -> memref<26x64xf32, #tpu.memory_space<vmem>>
    %dma_wait3A_547 = arith.constant 0 : i32
    %dma_wait3A_548 = arith.constant 0 : i32
    %dma_wait3A_549 = tpu.memref_slice %arg4[%add3A_541, %dma_wait3A_547, %dma_wait3A_548] : memref<16384x32x128xf32, #tpu.memory_space<hbm>> -> memref<1x26x64xf32, #tpu.memory_space<hbm>>
    %dma_wait3A_550 = tpu.memref_squeeze %dma_wait3A_549 : memref<1x26x64xf32, #tpu.memory_space<hbm>> -> memref<26x64xf32, #tpu.memory_space<hbm>>
    %dma_wait3A_551 = arith.constant 0 : i32
    %dma_wait3A_552 = arith.constant 0 : i32
    %dma_wait3A_553 = tpu.memref_slice %arg4[%add3A_541, %dma_wait3A_551, %dma_wait3A_552] : memref<16384x32x128xf32, #tpu.memory_space<hbm>> -> memref<1x26x64xf32, #tpu.memory_space<hbm>>
    %dma_wait3A_554 = tpu.memref_squeeze %dma_wait3A_553 : memref<1x26x64xf32, #tpu.memory_space<hbm>> -> memref<26x64xf32, #tpu.memory_space<hbm>>
    %dma_wait3A_555 = arith.constant 78 : i32
    %dma_wait3A_556 = arith.constant 0 : i32
    %dma_wait3A_557 = tpu.memref_slice %arg6[%dma_wait3A_542, %dma_wait3A_555, %dma_wait3A_556] : memref<8x104x64xf32, #tpu.memory_space<vmem>> -> memref<1x26x64xf32, #tpu.memory_space<vmem>>
    %dma_wait3A_558 = tpu.memref_squeeze %dma_wait3A_557 : memref<1x26x64xf32, #tpu.memory_space<vmem>> -> memref<26x64xf32, #tpu.memory_space<vmem>>
    tpu.wait_dma2 semaphore(%arg20 : memref<!tpu.dma_semaphore, #tpu.memory_space<semaphore_mem>>) src(%dma_wait3A_558 : memref<26x64xf32, #tpu.memory_space<vmem>>) dst(%dma_wait3A_554 : memref<26x64xf32, #tpu.memory_space<hbm>>)
    %add3A_559 = arith.constant 0 : i32
    %add3A_560 = arith.addi %mul3A_2, %add3A_559 : i32
    %dma_wait3A_561 = arith.constant 6 : i32
    %dma_wait3A_562 = arith.constant 0 : i32
    %dma_wait3A_563 = arith.constant 0 : i32
    %dma_wait3A_564 = tpu.memref_slice %arg6[%dma_wait3A_561, %dma_wait3A_562, %dma_wait3A_563] : memref<8x104x64xf32, #tpu.memory_space<vmem>> -> memref<1x26x64xf32, #tpu.memory_space<vmem>>
    %dma_wait3A_565 = tpu.memref_squeeze %dma_wait3A_564 : memref<1x26x64xf32, #tpu.memory_space<vmem>> -> memref<26x64xf32, #tpu.memory_space<vmem>>
    %dma_wait3A_566 = arith.constant 0 : i32
    %dma_wait3A_567 = arith.constant 0 : i32
    %dma_wait3A_568 = tpu.memref_slice %arg4[%add3A_560, %dma_wait3A_566, %dma_wait3A_567] : memref<16384x32x128xf32, #tpu.memory_space<hbm>> -> memref<1x26x64xf32, #tpu.memory_space<hbm>>
    %dma_wait3A_569 = tpu.memref_squeeze %dma_wait3A_568 : memref<1x26x64xf32, #tpu.memory_space<hbm>> -> memref<26x64xf32, #tpu.memory_space<hbm>>
    %dma_wait3A_570 = arith.constant 0 : i32
    %dma_wait3A_571 = arith.constant 0 : i32
    %dma_wait3A_572 = tpu.memref_slice %arg4[%add3A_560, %dma_wait3A_570, %dma_wait3A_571] : memref<16384x32x128xf32, #tpu.memory_space<hbm>> -> memref<1x26x64xf32, #tpu.memory_space<hbm>>
    %dma_wait3A_573 = tpu.memref_squeeze %dma_wait3A_572 : memref<1x26x64xf32, #tpu.memory_space<hbm>> -> memref<26x64xf32, #tpu.memory_space<hbm>>
    %dma_wait3A_574 = arith.constant 0 : i32
    %dma_wait3A_575 = arith.constant 0 : i32
    %dma_wait3A_576 = tpu.memref_slice %arg6[%dma_wait3A_561, %dma_wait3A_574, %dma_wait3A_575] : memref<8x104x64xf32, #tpu.memory_space<vmem>> -> memref<1x26x64xf32, #tpu.memory_space<vmem>>
    %dma_wait3A_577 = tpu.memref_squeeze %dma_wait3A_576 : memref<1x26x64xf32, #tpu.memory_space<vmem>> -> memref<26x64xf32, #tpu.memory_space<vmem>>
    tpu.wait_dma2 semaphore(%arg21 : memref<!tpu.dma_semaphore, #tpu.memory_space<semaphore_mem>>) src(%dma_wait3A_577 : memref<26x64xf32, #tpu.memory_space<vmem>>) dst(%dma_wait3A_573 : memref<26x64xf32, #tpu.memory_space<hbm>>)
    %add3A_578 = arith.constant 1 : i32
    %add3A_579 = arith.addi %mul3A_2, %add3A_578 : i32
    %dma_wait3A_580 = arith.constant 6 : i32
    %dma_wait3A_581 = arith.constant 26 : i32
    %dma_wait3A_582 = arith.constant 0 : i32
    %dma_wait3A_583 = tpu.memref_slice %arg6[%dma_wait3A_580, %dma_wait3A_581, %dma_wait3A_582] : memref<8x104x64xf32, #tpu.memory_space<vmem>> -> memref<1x26x64xf32, #tpu.memory_space<vmem>>
    %dma_wait3A_584 = tpu.memref_squeeze %dma_wait3A_583 : memref<1x26x64xf32, #tpu.memory_space<vmem>> -> memref<26x64xf32, #tpu.memory_space<vmem>>
    %dma_wait3A_585 = arith.constant 0 : i32
    %dma_wait3A_586 = arith.constant 0 : i32
    %dma_wait3A_587 = tpu.memref_slice %arg4[%add3A_579, %dma_wait3A_585, %dma_wait3A_586] : memref<16384x32x128xf32, #tpu.memory_space<hbm>> -> memref<1x26x64xf32, #tpu.memory_space<hbm>>
    %dma_wait3A_588 = tpu.memref_squeeze %dma_wait3A_587 : memref<1x26x64xf32, #tpu.memory_space<hbm>> -> memref<26x64xf32, #tpu.memory_space<hbm>>
    %dma_wait3A_589 = arith.constant 0 : i32
    %dma_wait3A_590 = arith.constant 0 : i32
    %dma_wait3A_591 = tpu.memref_slice %arg4[%add3A_579, %dma_wait3A_589, %dma_wait3A_590] : memref<16384x32x128xf32, #tpu.memory_space<hbm>> -> memref<1x26x64xf32, #tpu.memory_space<hbm>>
    %dma_wait3A_592 = tpu.memref_squeeze %dma_wait3A_591 : memref<1x26x64xf32, #tpu.memory_space<hbm>> -> memref<26x64xf32, #tpu.memory_space<hbm>>
    %dma_wait3A_593 = arith.constant 26 : i32
    %dma_wait3A_594 = arith.constant 0 : i32
    %dma_wait3A_595 = tpu.memref_slice %arg6[%dma_wait3A_580, %dma_wait3A_593, %dma_wait3A_594] : memref<8x104x64xf32, #tpu.memory_space<vmem>> -> memref<1x26x64xf32, #tpu.memory_space<vmem>>
    %dma_wait3A_596 = tpu.memref_squeeze %dma_wait3A_595 : memref<1x26x64xf32, #tpu.memory_space<vmem>> -> memref<26x64xf32, #tpu.memory_space<vmem>>
    tpu.wait_dma2 semaphore(%arg21 : memref<!tpu.dma_semaphore, #tpu.memory_space<semaphore_mem>>) src(%dma_wait3A_596 : memref<26x64xf32, #tpu.memory_space<vmem>>) dst(%dma_wait3A_592 : memref<26x64xf32, #tpu.memory_space<hbm>>)
    %add3A_597 = arith.constant 2 : i32
    %add3A_598 = arith.addi %mul3A_2, %add3A_597 : i32
    %dma_wait3A_599 = arith.constant 6 : i32
    %dma_wait3A_600 = arith.constant 52 : i32
    %dma_wait3A_601 = arith.constant 0 : i32
    %dma_wait3A_602 = tpu.memref_slice %arg6[%dma_wait3A_599, %dma_wait3A_600, %dma_wait3A_601] : memref<8x104x64xf32, #tpu.memory_space<vmem>> -> memref<1x26x64xf32, #tpu.memory_space<vmem>>
    %dma_wait3A_603 = tpu.memref_squeeze %dma_wait3A_602 : memref<1x26x64xf32, #tpu.memory_space<vmem>> -> memref<26x64xf32, #tpu.memory_space<vmem>>
    %dma_wait3A_604 = arith.constant 0 : i32
    %dma_wait3A_605 = arith.constant 0 : i32
    %dma_wait3A_606 = tpu.memref_slice %arg4[%add3A_598, %dma_wait3A_604, %dma_wait3A_605] : memref<16384x32x128xf32, #tpu.memory_space<hbm>> -> memref<1x26x64xf32, #tpu.memory_space<hbm>>
    %dma_wait3A_607 = tpu.memref_squeeze %dma_wait3A_606 : memref<1x26x64xf32, #tpu.memory_space<hbm>> -> memref<26x64xf32, #tpu.memory_space<hbm>>
    %dma_wait3A_608 = arith.constant 0 : i32
    %dma_wait3A_609 = arith.constant 0 : i32
    %dma_wait3A_610 = tpu.memref_slice %arg4[%add3A_598, %dma_wait3A_608, %dma_wait3A_609] : memref<16384x32x128xf32, #tpu.memory_space<hbm>> -> memref<1x26x64xf32, #tpu.memory_space<hbm>>
    %dma_wait3A_611 = tpu.memref_squeeze %dma_wait3A_610 : memref<1x26x64xf32, #tpu.memory_space<hbm>> -> memref<26x64xf32, #tpu.memory_space<hbm>>
    %dma_wait3A_612 = arith.constant 52 : i32
    %dma_wait3A_613 = arith.constant 0 : i32
    %dma_wait3A_614 = tpu.memref_slice %arg6[%dma_wait3A_599, %dma_wait3A_612, %dma_wait3A_613] : memref<8x104x64xf32, #tpu.memory_space<vmem>> -> memref<1x26x64xf32, #tpu.memory_space<vmem>>
    %dma_wait3A_615 = tpu.memref_squeeze %dma_wait3A_614 : memref<1x26x64xf32, #tpu.memory_space<vmem>> -> memref<26x64xf32, #tpu.memory_space<vmem>>
    tpu.wait_dma2 semaphore(%arg21 : memref<!tpu.dma_semaphore, #tpu.memory_space<semaphore_mem>>) src(%dma_wait3A_615 : memref<26x64xf32, #tpu.memory_space<vmem>>) dst(%dma_wait3A_611 : memref<26x64xf32, #tpu.memory_space<hbm>>)
    %add3A_616 = arith.constant 3 : i32
    %add3A_617 = arith.addi %mul3A_2, %add3A_616 : i32
    %dma_wait3A_618 = arith.constant 6 : i32
    %dma_wait3A_619 = arith.constant 78 : i32
    %dma_wait3A_620 = arith.constant 0 : i32
    %dma_wait3A_621 = tpu.memref_slice %arg6[%dma_wait3A_618, %dma_wait3A_619, %dma_wait3A_620] : memref<8x104x64xf32, #tpu.memory_space<vmem>> -> memref<1x26x64xf32, #tpu.memory_space<vmem>>
    %dma_wait3A_622 = tpu.memref_squeeze %dma_wait3A_621 : memref<1x26x64xf32, #tpu.memory_space<vmem>> -> memref<26x64xf32, #tpu.memory_space<vmem>>
    %dma_wait3A_623 = arith.constant 0 : i32
    %dma_wait3A_624 = arith.constant 0 : i32
    %dma_wait3A_625 = tpu.memref_slice %arg4[%add3A_617, %dma_wait3A_623, %dma_wait3A_624] : memref<16384x32x128xf32, #tpu.memory_space<hbm>> -> memref<1x26x64xf32, #tpu.memory_space<hbm>>
    %dma_wait3A_626 = tpu.memref_squeeze %dma_wait3A_625 : memref<1x26x64xf32, #tpu.memory_space<hbm>> -> memref<26x64xf32, #tpu.memory_space<hbm>>
    %dma_wait3A_627 = arith.constant 0 : i32
    %dma_wait3A_628 = arith.constant 0 : i32
    %dma_wait3A_629 = tpu.memref_slice %arg4[%add3A_617, %dma_wait3A_627, %dma_wait3A_628] : memref<16384x32x128xf32, #tpu.memory_space<hbm>> -> memref<1x26x64xf32, #tpu.memory_space<hbm>>
    %dma_wait3A_630 = tpu.memref_squeeze %dma_wait3A_629 : memref<1x26x64xf32, #tpu.memory_space<hbm>> -> memref<26x64xf32, #tpu.memory_space<hbm>>
    %dma_wait3A_631 = arith.constant 78 : i32
    %dma_wait3A_632 = arith.constant 0 : i32
    %dma_wait3A_633 = tpu.memref_slice %arg6[%dma_wait3A_618, %dma_wait3A_631, %dma_wait3A_632] : memref<8x104x64xf32, #tpu.memory_space<vmem>> -> memref<1x26x64xf32, #tpu.memory_space<vmem>>
    %dma_wait3A_634 = tpu.memref_squeeze %dma_wait3A_633 : memref<1x26x64xf32, #tpu.memory_space<vmem>> -> memref<26x64xf32, #tpu.memory_space<vmem>>
    tpu.wait_dma2 semaphore(%arg21 : memref<!tpu.dma_semaphore, #tpu.memory_space<semaphore_mem>>) src(%dma_wait3A_634 : memref<26x64xf32, #tpu.memory_space<vmem>>) dst(%dma_wait3A_630 : memref<26x64xf32, #tpu.memory_space<hbm>>)
    %add3A_635 = arith.constant 0 : i32
    %add3A_636 = arith.addi %mul3A_2, %add3A_635 : i32
    %dma_wait3A_637 = arith.constant 7 : i32
    %dma_wait3A_638 = arith.constant 0 : i32
    %dma_wait3A_639 = arith.constant 0 : i32
    %dma_wait3A_640 = tpu.memref_slice %arg6[%dma_wait3A_637, %dma_wait3A_638, %dma_wait3A_639] : memref<8x104x64xf32, #tpu.memory_space<vmem>> -> memref<1x26x64xf32, #tpu.memory_space<vmem>>
    %dma_wait3A_641 = tpu.memref_squeeze %dma_wait3A_640 : memref<1x26x64xf32, #tpu.memory_space<vmem>> -> memref<26x64xf32, #tpu.memory_space<vmem>>
    %dma_wait3A_642 = arith.constant 0 : i32
    %dma_wait3A_643 = arith.constant 0 : i32
    %dma_wait3A_644 = tpu.memref_slice %arg4[%add3A_636, %dma_wait3A_642, %dma_wait3A_643] : memref<16384x32x128xf32, #tpu.memory_space<hbm>> -> memref<1x26x64xf32, #tpu.memory_space<hbm>>
    %dma_wait3A_645 = tpu.memref_squeeze %dma_wait3A_644 : memref<1x26x64xf32, #tpu.memory_space<hbm>> -> memref<26x64xf32, #tpu.memory_space<hbm>>
    %dma_wait3A_646 = arith.constant 0 : i32
    %dma_wait3A_647 = arith.constant 0 : i32
    %dma_wait3A_648 = tpu.memref_slice %arg4[%add3A_636, %dma_wait3A_646, %dma_wait3A_647] : memref<16384x32x128xf32, #tpu.memory_space<hbm>> -> memref<1x26x64xf32, #tpu.memory_space<hbm>>
    %dma_wait3A_649 = tpu.memref_squeeze %dma_wait3A_648 : memref<1x26x64xf32, #tpu.memory_space<hbm>> -> memref<26x64xf32, #tpu.memory_space<hbm>>
    %dma_wait3A_650 = arith.constant 0 : i32
    %dma_wait3A_651 = arith.constant 0 : i32
    %dma_wait3A_652 = tpu.memref_slice %arg6[%dma_wait3A_637, %dma_wait3A_650, %dma_wait3A_651] : memref<8x104x64xf32, #tpu.memory_space<vmem>> -> memref<1x26x64xf32, #tpu.memory_space<vmem>>
    %dma_wait3A_653 = tpu.memref_squeeze %dma_wait3A_652 : memref<1x26x64xf32, #tpu.memory_space<vmem>> -> memref<26x64xf32, #tpu.memory_space<vmem>>
    tpu.wait_dma2 semaphore(%arg22 : memref<!tpu.dma_semaphore, #tpu.memory_space<semaphore_mem>>) src(%dma_wait3A_653 : memref<26x64xf32, #tpu.memory_space<vmem>>) dst(%dma_wait3A_649 : memref<26x64xf32, #tpu.memory_space<hbm>>)
    %add3A_654 = arith.constant 1 : i32
    %add3A_655 = arith.addi %mul3A_2, %add3A_654 : i32
    %dma_wait3A_656 = arith.constant 7 : i32
    %dma_wait3A_657 = arith.constant 26 : i32
    %dma_wait3A_658 = arith.constant 0 : i32
    %dma_wait3A_659 = tpu.memref_slice %arg6[%dma_wait3A_656, %dma_wait3A_657, %dma_wait3A_658] : memref<8x104x64xf32, #tpu.memory_space<vmem>> -> memref<1x26x64xf32, #tpu.memory_space<vmem>>
    %dma_wait3A_660 = tpu.memref_squeeze %dma_wait3A_659 : memref<1x26x64xf32, #tpu.memory_space<vmem>> -> memref<26x64xf32, #tpu.memory_space<vmem>>
    %dma_wait3A_661 = arith.constant 0 : i32
    %dma_wait3A_662 = arith.constant 0 : i32
    %dma_wait3A_663 = tpu.memref_slice %arg4[%add3A_655, %dma_wait3A_661, %dma_wait3A_662] : memref<16384x32x128xf32, #tpu.memory_space<hbm>> -> memref<1x26x64xf32, #tpu.memory_space<hbm>>
    %dma_wait3A_664 = tpu.memref_squeeze %dma_wait3A_663 : memref<1x26x64xf32, #tpu.memory_space<hbm>> -> memref<26x64xf32, #tpu.memory_space<hbm>>
    %dma_wait3A_665 = arith.constant 0 : i32
    %dma_wait3A_666 = arith.constant 0 : i32
    %dma_wait3A_667 = tpu.memref_slice %arg4[%add3A_655, %dma_wait3A_665, %dma_wait3A_666] : memref<16384x32x128xf32, #tpu.memory_space<hbm>> -> memref<1x26x64xf32, #tpu.memory_space<hbm>>
    %dma_wait3A_668 = tpu.memref_squeeze %dma_wait3A_667 : memref<1x26x64xf32, #tpu.memory_space<hbm>> -> memref<26x64xf32, #tpu.memory_space<hbm>>
    %dma_wait3A_669 = arith.constant 26 : i32
    %dma_wait3A_670 = arith.constant 0 : i32
    %dma_wait3A_671 = tpu.memref_slice %arg6[%dma_wait3A_656, %dma_wait3A_669, %dma_wait3A_670] : memref<8x104x64xf32, #tpu.memory_space<vmem>> -> memref<1x26x64xf32, #tpu.memory_space<vmem>>
    %dma_wait3A_672 = tpu.memref_squeeze %dma_wait3A_671 : memref<1x26x64xf32, #tpu.memory_space<vmem>> -> memref<26x64xf32, #tpu.memory_space<vmem>>
    tpu.wait_dma2 semaphore(%arg22 : memref<!tpu.dma_semaphore, #tpu.memory_space<semaphore_mem>>) src(%dma_wait3A_672 : memref<26x64xf32, #tpu.memory_space<vmem>>) dst(%dma_wait3A_668 : memref<26x64xf32, #tpu.memory_space<hbm>>)
    %add3A_673 = arith.constant 2 : i32
    %add3A_674 = arith.addi %mul3A_2, %add3A_673 : i32
    %dma_wait3A_675 = arith.constant 7 : i32
    %dma_wait3A_676 = arith.constant 52 : i32
    %dma_wait3A_677 = arith.constant 0 : i32
    %dma_wait3A_678 = tpu.memref_slice %arg6[%dma_wait3A_675, %dma_wait3A_676, %dma_wait3A_677] : memref<8x104x64xf32, #tpu.memory_space<vmem>> -> memref<1x26x64xf32, #tpu.memory_space<vmem>>
    %dma_wait3A_679 = tpu.memref_squeeze %dma_wait3A_678 : memref<1x26x64xf32, #tpu.memory_space<vmem>> -> memref<26x64xf32, #tpu.memory_space<vmem>>
    %dma_wait3A_680 = arith.constant 0 : i32
    %dma_wait3A_681 = arith.constant 0 : i32
    %dma_wait3A_682 = tpu.memref_slice %arg4[%add3A_674, %dma_wait3A_680, %dma_wait3A_681] : memref<16384x32x128xf32, #tpu.memory_space<hbm>> -> memref<1x26x64xf32, #tpu.memory_space<hbm>>
    %dma_wait3A_683 = tpu.memref_squeeze %dma_wait3A_682 : memref<1x26x64xf32, #tpu.memory_space<hbm>> -> memref<26x64xf32, #tpu.memory_space<hbm>>
    %dma_wait3A_684 = arith.constant 0 : i32
    %dma_wait3A_685 = arith.constant 0 : i32
    %dma_wait3A_686 = tpu.memref_slice %arg4[%add3A_674, %dma_wait3A_684, %dma_wait3A_685] : memref<16384x32x128xf32, #tpu.memory_space<hbm>> -> memref<1x26x64xf32, #tpu.memory_space<hbm>>
    %dma_wait3A_687 = tpu.memref_squeeze %dma_wait3A_686 : memref<1x26x64xf32, #tpu.memory_space<hbm>> -> memref<26x64xf32, #tpu.memory_space<hbm>>
    %dma_wait3A_688 = arith.constant 52 : i32
    %dma_wait3A_689 = arith.constant 0 : i32
    %dma_wait3A_690 = tpu.memref_slice %arg6[%dma_wait3A_675, %dma_wait3A_688, %dma_wait3A_689] : memref<8x104x64xf32, #tpu.memory_space<vmem>> -> memref<1x26x64xf32, #tpu.memory_space<vmem>>
    %dma_wait3A_691 = tpu.memref_squeeze %dma_wait3A_690 : memref<1x26x64xf32, #tpu.memory_space<vmem>> -> memref<26x64xf32, #tpu.memory_space<vmem>>
    tpu.wait_dma2 semaphore(%arg22 : memref<!tpu.dma_semaphore, #tpu.memory_space<semaphore_mem>>) src(%dma_wait3A_691 : memref<26x64xf32, #tpu.memory_space<vmem>>) dst(%dma_wait3A_687 : memref<26x64xf32, #tpu.memory_space<hbm>>)
    %add3A_692 = arith.constant 3 : i32
    %add3A_693 = arith.addi %mul3A_2, %add3A_692 : i32
    %dma_wait3A_694 = arith.constant 7 : i32
    %dma_wait3A_695 = arith.constant 78 : i32
    %dma_wait3A_696 = arith.constant 0 : i32
    %dma_wait3A_697 = tpu.memref_slice %arg6[%dma_wait3A_694, %dma_wait3A_695, %dma_wait3A_696] : memref<8x104x64xf32, #tpu.memory_space<vmem>> -> memref<1x26x64xf32, #tpu.memory_space<vmem>>
    %dma_wait3A_698 = tpu.memref_squeeze %dma_wait3A_697 : memref<1x26x64xf32, #tpu.memory_space<vmem>> -> memref<26x64xf32, #tpu.memory_space<vmem>>
    %dma_wait3A_699 = arith.constant 0 : i32
    %dma_wait3A_700 = arith.constant 0 : i32
    %dma_wait3A_701 = tpu.memref_slice %arg4[%add3A_693, %dma_wait3A_699, %dma_wait3A_700] : memref<16384x32x128xf32, #tpu.memory_space<hbm>> -> memref<1x26x64xf32, #tpu.memory_space<hbm>>
    %dma_wait3A_702 = tpu.memref_squeeze %dma_wait3A_701 : memref<1x26x64xf32, #tpu.memory_space<hbm>> -> memref<26x64xf32, #tpu.memory_space<hbm>>
    %dma_wait3A_703 = arith.constant 0 : i32
    %dma_wait3A_704 = arith.constant 0 : i32
    %dma_wait3A_705 = tpu.memref_slice %arg4[%add3A_693, %dma_wait3A_703, %dma_wait3A_704] : memref<16384x32x128xf32, #tpu.memory_space<hbm>> -> memref<1x26x64xf32, #tpu.memory_space<hbm>>
    %dma_wait3A_706 = tpu.memref_squeeze %dma_wait3A_705 : memref<1x26x64xf32, #tpu.memory_space<hbm>> -> memref<26x64xf32, #tpu.memory_space<hbm>>
    %dma_wait3A_707 = arith.constant 78 : i32
    %dma_wait3A_708 = arith.constant 0 : i32
    %dma_wait3A_709 = tpu.memref_slice %arg6[%dma_wait3A_694, %dma_wait3A_707, %dma_wait3A_708] : memref<8x104x64xf32, #tpu.memory_space<vmem>> -> memref<1x26x64xf32, #tpu.memory_space<vmem>>
    %dma_wait3A_710 = tpu.memref_squeeze %dma_wait3A_709 : memref<1x26x64xf32, #tpu.memory_space<vmem>> -> memref<26x64xf32, #tpu.memory_space<vmem>>
    tpu.wait_dma2 semaphore(%arg22 : memref<!tpu.dma_semaphore, #tpu.memory_space<semaphore_mem>>) src(%dma_wait3A_710 : memref<26x64xf32, #tpu.memory_space<vmem>>) dst(%dma_wait3A_706 : memref<26x64xf32, #tpu.memory_space<hbm>>)
    return
  }
}

</mosaic_0001>

<sc_bundles>
// kernel: kernel.3.cloned.1.call-start
scs
__scs_entry_jumppad:
0x0: {  	(pc) =	sbr.rel $0x88, $3  }
0x1: {  	(tag) =	ssettag $0x0;
	lr =	simm.s32 $0x1  }
0x2: {  	[smem:$0x3F9F] =	sst lr;
	_ =	strace $0xD0000000  }
0x3: {  	_ = 	snop  }
0x4: {  	_ = 	snop  }
0x5: {  	_ = 	snop  }
0x6: {  	_ = 	snop  }
0x7: {  	_ = 	snop  }
__scs_overlays_trampoline_lowered:
0x8: {  	[smem:$0x3FAE] =	sst s0  }
0x9: {  	[smem:$0x3FAF] =	sst s1  }
0xa: {  	[smem:$0x3FB0] =	sst s2  }
0xb: {  	[smem:$0x3FB1] =	sst s3  }
0xc: {  	[smem:$0x3FB2] =	sst s4  }
0xd: {  	[smem:$0x3FB3] =	sst s5  }
0xe: {  	[smem:$0x3FB4] =	sst s6  }
0xf: {  	[smem:$0x3FB5] =	sst s7  }
0x10: {  	[smem:$0x3FB6] =	sst s8  }
0x11: {  	[smem:$0x3FB7] =	sst s9;
	s0 =	simm.s32 @!p0 $0x0  }
0x12: {  	s1 =	sld [smem:$0x3F9D];
	s0 =	simm.s32 @p0 $0x1  }
0x13: {  	[smem:$0x3FB8] =	sst s0;
	s0 =	simm.s32 @!p1 $0x0  }
0x14: {  	s2 =	sld [smem:$0x3F9C];
	s0 =	simm.s32 @p1 $0x1  }
0x15: {  	[smem:$0x3FB9] =	sst s0;
	s0 =	simm.s32 @!p2 $0x0  }
0x16: {  	s3 =	sld [smem:$0x3FDB];
	s0 =	simm.s32 @p2 $0x1  }
0x17: {  	s4 =	simm.s32 $0x1BF5;
	[smem:$0x3FBB] =	sst s0  }
0x18: {  	s0 =	sld [smem:$0x3F9E];
	_ =	swait.ge [sflag:s4], $0x0  }
0x19: {  	s7 =	sld [smem:$0x3F9F]  }
0x1a: {  	s8 =	sadd.s32 $0xFFFFE003, lr  }
0x1b: {  	s9 =	sadd.s32 $0xFFFFFEF7, lr;
	s5 =	simm.s32 $0xFFFFFFFF;
	p2 =	slt.u32 s8, $0xFFFFF086  }
0x1c: {  	p1 =	slt.u32 s9, $0xF7A;
	s5 =	simm.s32 @!p2 $0x0  }
0x1d: {  	s5 =	simm.s32 @p1 $0x1;
	p0 =	seq.s32 s7, s2  }
0x1e: {  	s7 =	smul.u32 @!p0 $0xF7A, s2;
	p2 =	seq.s32 @!p0 s5, $0x0  }
0x1f: {  	s9 =	smul.u32 $0xF7A, s1;
	s8 =	simm.s32 @!p0 $0x1BF5;
	p2 =	por !p2, p0  }
0x20: {  	[sflag:s8] =	ssyncset.s32 @!p0 $0xFFFFF086;
	s6 =	sadd.s32 @!p0 s3, s7;
	s7 =	simm.s32 @!p0 $0x108  }
0x21: {  	s3 =	sadd.s32 s3, s9;
	s6 =	sadd.s32 @!p0 $0x88, s6;
	s7 =	simm.s32 @p2 $0x1082  }
0x22: {  	[simem:s7], [sflag:s8] =	dma.local @!p0 [hbm:s6], $0xF7A  }
0x23: {  	s9 =	sor.u32 $0xD0000000, s2;
	s6 =	simm.s32 $0x108;
	_ =	swait.ge @!p0 [sflag:s8], $0x0  }
0x24: {  	s3 =	sadd.s32 $0x88, s3;
	s6 =	simm.s32 @!p1 $0x1082;
	[sflag:s4] =	ssyncset.s32 $0xFFFFF086  }
0x25: {  	[simem:s6], [sflag:s4] =	dma.local [hbm:s3], $0xF7A  }
0x26: {  	[smem:$0x3F9F] =	sst s1;
	(tag) =	ssettag s2;
	_ =	strace s9  }
0x27: {  	s1 =	sld [smem:$0x3FAF]  }
0x28: {  	s2 =	sld [smem:$0x3FB0]  }
0x29: {  	s4 =	sld [smem:$0x3FB2]  }
0x2a: {  	p0 =	seq.s32 s5, $0x0;
	s5 =	sld [smem:$0x3FB3]  }
0x2b: {  	s6 =	sld [smem:$0x3FB4]  }
0x2c: {  	s7 =	sld [smem:$0x3FB5]  }
0x2d: {  	s3 =	simm.s32 $0x108;
	s8 =	sld [smem:$0x3FB6]  }
0x2e: {  	s3 =	simm.s32 @!p0 $0x1082;
	s9 =	sld [smem:$0x3FB7]  }
0x2f: {  	lr =	sadd.s32 s0, s3;
	s0 =	sld [smem:$0x3FAE]  }
0x30: {  	s3 =	sld [smem:$0x3FB1]  }
0x31: {  	[smem:$0x3FBA] =	sst s10  }
0x32: {  	s10 =	sld [smem:$0x3FB8];
	_ =	sdelay $0x3  }
0x33: {  	p0 =	seq.s32 s10, $0x1;
	s10 =	sld [smem:$0x3FBA];
	_ =	sdelay $0x3  }
0x34: {  	[smem:$0x3FBA] =	sst s10  }
0x35: {  	s10 =	sld [smem:$0x3FB9];
	_ =	sdelay $0x3  }
0x36: {  	p1 =	seq.s32 s10, $0x1;
	s10 =	sld [smem:$0x3FBA];
	_ =	sdelay $0x3  }
0x37: {  	[smem:$0x3FBA] =	sst s10  }
0x38: {  	s10 =	sld [smem:$0x3FBB]  }
0x39: {  	_ = 	snop;
	(pc) =	sbr.ind lr, $3  }
0x3a: {  	_ = 	snop  }
0x3b: {  	_ = 	snop  }
0x3c: {  	p2 =	seq.s32 s10, $0x1;
	s10 =	sld [smem:$0x3FBA]  }
0x3d: {  	_ =	shalt  }
0x3e: {  	_ =	shalt  }
0x3f: {  	_ =	shalt  }
0x40: {  	_ =	shalt  }
0x41: {  	_ =	shalt  }
0x42: {  	_ =	shalt  }
0x43: {  	_ =	shalt  }
0x44: {  	_ =	shalt  }
0x45: {  	_ =	shalt  }
0x46: {  	_ =	shalt  }
0x47: {  	_ =	shalt  }
0x48: {  	_ =	shalt  }
0x49: {  	_ =	shalt  }
0x4a: {  	_ =	shalt  }
0x4b: {  	_ =	shalt  }
0x4c: {  	_ =	shalt  }
0x4d: {  	_ =	shalt  }
0x4e: {  	_ =	shalt  }
0x4f: {  	_ =	shalt  }
0x50: {  	_ =	shalt  }
0x51: {  	_ =	shalt  }
0x52: {  	_ =	shalt  }
0x53: {  	_ =	shalt  }
0x54: {  	_ =	shalt  }
0x55: {  	_ =	shalt  }
0x56: {  	_ =	shalt  }
0x57: {  	_ =	shalt  }
0x58: {  	_ =	shalt  }
0x59: {  	_ =	shalt  }
0x5a: {  	_ =	shalt  }
0x5b: {  	_ =	shalt  }
0x5c: {  	_ =	shalt  }
0x5d: {  	_ =	shalt  }
0x5e: {  	_ =	shalt  }
0x5f: {  	_ =	shalt  }
0x60: {  	_ =	shalt  }
0x61: {  	_ =	shalt  }
0x62: {  	_ =	shalt  }
0x63: {  	_ =	shalt  }
0x64: {  	_ =	shalt  }
0x65: {  	_ =	shalt  }
0x66: {  	_ =	shalt  }
0x67: {  	_ =	shalt  }
0x68: {  	_ =	shalt  }
0x69: {  	_ =	shalt  }
0x6a: {  	_ =	shalt  }
0x6b: {  	_ =	shalt  }
0x6c: {  	_ =	shalt  }
0x6d: {  	_ =	shalt  }
0x6e: {  	_ =	shalt  }
0x6f: {  	_ =	shalt  }
0x70: {  	_ =	shalt  }
0x71: {  	_ =	shalt  }
0x72: {  	_ =	shalt  }
0x73: {  	_ =	shalt  }
0x74: {  	_ =	shalt  }
0x75: {  	_ =	shalt  }
0x76: {  	_ =	shalt  }
0x77: {  	_ =	shalt  }
0x78: {  	_ =	shalt  }
0x79: {  	_ =	shalt  }
0x7a: {  	_ =	shalt  }
0x7b: {  	_ =	shalt  }
0x7c: {  	_ =	shalt  }
0x7d: {  	_ =	shalt  }
0x7e: {  	_ =	shalt  }
0x7f: {  	_ =	shalt  }
0x80: {  	_ =	shalt  }
0x81: {  	_ =	shalt  }
0x82: {  	_ =	shalt  }
0x83: {  	_ =	shalt  }
0x84: {  	_ =	shalt  }
0x85: {  	_ =	shalt  }
0x86: {  	_ =	shalt  }
0x87: {  	_ =	shalt  }
.Lfunc_end0:
.L_simem_size_0:
called_computation.1_lowered:
.L_overlay_start_0:
0x88: {  	s2 =	sld [smem:$0x3FD9]  }
0x89: {  	s3 =	sld [smem:$0x3FFE];
	_ =	sdelay $0x1  }
0x8a: {  	s1 =	srdreg.scid  }
0x8b: {  	s0 =	sand.u32 $0x1, s1  }
0x8c: {  	s17 =	sshll.u32 s0, $0xA;
	s2 =	sadd.s32 s3, s2  }
0x8d: {  	s2 =	sadd.s32 s2, s17  }
0x8e: {  	[smem:$0x3FC6] =	sst s2  }
0x8f: {  	_ = 	snop  }
0x90: {  	s2 =	sld [smem:$0x3FD0];
	(tm) =	ssettm $0x1  }
0x91: {  	s18 =	sld [smem:$0x3FFB];
	_ =	sdelay $0x3  }
0x92: {  	_ =	strace s18  }
0x93: {  	s3 =	sld [smem:$0x3FFC];
	_ =	sdelay $0x3  }
0x94: {  	_ =	strace s3  }
0x95: {  	s3 =	sld [smem:$0x3FFD];
	_ =	sdelay $0x3  }
0x96: {  	_ =	strace s3  }
0x97: {  	_ =	strace $0x8FFFFFFF  }
0x98: {  	s19 =	sld [smem:$0x3FDB];
	_ =	sdelay $0x1  }
0x99: {  	s4 =	simm.s32 $_scs_section_size  }
0x9a: {  	s5 =	simm.s32 $_size__tile_overlayer_lowered;
	s6 =	simm.s32 $_tile_overlayer_lowered  }
0x9b: {  	s22 =	simm.s32 $0x1BFF;
	s21 =	sshll.u32 s6, $0x1;
	s3 =	sadd.s32 s4, s19  }
0x9c: {  	s7 =	simm.s32 $0x0;
	s20 =	sshll.u32 s5, $0x1;
	s5 =	sadd.s32 s21, s3  }
0x9d: {  	[timem:s7], [sflag:s22] =	dma.local [hbm:s5], s20  }
0x9e: {  	_ =	swait.ge [sflag:s22], s20  }
0x9f: {  	s4 =	ssub.s32 $0x0, s20;
	[sflag:s22] =	ssyncset.done $0x0  }
0xa0: {  	[sflag:s22] =	ssyncadd.s32 s4;
	_ =	sdelay $0x1  }
0xa1: {  	s23 =	simm.s32 $0x1B8B  }
0xa2: {  	_ =	swait.ge [sflag:s23], $0x1  }
0xa3: {  	[sflag:s23] =	ssyncset.done $0x0  }
0xa4: {  	s25 =	simm.s32 $0x1B8E;
	s24 =	sld [smem:$0x3FFE];
	[sflag:s23] =	ssyncadd.s32 $0xFFFFFFFF  }
0xa5: {  	s26 =	simm.s32 $execute0_lowered;
	[smem:$0x3FD2] =	sst s25  }
0xa6: {  	s5 =	sshll.u32 s26, $0x1;
	_ =	strace $0x80000046;
	[dreg:$0x1] =	wrdreg $0xFFFFFFFF  }
0xa7: {  	s28 =	simm.s32 $_size_execute0_lowered;
	s3 =	sadd.s32 s3, s5;
	[dreg:$0x0] =	wrdreg $0x0  }
0xa8: {  	s5 =	sshll.u32 s28, $0x1;
	[dreg:$0x2] =	wrdreg s3  }
0xa9: {  	[dreg:$0x3] =	wrdreg s5  }
0xaa: {  	[dreg:$0x4] =	wrdreg $0xC0  }
0xab: {  	_ =	task [dreg:s7], $0x5FFFF  }
0xac: {  	[dreg:$0x1] =	wrdreg $0xFFFFFFFF  }
0xad: {  	[dreg:$0x0] =	wrdreg $0x60  }
0xae: {  	[dreg:$0x2] =	wrdreg s2  }
0xaf: {  	[dreg:$0x3] =	wrdreg s24  }
0xb0: {  	[dreg:$0x4] =	wrdreg $0x9  }
0xb1: {  	_ =	task.clear_ibuf [dreg:s7], $0x5FFFF;
	_ =	strace $0x90000046  }
0xb2: {  	s29 =	simm.s32 $0x9;
	_ =	strace $0x80000048  }
0xb3: {  	_ =	swait.ge [sflag:s29], $0x1  }
0xb4: {  	[sflag:s29] =	ssyncadd.s32 $0xFFFFFFFF  }
0xb5: {  	_ =	strace $0x90000048  }
0xb6: {  	_ =	sfence  }
0xb7: {  	s30 =	sld [smem:$0x0];
	_ =	sdelay $0x2  }
0xb8: {  	s31 =	sshll.u32 s1, $0xD;
	s1 =	sshrl.u32 s1, $0x2  }
0xb9: {  	s3 =	sand.u32 $0x4000, s31;
	s1 =	sadd.s32 s1, s30  }
0xba: {  	s0 =	sor.u32 s3, s0;
	s1 =	sshll.u32 s1, $0x11  }
0xbb: {  	s0 =	sor.u32 s1, s0  }
0xbc: {  	s0 =	sadd.s32 $0x8F2B, s0  }
0xbd: {  	[sflag:s0] =	ssyncadd.remote.s32 $0x1  }
0xbe: {  	_ =	sfence.sel $0xFFFF  }
0xbf: {  	[dreg:$0x0] =	wrdreg $0xFFFFFFFF;
	(pc) =	sbr.abs _section_cstart, $3  }
0xc0: {  	[dreg:$0x1] =	wrdreg $0xFFFFFFFF  }
0xc1: {  	_ =	task.clear_ibuf [dreg:s7], $0x2FFFF;
	_ =	strace $0x9FFFFFFF  }
0xc2: {  	(tm) =	ssettm $0x7FFFFFFF  }
0xc3: {  	_ =	shalt  }
tec
execute0_lowered:
.L_overlay_start_1:
0x0: {  	(tag) =	ssettag $0x1  }
0x1: {  	s0 =	rddreg [dreg:$0x0]  }
0x2: {  	s1 =	rddreg [dreg:$0x1];
	s2 =	simm.s32 $0x0;
	s17 =	srdreg.scid  }
0x3: {  	s7 =	stileid.u32;
	s15 =	simm.s32 $0x68;
	s16 =	simm.s32 $0x3400  }
0x4: {  	s13 =	simm.s32 $0x4E00;
	s28 =	simm.s32 $0xEA00;
	s14 =	simm.s32 $0x7  }
0x5: {  	s29 =	simm.s32 $0xB;
	s8 =	simm.s32 $0xE;
	s9 =	simm.s32 $0xF  }
0x6: {  	s10 =	simm.s32 $0x10;
	s12 =	simm.s32 $0x0;
	s31 =	simm.s32 $0xEA00  }
0x7: {  	s30 =	simm.s32 $0xD000;
	[smem:$0x7FF] =	sst s2;
	s2 =	sand.u32 $0x1, s17  }
0x8: {  	s4 =	sshll.u32 s7, $0x1;
	s3 =	sadd.s32 $0xF42E00, s1;
	s1 =	sadd.s32 $0xA00, s1  }
0x9: {  	s18 =	sshll.u32 s7, $0x13;
	s17 =	simm.s32 $0x6800;
	s4 =	sor.u32 s2, s4  }
0xa: {  	s7 =	simm.s32 $0xD;
	s5 =	ssub.s32 $0x2, s2;
	s4 =	smul.u32 $0x680, s4  }
0xb: {  	_ =	strace $0x80000047;
	s2 =	sshll.u32 s2, $0x12;
	s6 =	sshrl.u32 s5, $0x1  }
0xc: {  	s20 =	sor.u32 s2, s18;
	s5 =	ssub.s32 s5, s6;
	s0 =	sadd.s32 s0, s4  }
0xd: {  	s21 =	sadd.s32 s20, s1;
	s5 =	smax.u32 s5, $0x1;
	[dreg:$0x3] =	wrdreg s0  }
0xe: {  	s19 =	sadd.s32 s18, s1;
	s1 =	sadd.s32 $0x3800, s21;
	[dreg:$0x4] =	wrdreg s5  }
0xf: {  	s18 =	simm.s32 $0x9;
	s22 =	sadd.s32 $0x3000, s21;
	[dreg:$0x6] =	wrdreg s1  }
0x10: {  	s20 =	simm.s32 $0x4;
	s23 =	sadd.s32 $0x2800, s21;
	[dreg:$0x7] =	wrdreg s22  }
0x11: {  	s6 =	simm.s32 $0xC;
	s24 =	sadd.s32 $0x2000, s21;
	[dreg:$0x8] =	wrdreg s23  }
0x12: {  	s25 =	sadd.s32 $0x1800, s21;
	s26 =	sadd.s32 $0x1000, s21;
	[dreg:$0x9] =	wrdreg s24  }
0x13: {  	s4 =	simm.s32 $0x3;
	s0 =	sadd.s32 s2, s19;
	[dreg:$0xa] =	wrdreg s25  }
.Ltmp0:
0x14: {  	[dreg:$0xb] =	wrdreg s26;
	s19 =	simm.s32 $0x8200;
	(pc) =	sbr.rel .LBB2_1-.Ltmp0, $4  }
0x15: {  	s23 =	simm.s32 $0xB600;
	s25 =	simm.s32 $0xD000;
	s1 =	simm.s32 $0x80  }
0x16: {  	s2 =	simm.s32 $0x5;
	s22 =	simm.s32 $0x6;
	s5 =	simm.s32 $0x8  }
0x17: {  	s26 =	simm.s32 $0xA;
	[dreg:$0x5] =	wrdreg s0;
	s0 =	sadd.s32 $0x800, s21  }
0x18: {  	s21 =	simm.s32 $0x9C00;
	[dreg:$0xc] =	wrdreg s0;
	s0 =	simm.s32 $0x40  }
.LBB2_4:
0x19: {  	_ =	swait.ge [sflag:s26], $0x680  }
0x1a: {  	[sflag:s26] =	ssyncset.done $0x0  }
0x1b: {  	[sflag:s26] =	ssyncadd.s32 $0xFFFFF980  }
0x1c: {  	_ =	swait.ge [sflag:s26], $0x680  }
0x1d: {  	[sflag:s26] =	ssyncset.done $0x0  }
0x1e: {  	[sflag:s26] =	ssyncadd.s32 $0xFFFFF980  }
0x1f: {  	_ =	swait.ge [sflag:s26], $0x680  }
0x20: {  	[sflag:s26] =	ssyncset.done $0x0  }
0x21: {  	[sflag:s26] =	ssyncadd.s32 $0xFFFFF980  }
0x22: {  	_ =	swait.ge [sflag:s26], $0x680  }
0x23: {  	[sflag:s26] =	ssyncset.done $0x0  }
0x24: {  	[sflag:s26] =	ssyncadd.s32 $0xFFFFF980  }
0x25: {  	_ =	swait.ge [sflag:s29], $0x680  }
0x26: {  	[sflag:s29] =	ssyncset.done $0x0  }
0x27: {  	[sflag:s29] =	ssyncadd.s32 $0xFFFFF980  }
0x28: {  	_ =	swait.ge [sflag:s29], $0x680  }
0x29: {  	[sflag:s29] =	ssyncset.done $0x0  }
0x2a: {  	[sflag:s29] =	ssyncadd.s32 $0xFFFFF980  }
0x2b: {  	_ =	swait.ge [sflag:s29], $0x680  }
0x2c: {  	[sflag:s29] =	ssyncset.done $0x0  }
0x2d: {  	[sflag:s29] =	ssyncadd.s32 $0xFFFFF980  }
0x2e: {  	_ =	swait.ge [sflag:s29], $0x680  }
0x2f: {  	[sflag:s29] =	ssyncset.done $0x0  }
0x30: {  	[sflag:s29] =	ssyncadd.s32 $0xFFFFF980  }
0x31: {  	_ =	swait.ge [sflag:s6], $0x680  }
0x32: {  	[sflag:s6] =	ssyncset.done $0x0  }
0x33: {  	[sflag:s6] =	ssyncadd.s32 $0xFFFFF980  }
0x34: {  	_ =	swait.ge [sflag:s6], $0x680  }
0x35: {  	[sflag:s6] =	ssyncset.done $0x0  }
0x36: {  	[sflag:s6] =	ssyncadd.s32 $0xFFFFF980  }
0x37: {  	_ =	swait.ge [sflag:s6], $0x680  }
0x38: {  	[sflag:s6] =	ssyncset.done $0x0  }
0x39: {  	[sflag:s6] =	ssyncadd.s32 $0xFFFFF980  }
0x3a: {  	_ =	swait.ge [sflag:s6], $0x680  }
0x3b: {  	[sflag:s6] =	ssyncset.done $0x0  }
0x3c: {  	[sflag:s6] =	ssyncadd.s32 $0xFFFFF980  }
0x3d: {  	_ =	swait.ge [sflag:s7], $0x680  }
0x3e: {  	[sflag:s7] =	ssyncset.done $0x0  }
0x3f: {  	[sflag:s7] =	ssyncadd.s32 $0xFFFFF980  }
0x40: {  	_ =	swait.ge [sflag:s7], $0x680  }
0x41: {  	[sflag:s7] =	ssyncset.done $0x0  }
0x42: {  	[sflag:s7] =	ssyncadd.s32 $0xFFFFF980  }
0x43: {  	_ =	swait.ge [sflag:s7], $0x680  }
0x44: {  	[sflag:s7] =	ssyncset.done $0x0  }
0x45: {  	[sflag:s7] =	ssyncadd.s32 $0xFFFFF980  }
0x46: {  	_ =	swait.ge [sflag:s7], $0x680  }
0x47: {  	[sflag:s7] =	ssyncset.done $0x0  }
0x48: {  	[sflag:s7] =	ssyncadd.s32 $0xFFFFF980  }
0x49: {  	_ =	swait.ge [sflag:s8], $0x680  }
0x4a: {  	[sflag:s8] =	ssyncset.done $0x0  }
0x4b: {  	[sflag:s8] =	ssyncadd.s32 $0xFFFFF980  }
0x4c: {  	_ =	swait.ge [sflag:s8], $0x680  }
0x4d: {  	[sflag:s8] =	ssyncset.done $0x0  }
0x4e: {  	[sflag:s8] =	ssyncadd.s32 $0xFFFFF980  }
0x4f: {  	_ =	swait.ge [sflag:s8], $0x680  }
0x50: {  	[sflag:s8] =	ssyncset.done $0x0  }
0x51: {  	[sflag:s8] =	ssyncadd.s32 $0xFFFFF980  }
0x52: {  	_ =	swait.ge [sflag:s8], $0x680  }
0x53: {  	[sflag:s8] =	ssyncset.done $0x0  }
0x54: {  	[sflag:s8] =	ssyncadd.s32 $0xFFFFF980  }
0x55: {  	_ =	swait.ge [sflag:s9], $0x680  }
0x56: {  	[sflag:s9] =	ssyncset.done $0x0  }
0x57: {  	[sflag:s9] =	ssyncadd.s32 $0xFFFFF980  }
0x58: {  	_ =	swait.ge [sflag:s9], $0x680  }
0x59: {  	[sflag:s9] =	ssyncset.done $0x0  }
0x5a: {  	[sflag:s9] =	ssyncadd.s32 $0xFFFFF980  }
0x5b: {  	_ =	swait.ge [sflag:s9], $0x680  }
0x5c: {  	[sflag:s9] =	ssyncset.done $0x0  }
0x5d: {  	[sflag:s9] =	ssyncadd.s32 $0xFFFFF980  }
0x5e: {  	_ =	swait.ge [sflag:s9], $0x680  }
0x5f: {  	[sflag:s9] =	ssyncset.done $0x0  }
0x60: {  	[sflag:s9] =	ssyncadd.s32 $0xFFFFF980  }
0x61: {  	_ =	swait.ge [sflag:s10], $0x680  }
0x62: {  	[sflag:s10] =	ssyncset.done $0x0  }
0x63: {  	[sflag:s10] =	ssyncadd.s32 $0xFFFFF980  }
0x64: {  	_ =	swait.ge [sflag:s10], $0x680  }
0x65: {  	[sflag:s10] =	ssyncset.done $0x0  }
0x66: {  	[sflag:s10] =	ssyncadd.s32 $0xFFFFF980  }
0x67: {  	_ =	swait.ge [sflag:s10], $0x680  }
0x68: {  	[sflag:s10] =	ssyncset.done $0x0  }
0x69: {  	[sflag:s10] =	ssyncadd.s32 $0xFFFFF980  }
0x6a: {  	_ =	swait.ge [sflag:s10], $0x680  }
0x6b: {  	s12 =	rddreg [dreg:$0xd]  }
0x6c: {  	s11 =	rddreg [dreg:$0x4];
	s12 =	sadd.s32 $0x1, s12  }
0x6d: {  	p0 =	sne.s32 s12, s11  }
.Ltmp1:
0x6e: {  	_ = 	snop;
	(pc) =	sbr.rel @!p0 .LBB2_5-.Ltmp1, $4  }
0x6f: {  	s16 =	simm.s32 $0x3400  }
0x70: {  	s13 =	simm.s32 $0x4E00;
	s17 =	simm.s32 $0x6800;
	s19 =	simm.s32 $0x8200  }
0x71: {  	s21 =	simm.s32 $0x9C00;
	s23 =	simm.s32 $0xB600;
	[sflag:s10] =	ssyncset.done $0x0  }
0x72: {  	s25 =	simm.s32 $0xD000;
	s28 =	simm.s32 $0xEA00;
	[sflag:s10] =	ssyncadd.s32 $0xFFFFF980  }
.LBB2_1:
0x73: {  	s11 =	simm.s32 $0x0;
	s24 =	rddreg [dreg:$0x3]  }
0x74: {  	[tilespmem:s11], [sflag:$0x11] =	stream.linear.gather [hbm4b:s24+s11], $0x3400, $0x38;
	[tilespmem:$0x10400] =	vst v63  }
0x75: {  	[dreg:$0xd] =	wrdreg s12;
	s24 =	simm.s32 $0x11  }
0x76: {  	_ =	swait.ge [sflag:s24], $0x3400  }
0x77: {  	[sflag:s24] =	ssyncset.done $0x0  }
0x78: {  	[sflag:s24] =	ssyncadd.s32 $0xFFFFCC00  }
0x79: {  	[tilespmem:s16], [sflag:$0x1] =	stream.indirect.gather [hbm4b:s3+s15], $0x40, s11, s15, $0xb8;
	[tilespmem:$0x10400] =	vst v63  }
0x7a: {  	_ = 	snop  }
0x7b: {  	[tilespmem:s13], [sflag:$0x2] =	stream.indirect.gather [hbm4b:s3+s15], $0x40, s15, s15, $0xb8;
	[tilespmem:$0x10400] =	vst v63  }
0x7c: {  	s13 =	simm.s32 $0xD0  }
0x7d: {  	[tilespmem:s17], [sflag:$0x3] =	stream.indirect.gather [hbm4b:s3+s15], $0x40, s13, s15, $0xb8;
	[tilespmem:$0x10400] =	vst v63  }
0x7e: {  	s17 =	simm.s32 $0x138  }
0x7f: {  	[tilespmem:s19], [sflag:$0x4] =	stream.indirect.gather [hbm4b:s3+s15], $0x40, s17, s15, $0xb8;
	[tilespmem:$0x10400] =	vst v63  }
0x80: {  	s19 =	simm.s32 $0x1A0  }
0x81: {  	[tilespmem:s21], [sflag:$0x5] =	stream.indirect.gather [hbm4b:s3+s15], $0x40, s19, s15, $0xb8;
	[tilespmem:$0x10400] =	vst v63  }
0x82: {  	s21 =	simm.s32 $0x208  }
0x83: {  	[tilespmem:s23], [sflag:$0x6] =	stream.indirect.gather [hbm4b:s3+s15], $0x40, s21, s15, $0xb8;
	[tilespmem:$0x10400] =	vst v63  }
0x84: {  	s12 =	simm.s32 $0x0;
	s24 =	simm.s32 $0x270;
	s11 =	simm.s32 $0x618  }
0x85: {  	[tilespmem:s25], [sflag:$0x7] =	stream.indirect.gather [hbm4b:s3+s15], $0x40, s24, s15, $0xb8;
	[tilespmem:$0x10400] =	vst v63  }
0x86: {  	s19 =	simm.s32 $0x4E00;
	s23 =	simm.s32 $0x8200;
	s25 =	simm.s32 $0x2D8  }
0x87: {  	[tilespmem:s28], [sflag:$0x8] =	stream.indirect.gather [hbm4b:s3+s15], $0x40, s25, s15, $0xb8;
	[tilespmem:$0x10400] =	vst v63  }
0x88: {  	s21 =	simm.s32 $0x6800;
	s28 =	simm.s32 $0xB600;
	s25 =	simm.s32 $0x9C00  }
.LBB2_2:
0x89: {  	s13 =	simm.s32 $0x1  }
0x8a: {  	_ =	swait.ge [sflag:s13], $0x1A00  }
0x8b: {  	[sflag:s13] =	ssyncset.done $0x0;
	s17 =	rddreg [dreg:$0x5]  }
0x8c: {  	[sflag:s13] =	ssyncadd.s32 $0xFFFFE600;
	s13 =	sadd.s32 s12, s17  }
0x8d: {  	[hbm4b:s13+s0] =	stream.strided.scatter [tilespmem:s16], [sflag:$0x9], $0x680, s1, s0, $0x38;
	[tilespmem:$0x10400] =	vst v63  }
0x8e: {  	s24 =	simm.s32 $0x3A80;
	s16 =	sadd.s32 $0x200, s13  }
0x8f: {  	[hbm4b:s16+s0] =	stream.strided.scatter [tilespmem:s24], [sflag:$0x9], $0x680, s1, s0, $0x38;
	[tilespmem:$0x10400] =	vst v63  }
0x90: {  	s16 =	sadd.s32 $0x400, s13;
	s24 =	simm.s32 $0x4100  }
0x91: {  	[hbm4b:s16+s0] =	stream.strided.scatter [tilespmem:s24], [sflag:$0x9], $0x680, s1, s0, $0x38;
	[tilespmem:$0x10400] =	vst v63  }
0x92: {  	s13 =	sadd.s32 $0x600, s13;
	s24 =	simm.s32 $0x4780  }
0x93: {  	[hbm4b:s13+s0] =	stream.strided.scatter [tilespmem:s24], [sflag:$0x9], $0x680, s1, s0, $0x38;
	[tilespmem:$0x10400] =	vst v63  }
0x94: {  	s24 =	simm.s32 $0x2  }
0x95: {  	_ =	swait.ge [sflag:s24], $0x1A00  }
0x96: {  	[sflag:s24] =	ssyncset.done $0x0;
	s16 =	rddreg [dreg:$0xc]  }
0x97: {  	[sflag:s24] =	ssyncadd.s32 $0xFFFFE600;
	s13 =	sadd.s32 s12, s16  }
0x98: {  	[hbm4b:s13+s0] =	stream.strided.scatter [tilespmem:s19], [sflag:$0xA], $0x680, s1, s0, $0x38;
	[tilespmem:$0x10400] =	vst v63  }
0x99: {  	s24 =	simm.s32 $0x5480;
	s16 =	sadd.s32 $0x200, s13  }
0x9a: {  	[hbm4b:s16+s0] =	stream.strided.scatter [tilespmem:s24], [sflag:$0xA], $0x680, s1, s0, $0x38;
	[tilespmem:$0x10400] =	vst v63  }
0x9b: {  	s16 =	sadd.s32 $0x400, s13;
	s24 =	simm.s32 $0x5B00  }
0x9c: {  	[hbm4b:s16+s0] =	stream.strided.scatter [tilespmem:s24], [sflag:$0xA], $0x680, s1, s0, $0x38;
	[tilespmem:$0x10400] =	vst v63  }
0x9d: {  	s13 =	sadd.s32 $0x600, s13;
	s24 =	simm.s32 $0x6180  }
0x9e: {  	[hbm4b:s13+s0] =	stream.strided.scatter [tilespmem:s24], [sflag:$0xA], $0x680, s1, s0, $0x38;
	[tilespmem:$0x10400] =	vst v63  }
0x9f: {  	_ =	swait.ge [sflag:s4], $0x1A00  }
0xa0: {  	[sflag:s4] =	ssyncset.done $0x0;
	s16 =	rddreg [dreg:$0xb]  }
0xa1: {  	[sflag:s4] =	ssyncadd.s32 $0xFFFFE600;
	s13 =	sadd.s32 s12, s16  }
0xa2: {  	[hbm4b:s13+s0] =	stream.strided.scatter [tilespmem:s21], [sflag:$0xB], $0x680, s1, s0, $0x38;
	[tilespmem:$0x10400] =	vst v63  }
0xa3: {  	s24 =	simm.s32 $0x6E80;
	s16 =	sadd.s32 $0x200, s13  }
0xa4: {  	[hbm4b:s16+s0] =	stream.strided.scatter [tilespmem:s24], [sflag:$0xB], $0x680, s1, s0, $0x38;
	[tilespmem:$0x10400] =	vst v63  }
0xa5: {  	s16 =	sadd.s32 $0x400, s13;
	s24 =	simm.s32 $0x7500  }
0xa6: {  	[hbm4b:s16+s0] =	stream.strided.scatter [tilespmem:s24], [sflag:$0xB], $0x680, s1, s0, $0x38;
	[tilespmem:$0x10400] =	vst v63  }
0xa7: {  	s13 =	sadd.s32 $0x600, s13;
	s24 =	simm.s32 $0x7B80  }
0xa8: {  	[hbm4b:s13+s0] =	stream.strided.scatter [tilespmem:s24], [sflag:$0xB], $0x680, s1, s0, $0x38;
	[tilespmem:$0x10400] =	vst v63  }
0xa9: {  	_ =	swait.ge [sflag:s20], $0x1A00  }
0xaa: {  	[sflag:s20] =	ssyncset.done $0x0;
	s16 =	rddreg [dreg:$0xa]  }
0xab: {  	[sflag:s20] =	ssyncadd.s32 $0xFFFFE600;
	s13 =	sadd.s32 s12, s16  }
0xac: {  	[hbm4b:s13+s0] =	stream.strided.scatter [tilespmem:s23], [sflag:$0xC], $0x680, s1, s0, $0x38;
	[tilespmem:$0x10400] =	vst v63  }
0xad: {  	s24 =	simm.s32 $0x8880;
	s16 =	sadd.s32 $0x200, s13  }
0xae: {  	[hbm4b:s16+s0] =	stream.strided.scatter [tilespmem:s24], [sflag:$0xC], $0x680, s1, s0, $0x38;
	[tilespmem:$0x10400] =	vst v63  }
0xaf: {  	s16 =	sadd.s32 $0x400, s13;
	s24 =	simm.s32 $0x8F00  }
0xb0: {  	[hbm4b:s16+s0] =	stream.strided.scatter [tilespmem:s24], [sflag:$0xC], $0x680, s1, s0, $0x38;
	[tilespmem:$0x10400] =	vst v63  }
0xb1: {  	s13 =	sadd.s32 $0x600, s13;
	s24 =	simm.s32 $0x9580  }
0xb2: {  	[hbm4b:s13+s0] =	stream.strided.scatter [tilespmem:s24], [sflag:$0xC], $0x680, s1, s0, $0x38;
	[tilespmem:$0x10400] =	vst v63  }
0xb3: {  	_ =	swait.ge [sflag:s2], $0x1A00  }
0xb4: {  	[sflag:s2] =	ssyncset.done $0x0;
	s16 =	rddreg [dreg:$0x9]  }
0xb5: {  	[sflag:s2] =	ssyncadd.s32 $0xFFFFE600;
	s13 =	sadd.s32 s12, s16  }
0xb6: {  	[hbm4b:s13+s0] =	stream.strided.scatter [tilespmem:s25], [sflag:$0xD], $0x680, s1, s0, $0x38;
	[tilespmem:$0x10400] =	vst v63  }
0xb7: {  	s24 =	simm.s32 $0xA280;
	s16 =	sadd.s32 $0x200, s13  }
0xb8: {  	[hbm4b:s16+s0] =	stream.strided.scatter [tilespmem:s24], [sflag:$0xD], $0x680, s1, s0, $0x38;
	[tilespmem:$0x10400] =	vst v63  }
0xb9: {  	s16 =	sadd.s32 $0x400, s13;
	s24 =	simm.s32 $0xA900  }
0xba: {  	[hbm4b:s16+s0] =	stream.strided.scatter [tilespmem:s24], [sflag:$0xD], $0x680, s1, s0, $0x38;
	[tilespmem:$0x10400] =	vst v63  }
0xbb: {  	s13 =	sadd.s32 $0x600, s13;
	s24 =	simm.s32 $0xAF80  }
0xbc: {  	[hbm4b:s13+s0] =	stream.strided.scatter [tilespmem:s24], [sflag:$0xD], $0x680, s1, s0, $0x38;
	[tilespmem:$0x10400] =	vst v63  }
0xbd: {  	_ =	swait.ge [sflag:s22], $0x1A00  }
0xbe: {  	[sflag:s22] =	ssyncset.done $0x0;
	s16 =	rddreg [dreg:$0x8]  }
0xbf: {  	[sflag:s22] =	ssyncadd.s32 $0xFFFFE600;
	s13 =	sadd.s32 s12, s16  }
0xc0: {  	[hbm4b:s13+s0] =	stream.strided.scatter [tilespmem:s28], [sflag:$0xE], $0x680, s1, s0, $0x38;
	[tilespmem:$0x10400] =	vst v63  }
0xc1: {  	s24 =	simm.s32 $0xBC80;
	s16 =	sadd.s32 $0x200, s13  }
0xc2: {  	[hbm4b:s16+s0] =	stream.strided.scatter [tilespmem:s24], [sflag:$0xE], $0x680, s1, s0, $0x38;
	[tilespmem:$0x10400] =	vst v63  }
0xc3: {  	s16 =	sadd.s32 $0x400, s13;
	s24 =	simm.s32 $0xC300  }
0xc4: {  	[hbm4b:s16+s0] =	stream.strided.scatter [tilespmem:s24], [sflag:$0xE], $0x680, s1, s0, $0x38;
	[tilespmem:$0x10400] =	vst v63  }
0xc5: {  	s13 =	sadd.s32 $0x600, s13;
	s24 =	simm.s32 $0xC980  }
0xc6: {  	[hbm4b:s13+s0] =	stream.strided.scatter [tilespmem:s24], [sflag:$0xE], $0x680, s1, s0, $0x38;
	[tilespmem:$0x10400] =	vst v63  }
0xc7: {  	_ =	swait.ge [sflag:s14], $0x1A00  }
0xc8: {  	[sflag:s14] =	ssyncset.done $0x0;
	s16 =	rddreg [dreg:$0x7]  }
0xc9: {  	[sflag:s14] =	ssyncadd.s32 $0xFFFFE600;
	s13 =	sadd.s32 s12, s16  }
0xca: {  	[hbm4b:s13+s0] =	stream.strided.scatter [tilespmem:s30], [sflag:$0xF], $0x680, s1, s0, $0x38;
	[tilespmem:$0x10400] =	vst v63  }
0xcb: {  	s24 =	simm.s32 $0xD680;
	s16 =	sadd.s32 $0x200, s13  }
0xcc: {  	[hbm4b:s16+s0] =	stream.strided.scatter [tilespmem:s24], [sflag:$0xF], $0x680, s1, s0, $0x38;
	[tilespmem:$0x10400] =	vst v63  }
0xcd: {  	s16 =	sadd.s32 $0x400, s13;
	s24 =	simm.s32 $0xDD00  }
0xce: {  	[hbm4b:s16+s0] =	stream.strided.scatter [tilespmem:s24], [sflag:$0xF], $0x680, s1, s0, $0x38;
	[tilespmem:$0x10400] =	vst v63  }
0xcf: {  	s13 =	sadd.s32 $0x600, s13;
	s24 =	simm.s32 $0xE380  }
0xd0: {  	[hbm4b:s13+s0] =	stream.strided.scatter [tilespmem:s24], [sflag:$0xF], $0x680, s1, s0, $0x38;
	[tilespmem:$0x10400] =	vst v63  }
0xd1: {  	_ =	swait.ge [sflag:s5], $0x1A00  }
0xd2: {  	[sflag:s5] =	ssyncset.done $0x0;
	s16 =	rddreg [dreg:$0x6]  }
0xd3: {  	[sflag:s5] =	ssyncadd.s32 $0xFFFFE600;
	s13 =	sadd.s32 s12, s16  }
0xd4: {  	[hbm4b:s13+s0] =	stream.strided.scatter [tilespmem:s31], [sflag:$0x10], $0x680, s1, s0, $0x38;
	[tilespmem:$0x10400] =	vst v63  }
0xd5: {  	s24 =	simm.s32 $0xF080;
	s16 =	sadd.s32 $0x200, s13  }
0xd6: {  	[hbm4b:s16+s0] =	stream.strided.scatter [tilespmem:s24], [sflag:$0x10], $0x680, s1, s0, $0x38;
	[tilespmem:$0x10400] =	vst v63  }
0xd7: {  	s16 =	sadd.s32 $0x400, s13;
	s24 =	simm.s32 $0xF700  }
0xd8: {  	[hbm4b:s16+s0] =	stream.strided.scatter [tilespmem:s24], [sflag:$0x10], $0x680, s1, s0, $0x38;
	[tilespmem:$0x10400] =	vst v63  }
0xd9: {  	s13 =	sadd.s32 $0x600, s13;
	s24 =	simm.s32 $0xFD80  }
0xda: {  	[hbm4b:s13+s0] =	stream.strided.scatter [tilespmem:s24], [sflag:$0x10], $0x680, s1, s0, $0x38;
	[tilespmem:$0x10400] =	vst v63  }
0xdb: {  	_ =	swait.ge [sflag:s18], $0x680  }
0xdc: {  	[sflag:s18] =	ssyncset.done $0x0  }
0xdd: {  	[sflag:s18] =	ssyncadd.s32 $0xFFFFF980  }
0xde: {  	_ =	swait.ge [sflag:s18], $0x680  }
0xdf: {  	[sflag:s18] =	ssyncset.done $0x0  }
0xe0: {  	[sflag:s18] =	ssyncadd.s32 $0xFFFFF980  }
0xe1: {  	p0 =	seq.s32 s12, $0x3C000;
	_ =	swait.ge [sflag:s18], $0x680  }
.Ltmp2:
0xe2: {  	[sflag:s18] =	ssyncset.done $0x0;
	(pc) =	sbr.rel @p0 .LBB2_4-.Ltmp2, $4  }
0xe3: {  	[sflag:s18] =	ssyncadd.s32 $0xFFFFF980  }
0xe4: {  	_ =	swait.ge [sflag:s18], $0x680  }
0xe5: {  	[sflag:s18] =	ssyncset.done $0x0  }
0xe6: {  	s17 =	simm.s32 $0x3400;
	[sflag:s18] =	ssyncadd.s32 $0xFFFFF980  }
0xe7: {  	s13 =	sadd.s32 $0xFFFFFD28, s11  }
0xe8: {  	[tilespmem:s17], [sflag:$0x1] =	stream.indirect.gather [hbm4b:s3+s15], $0x40, s13, s15, $0xb8;
	[tilespmem:$0x10400] =	vst v63  }
0xe9: {  	_ =	swait.ge [sflag:s26], $0x680  }
0xea: {  	[sflag:s26] =	ssyncset.done $0x0  }
0xeb: {  	[sflag:s26] =	ssyncadd.s32 $0xFFFFF980  }
0xec: {  	_ =	swait.ge [sflag:s26], $0x680  }
0xed: {  	[sflag:s26] =	ssyncset.done $0x0  }
0xee: {  	[sflag:s26] =	ssyncadd.s32 $0xFFFFF980  }
0xef: {  	_ =	swait.ge [sflag:s26], $0x680  }
0xf0: {  	[sflag:s26] =	ssyncset.done $0x0  }
0xf1: {  	[sflag:s26] =	ssyncadd.s32 $0xFFFFF980  }
0xf2: {  	_ =	swait.ge [sflag:s26], $0x680  }
0xf3: {  	[sflag:s26] =	ssyncset.done $0x0  }
0xf4: {  	s16 =	sadd.s32 $0xFFFFFD90, s11;
	[sflag:s26] =	ssyncadd.s32 $0xFFFFF980  }
0xf5: {  	[tilespmem:s19], [sflag:$0x2] =	stream.indirect.gather [hbm4b:s3+s15], $0x40, s16, s15, $0xb8;
	[tilespmem:$0x10400] =	vst v63  }
0xf6: {  	_ =	swait.ge [sflag:s29], $0x680  }
0xf7: {  	[sflag:s29] =	ssyncset.done $0x0  }
0xf8: {  	[sflag:s29] =	ssyncadd.s32 $0xFFFFF980  }
0xf9: {  	_ =	swait.ge [sflag:s29], $0x680  }
0xfa: {  	[sflag:s29] =	ssyncset.done $0x0  }
0xfb: {  	[sflag:s29] =	ssyncadd.s32 $0xFFFFF980  }
0xfc: {  	_ =	swait.ge [sflag:s29], $0x680  }
0xfd: {  	[sflag:s29] =	ssyncset.done $0x0  }
0xfe: {  	[sflag:s29] =	ssyncadd.s32 $0xFFFFF980  }
0xff: {  	_ =	swait.ge [sflag:s29], $0x680  }
0x100: {  	[sflag:s29] =	ssyncset.done $0x0  }
0x101: {  	s17 =	sadd.s32 $0xFFFFFDF8, s11;
	[sflag:s29] =	ssyncadd.s32 $0xFFFFF980  }
0x102: {  	[tilespmem:s21], [sflag:$0x3] =	stream.indirect.gather [hbm4b:s3+s15], $0x40, s17, s15, $0xb8;
	[tilespmem:$0x10400] =	vst v63  }
0x103: {  	_ =	swait.ge [sflag:s6], $0x680  }
0x104: {  	[sflag:s6] =	ssyncset.done $0x0  }
0x105: {  	[sflag:s6] =	ssyncadd.s32 $0xFFFFF980  }
0x106: {  	_ =	swait.ge [sflag:s6], $0x680  }
0x107: {  	[sflag:s6] =	ssyncset.done $0x0  }
0x108: {  	[sflag:s6] =	ssyncadd.s32 $0xFFFFF980  }
0x109: {  	_ =	swait.ge [sflag:s6], $0x680  }
0x10a: {  	[sflag:s6] =	ssyncset.done $0x0  }
0x10b: {  	[sflag:s6] =	ssyncadd.s32 $0xFFFFF980  }
0x10c: {  	_ =	swait.ge [sflag:s6], $0x680  }
0x10d: {  	[sflag:s6] =	ssyncset.done $0x0  }
0x10e: {  	s24 =	sadd.s32 $0xFFFFFE60, s11;
	[sflag:s6] =	ssyncadd.s32 $0xFFFFF980  }
0x10f: {  	[tilespmem:s23], [sflag:$0x4] =	stream.indirect.gather [hbm4b:s3+s15], $0x40, s24, s15, $0xb8;
	[tilespmem:$0x10400] =	vst v63  }
0x110: {  	_ =	swait.ge [sflag:s7], $0x680  }
0x111: {  	[sflag:s7] =	ssyncset.done $0x0  }
0x112: {  	[sflag:s7] =	ssyncadd.s32 $0xFFFFF980  }
0x113: {  	_ =	swait.ge [sflag:s7], $0x680  }
0x114: {  	[sflag:s7] =	ssyncset.done $0x0  }
0x115: {  	[sflag:s7] =	ssyncadd.s32 $0xFFFFF980  }
0x116: {  	_ =	swait.ge [sflag:s7], $0x680  }
0x117: {  	[sflag:s7] =	ssyncset.done $0x0  }
0x118: {  	[sflag:s7] =	ssyncadd.s32 $0xFFFFF980  }
0x119: {  	_ =	swait.ge [sflag:s7], $0x680  }
0x11a: {  	[sflag:s7] =	ssyncset.done $0x0  }
0x11b: {  	s16 =	sadd.s32 $0xFFFFFEC8, s11;
	[sflag:s7] =	ssyncadd.s32 $0xFFFFF980  }
0x11c: {  	[tilespmem:s25], [sflag:$0x5] =	stream.indirect.gather [hbm4b:s3+s15], $0x40, s16, s15, $0xb8;
	[tilespmem:$0x10400] =	vst v63  }
0x11d: {  	_ =	swait.ge [sflag:s8], $0x680  }
0x11e: {  	[sflag:s8] =	ssyncset.done $0x0  }
0x11f: {  	[sflag:s8] =	ssyncadd.s32 $0xFFFFF980  }
0x120: {  	_ =	swait.ge [sflag:s8], $0x680  }
0x121: {  	[sflag:s8] =	ssyncset.done $0x0  }
0x122: {  	[sflag:s8] =	ssyncadd.s32 $0xFFFFF980  }
0x123: {  	_ =	swait.ge [sflag:s8], $0x680  }
0x124: {  	[sflag:s8] =	ssyncset.done $0x0  }
0x125: {  	[sflag:s8] =	ssyncadd.s32 $0xFFFFF980  }
0x126: {  	_ =	swait.ge [sflag:s8], $0x680  }
0x127: {  	[sflag:s8] =	ssyncset.done $0x0  }
0x128: {  	s17 =	sadd.s32 $0xFFFFFF30, s11;
	[sflag:s8] =	ssyncadd.s32 $0xFFFFF980  }
0x129: {  	[tilespmem:s28], [sflag:$0x6] =	stream.indirect.gather [hbm4b:s3+s15], $0x40, s17, s15, $0xb8;
	[tilespmem:$0x10400] =	vst v63  }
0x12a: {  	_ =	swait.ge [sflag:s9], $0x680  }
0x12b: {  	[sflag:s9] =	ssyncset.done $0x0  }
0x12c: {  	[sflag:s9] =	ssyncadd.s32 $0xFFFFF980  }
0x12d: {  	_ =	swait.ge [sflag:s9], $0x680  }
0x12e: {  	[sflag:s9] =	ssyncset.done $0x0  }
0x12f: {  	[sflag:s9] =	ssyncadd.s32 $0xFFFFF980  }
0x130: {  	_ =	swait.ge [sflag:s9], $0x680  }
0x131: {  	[sflag:s9] =	ssyncset.done $0x0  }
0x132: {  	[sflag:s9] =	ssyncadd.s32 $0xFFFFF980  }
0x133: {  	_ =	swait.ge [sflag:s9], $0x680  }
0x134: {  	[sflag:s9] =	ssyncset.done $0x0  }
0x135: {  	s24 =	sadd.s32 $0xFFFFFF98, s11;
	[sflag:s9] =	ssyncadd.s32 $0xFFFFF980  }
0x136: {  	[tilespmem:s30], [sflag:$0x7] =	stream.indirect.gather [hbm4b:s3+s15], $0x40, s24, s15, $0xb8;
	[tilespmem:$0x10400] =	vst v63  }
0x137: {  	_ =	swait.ge [sflag:s10], $0x680  }
0x138: {  	[sflag:s10] =	ssyncset.done $0x0  }
0x139: {  	[sflag:s10] =	ssyncadd.s32 $0xFFFFF980  }
0x13a: {  	_ =	swait.ge [sflag:s10], $0x680  }
0x13b: {  	[sflag:s10] =	ssyncset.done $0x0  }
0x13c: {  	[sflag:s10] =	ssyncadd.s32 $0xFFFFF980  }
0x13d: {  	_ =	swait.ge [sflag:s10], $0x680  }
0x13e: {  	[sflag:s10] =	ssyncset.done $0x0  }
0x13f: {  	[sflag:s10] =	ssyncadd.s32 $0xFFFFF980  }
.Ltmp3:
0x140: {  	_ =	swait.ge [sflag:s10], $0x680;
	(pc) =	sbr.rel .LBB2_2-.Ltmp3, $4  }
0x141: {  	[sflag:s10] =	ssyncset.done $0x0  }
0x142: {  	[sflag:s10] =	ssyncadd.s32 $0xFFFFF980  }
0x143: {  	[tilespmem:s31], [sflag:$0x8] =	stream.indirect.gather [hbm4b:s3+s15], $0x40, s11, s15, $0xb8;
	[tilespmem:$0x10400] =	vst v63  }
0x144: {  	s12 =	sadd.s32 $0x4000, s12;
	s16 =	simm.s32 $0x3400;
	s11 =	sadd.s32 $0x340, s11  }
.LBB2_5:
0x145: {  	_ =	sfence.sel $0x180000  }
0x146: {  	[bflag:$0x0] =	sbarrier.arrive $0xFFFF  }
0x147: {  	_ =	strace $0x90000047  }
0x148: {  	s0 =	stileid.u32;
	[bflag:$0x2] =	sbarrier.arrive $0xFFFF  }
0x149: {  	p0 =	sne.s32 s0, $0x0;
	s0 =	rddreg [dreg:$0x2]  }
0x14a: {  	s0 =	sadd.s32 @!p0 $0x100000, s0  }
0x14b: {  	[sflag:s0] =	ssyncadd.tile.s32 @!p0 $0x1;
	_ =	shalt  }
.Lfunc_end2:
_tile_overlayer_lowered:
.L_overlay_start_2:
0x14c: {  	(tag) =	ssettag $0x2  }
0x14d: {  	s0 =	rddreg [dreg:$0x0];
	s2 =	stileid.u32  }
0x14e: {  	s1 =	rddreg [dreg:$0x1];
	p0 =	sne.s32 s2, $0x0  }
0x14f: {  	s3 =	rddreg [dreg:$0x2];
	[bflag:$0x3] =	sbarrier.arrive $0xFFFF;
	s2 =	simm.s32 @!p0 $0x1C11  }
0x150: {  	[timem:s3], [sflag:s2] =	dma.local @!p0 [hbm:s0], s1  }
0x151: {  	s0 =	simm.s32 @!p0 $0x11  }
0x152: {  	_ =	swait.ge @!p0 [sflag:s0], s1  }
0x153: {  	s1 =	ssub.s32 @!p0 $0x0, s1;
	[sflag:s0] =	ssyncset.done @!p0 $0x0  }
0x154: {  	[sflag:s0] =	ssyncadd.s32 @!p0 s1  }
0x155: {  	[bflag:$0x3] =	sbarrier.arrive $0xFFFF  }
0x156: {  	_ =	shalt  }

// kernel: sparse-core-data-format-call.cloned.1.call-start
scs
called_computation_lowered:
.L_overlay_start_0:
0x0: {  	s2 =	sld [smem:$0x3FD9]  }
0x1: {  	s3 =	sld [smem:$0x3FFE];
	_ =	sdelay $0x1  }
0x2: {  	s1 =	srdreg.scid  }
0x3: {  	s0 =	sand.u32 $0x1, s1  }
0x4: {  	s18 =	sshll.u32 s0, $0xA;
	s2 =	sadd.s32 s3, s2  }
0x5: {  	s2 =	sadd.s32 s2, s18  }
0x6: {  	[smem:$0x3FC6] =	sst s2  }
0x7: {  	_ = 	snop  }
0x8: {  	s2 =	sld [smem:$0x3FD0];
	(tm) =	ssettm $0x1  }
0x9: {  	s19 =	sld [smem:$0x3FFB];
	_ =	sdelay $0x3  }
0xa: {  	_ =	strace s19  }
0xb: {  	s3 =	sld [smem:$0x3FFC];
	_ =	sdelay $0x3  }
0xc: {  	_ =	strace s3  }
0xd: {  	s3 =	sld [smem:$0x3FFD];
	_ =	sdelay $0x3  }
0xe: {  	_ =	strace s3  }
0xf: {  	_ =	strace $0x8FFFFFFF  }
0x10: {  	s20 =	sld [smem:$0x3FDB];
	_ =	sdelay $0x1  }
0x11: {  	s4 =	simm.s32 $_scs_section_size  }
0x12: {  	s5 =	simm.s32 $_size__tile_overlayer_lowered;
	s6 =	simm.s32 $_tile_overlayer_lowered  }
0x13: {  	s23 =	simm.s32 $0x1BFF;
	s22 =	sshll.u32 s6, $0x1;
	s3 =	sadd.s32 s4, s20  }
0x14: {  	s7 =	simm.s32 $0x0;
	s21 =	sshll.u32 s5, $0x1;
	s5 =	sadd.s32 s22, s3  }
0x15: {  	[timem:s7], [sflag:s23] =	dma.local [hbm:s5], s21  }
0x16: {  	_ =	swait.ge [sflag:s23], s21  }
0x17: {  	s4 =	ssub.s32 $0x0, s21;
	[sflag:s23] =	ssyncset.done $0x0  }
0x18: {  	[sflag:s23] =	ssyncadd.s32 s4;
	_ =	sdelay $0x1  }
0x19: {  	s24 =	simm.s32 $0x1B8B  }
0x1a: {  	_ =	swait.ge [sflag:s24], $0x1  }
0x1b: {  	[sflag:s24] =	ssyncset.done $0x0  }
0x1c: {  	s26 =	simm.s32 $0x1B8E;
	s25 =	sld [smem:$0x3FFE];
	[sflag:s24] =	ssyncadd.s32 $0xFFFFFFFF  }
0x1d: {  	s27 =	simm.s32 $execute0_lowered;
	[smem:$0x3FD2] =	sst s26  }
0x1e: {  	s5 =	sshll.u32 s27, $0x1;
	_ =	strace $0x80000049;
	[dreg:$0x1] =	wrdreg $0xFFFFFFFF  }
0x1f: {  	s28 =	simm.s32 $_size_execute0_lowered;
	s3 =	sadd.s32 s3, s5;
	[dreg:$0x0] =	wrdreg $0x0  }
0x20: {  	s5 =	sshll.u32 s28, $0x1;
	[dreg:$0x2] =	wrdreg s3  }
0x21: {  	[dreg:$0x3] =	wrdreg s5  }
0x22: {  	[dreg:$0x4] =	wrdreg $0xC0  }
0x23: {  	_ =	task [dreg:s7], $0x5FFFF  }
0x24: {  	[dreg:$0x1] =	wrdreg $0xFFFFFFFF  }
0x25: {  	[dreg:$0x0] =	wrdreg $0x60  }
0x26: {  	[dreg:$0x2] =	wrdreg s25  }
0x27: {  	[dreg:$0x3] =	wrdreg s2  }
0x28: {  	[dreg:$0x4] =	wrdreg $0x9  }
0x29: {  	_ =	task.clear_ibuf [dreg:s7], $0x5FFFF;
	_ =	strace $0x90000049  }
0x2a: {  	s29 =	simm.s32 $0x9;
	_ =	strace $0x8000004B  }
0x2b: {  	_ =	swait.ge [sflag:s29], $0x1  }
0x2c: {  	[sflag:s29] =	ssyncadd.s32 $0xFFFFFFFF  }
0x2d: {  	_ =	strace $0x9000004B  }
0x2e: {  	_ =	sfence  }
0x2f: {  	s30 =	sld [smem:$0x0];
	_ =	sdelay $0x2  }
0x30: {  	s31 =	sshll.u32 s1, $0xD;
	s1 =	sshrl.u32 s1, $0x2  }
0x31: {  	s3 =	sand.u32 $0x4000, s31;
	s1 =	sadd.s32 s1, s30  }
0x32: {  	s0 =	sor.u32 s3, s0;
	s1 =	sshll.u32 s1, $0x11  }
0x33: {  	s0 =	sor.u32 s1, s0  }
0x34: {  	s0 =	sadd.s32 $0x8F2B, s0  }
0x35: {  	[sflag:s0] =	ssyncadd.remote.s32 $0x1  }
0x36: {  	_ =	sfence.sel $0xFFFF  }
0x37: {  	[dreg:$0x0] =	wrdreg $0xFFFFFFFF;
	(pc) =	sbr.abs _section_cstart, $3  }
0x38: {  	[dreg:$0x1] =	wrdreg $0xFFFFFFFF  }
0x39: {  	_ =	task.clear_ibuf [dreg:s7], $0x2FFFF;
	_ =	strace $0x9FFFFFFF  }
0x3a: {  	(tm) =	ssettm $0x7FFFFFFF  }
0x3b: {  	_ =	shalt  }
tec
execute0_lowered:
.L_overlay_start_1:
0x0: {  	(tag) =	ssettag $0x1  }
0x1: {  	s0 =	srdreg.scid  }
0x2: {  	s1 =	sshll.u32 s0, $0x4  }
0x3: {  	s0 =	stileid.u32;
	s1 =	sand.u32 $0x10, s1  }
0x4: {  	s1 =	sor.u32 s0, s1  }
0x5: {  	s6 =	rddreg [dreg:$0x0];
	s4 =	simm.s32 $0x1;
	s2 =	sshll.u32 s1, $0x7  }
0x6: {  	s7 =	simm.s32 $0x2;
	s12 =	simm.s32 $0x0;
	s1 =	ssub.s32 $0x4000, s2  }
0x7: {  	s8 =	simm.s32 $0x20000;
	s13 =	simm.s32 $0x0;
	s3 =	sand.u32 $0xF80, s1  }
0x8: {  	s9 =	simm.s32 $0x0;
	s5 =	sshrl.u32 s1, $0xC;
	p0 =	sne.s32 s3, $0x0  }
.Ltmp0:
0x9: {  	s1 =	rddreg [dreg:$0x2];
	s4 =	simm.s32 @!p0 $0x0;
	(pc) =	sbr.rel .LBB1_1-.Ltmp0, $4  }
0xa: {  	s11 =	simm.s32 $0x0;
	s3 =	rddreg [dreg:$0x1];
	s5 =	sadd.s32 s4, s5  }
0xb: {  	_ =	strace $0x8000004A;
	s4 =	simm.s32 $0x1;
	s5 =	smul.u32 $0x1A, s5  }
0xc: {  	s6 =	sadd.s32 $0xA00, s6;
	s10 =	smov.u32 s2;
	[sflag:s4] =	ssyncpa.u1 $0x0  }
0xd: {  	p0 =	por $0x0, $0x0;
	[sflag:s7] =	ssyncpa.u1 $0x0;
	s7 =	sor.u32 $0x1, s5  }
.LBB1_4:
0xe: {  	s16 =	sshll.u32 s13, $0x3;
	s17 =	sand.u32 $0x78, s13  }
0xf: {  	s30 =	sand.u32 $0x1F800, s13;
	s12 =	sshll.u32 s12, $0x11;
	s16 =	sand.u32 $0x3C00, s16  }
0x10: {  	[tilespmem:s15+$0x810 ss:$0x81] =	vst.msk $0xffff, v2;
	s31 =	sand.u32 $0x7, s13;
	s16 =	sor.u32 s17, s16;
	s17 =	sadd.s32 s3, s30  }
0x11: {  	[tilespmem:s15+$0x1020 ss:$0x81] =	vst.msk $0xffff, v0;
	s13 =	sshll.u32 s31, $0x12;
	s12 =	sadd.s32 s12, s17;
	s16 =	sshrl.u32 s16, $0x3  }
0x12: {  	[tilespmem:s15+$0x0 ss:$0x81] =	vst.msk $0xffff, v1;
	s13 =	sor.u32 $0x400, s13;
	s12 =	sadd.s32 s16, s12  }
0x13: {  	[hbm4b:s12+s13] =	stream.strided.scatter [tilespmem:s14], [sflag:$0x2], $0x2000, s8, s13, $0x20;
	[tilespmem:$0x8080] =	vst v63  }
.LBB1_5:
0x14: {  	s14 =	sadd.s32 $0x1, s9  }
0x15: {  	s12 =	sadd.s32 $0x1000, s10;
	s16 =	smov.u32 s10;
	p2 =	sgt.s32 s14, $0x19  }
0x16: {  	s16 =	smov.u32 @p2 s12  }
0x17: {  	s14 =	simm.s32 @p2 $0x0;
	p2 =	sgt.s32 s16, $0x3FFF  }
0x18: {  	s16 =	smov.u32 @p2 s2;
	p2 =	sne.s32 s11, s7  }
.Ltmp1:
0x19: {  	p1 =	slt.u32 s11, $0x2;
	(pc) =	sbr.rel @!p2 .LBB1_6-.Ltmp1, $4  }
0x1a: {  	s15 =	simm.s32 @!p1 $0x2  }
0x1b: {  	s13 =	smov.u32 s10;
	p0 =	por !p0, !p0;
	_ =	swait.ge @!p1 [sflag:s15], $0x2000  }
0x1c: {  	s12 =	smov.u32 s9;
	[sflag:s15] =	ssyncset.done @!p1 $0x0;
	s9 =	smov.u32 s14  }
0x1d: {  	s11 =	sadd.s32 $0x1, s11;
	[sflag:s15] =	ssyncadd.s32 @!p1 $0xFFFFE000;
	s10 =	smov.u32 s16  }
.LBB1_1:
0x1e: {  	p1 =	sge.u32 s11, s5  }
0x1f: {  	s31 =	sadd.s32 $0xFFFFFFFF, s11;
	s14 =	sxor.u32 @!p1 $0xFFFFFFFF, s11  }
0x20: {  	s15 =	sshll.u32 @!p1 s10, $0x9;
	s16 =	sshll.u32 @!p1 s9, $0x4;
	s17 =	simm.s32 @!p1 $0x1000  }
0x21: {  	s14 =	sshll.u32 @!p1 s14, $0xD;
	s16 =	sand.u32 @!p1 $0x1F0, s16;
	s15 =	sadd.s32 @!p1 s6, s15  }
0x22: {  	s14 =	sand.u32 @!p1 $0x2000, s14;
	s15 =	sadd.s32 @!p1 s16, s15;
	s16 =	simm.s32 @!p1 $0x40  }
0x23: {  	[tilespmem:s14], [sflag:$0x1] =	stream.strided.gather @!p1 [hbm4b:s15+s16], $0x2000, s17, s16, $0x38;
	[tilespmem:$0x8080] =	vst v63  }
0x24: {  	p1 =	sge.u32 s31, s5  }
.Ltmp2:
0x25: {  	_ = 	snop;
	(pc) =	sbr.rel @p1 .LBB1_5-.Ltmp2, $1  }
0x26: {  	_ =	sdelay $0x3  }
0x27: {  	s14 =	simm.s32 $0x1  }
0x28: {  	_ =	swait.ge [sflag:s4], $0x2000;
	s14 =	simm.s32 @!p0 $0x0  }
0x29: {  	[sflag:s4] =	ssyncset.done $0x0;
	s15 =	sshll.u32 s14, $0xD  }
0x2a: {  	[sflag:s4] =	ssyncadd.s32 $0xFFFFE000;
	s18 =	sor.u32 $0x20, s15  }
0x2b: {  	s14 =	smul.u32 $0x8100, s14;
	v3 =	vld [tilespmem:s18+$0x10]  }
0x2c: {  	s30 =	sand.u32 $0x1, s11;
	v2 =	vld [tilespmem:s18+$0xFFFFFFF0]  }
0x2d: {  	s15 =	smul.u32 $0x8100, s30;
	s14 =	sshrl.u32 s14, $0x2;
	v0 =	vld [tilespmem:s18+$0x0]  }
0x2e: {  	v1 =	vld [tilespmem:s18+$0xFFFFFFE0];
	s16 =	sor.u32 $0x4000, s14  }
0x2f: {  	s31 =	sshrl.u32 s15, $0x2;
	s15 =	sadd.s32 $0x0, s16  }
0x30: {  	s17 =	simm.s32 $0x4;
	s18 =	sadd.s32 $0x40, s18;
	s14 =	sor.u32 $0x4000, s31;
	[tilespmem:s15+$0x1830 ss:$0x81] =	vst.msk $0xffff, v3  }
.LBB1_3:
0x31: {  	v3 =	vld [tilespmem:s18+$0x10];
	p1 =	sne.s32 s17, $0x1FC;
	[tilespmem:s15+$0x810 ss:$0x81] =	vst.msk $0xffff, v2;
	s19 =	smov.u32 s17;
	s17 =	sadd.s32 $0x4, s17  }
.Ltmp3:
0x32: {  	v2 =	vld [tilespmem:s18+$0xFFFFFFF0];
	[tilespmem:s15+$0x1020 ss:$0x81] =	vst.msk $0xffff, v0;
	(pc) =	sbr.rel @p1 .LBB1_3-.Ltmp3, $4  }
0x33: {  	v0 =	vld [tilespmem:s18+$0x0];
	[tilespmem:s15+$0x0 ss:$0x81] =	vst.msk $0xffff, v1  }
0x34: {  	s15 =	sshra.s32 s19, $0x2;
	v1 =	vld [tilespmem:s18+$0xFFFFFFE0]  }
0x35: {  	s15 =	sadd.s32 s15, s16  }
0x36: {  	s18 =	sadd.s32 $0x40, s18;
	[tilespmem:s15+$0x1830 ss:$0x81] =	vst.msk $0xffff, v3  }
.Ltmp4:
0x37: {  	_ = 	snop;
	(pc) =	sbr.rel .LBB1_4-.Ltmp4, $1  }
0x38: {  	_ =	sdelay $0x3  }
.LBB1_6:
0x39: {  	_ =	sfence.sel $0x180000  }
0x3a: {  	s2 =	simm.s32 $0x1;
	[bflag:$0x0] =	sbarrier.arrive $0xFFFF  }
0x3b: {  	s31 =	simm.s32 $0x2;
	[sflag:s2] =	ssyncpa.u1 $0x1  }
0x3c: {  	[sflag:s31] =	ssyncpa.u1 $0x1  }
0x3d: {  	p0 =	sne.s32 s0, $0x0;
	_ =	strace $0x9000004A  }
0x3e: {  	s0 =	sadd.s32 @!p0 $0x100000, s1;
	[bflag:$0x2] =	sbarrier.arrive $0xFFFF  }
0x3f: {  	[sflag:s0] =	ssyncadd.tile.s32 @!p0 $0x1;
	_ =	shalt  }
.Lfunc_end1:
_tile_overlayer_lowered:
.L_overlay_start_2:
0x40: {  	(tag) =	ssettag $0x2  }
0x41: {  	s0 =	rddreg [dreg:$0x0];
	s2 =	stileid.u32  }
0x42: {  	s1 =	rddreg [dreg:$0x1];
	p0 =	sne.s32 s2, $0x0  }
0x43: {  	s3 =	rddreg [dreg:$0x2];
	[bflag:$0x3] =	sbarrier.arrive $0xFFFF;
	s2 =	simm.s32 @!p0 $0x1C01  }
0x44: {  	[timem:s3], [sflag:s2] =	dma.local @!p0 [hbm:s0], s1  }
0x45: {  	s0 =	simm.s32 @!p0 $0x1  }
0x46: {  	_ =	swait.ge @!p0 [sflag:s0], s1  }
0x47: {  	s1 =	ssub.s32 @!p0 $0x0, s1;
	[sflag:s0] =	ssyncset.done @!p0 $0x0  }
0x48: {  	[sflag:s0] =	ssyncadd.s32 @!p0 s1  }
0x49: {  	[bflag:$0x3] =	sbarrier.arrive $0xFFFF  }
0x4a: {  	_ =	shalt  }

</sc_bundles>
